<compile_context>
chip_gen: v7x
topology: tpu7x:2x2x1
jax: 0.10.2.dev20260603
libtpu: 0.0.44.dev20260713+nightly
codegen_flags: <defaults>
</compile_context>

<pallas_src>
import functools

import jax
import jax.numpy as jnp
from jax import lax
from jax.experimental import pallas as pl
from jax.experimental.pallas import tpu as pltpu
from jax.experimental.pallas import tpu_sc as plsc

D = 64
L16 = 16
NV = D // L16
EPS = 1e-5

_info = plsc.get_sparse_core_info()
NC, NS = _info.num_cores, _info.num_subcores
NW = NC * NS

BG = 4


def _rsqrt_nr(x):
    i = lax.bitcast_convert_type(x, jnp.int32)
    i = jnp.int32(0x5F3759DF) - (i >> 1)
    y = lax.bitcast_convert_type(i, jnp.float32)
    for _ in range(3):
        y = y * (1.5 - 0.5 * x * y * y)
    return y


_GDN = lax.GatherDimensionNumbers(
    offset_dims=(), collapsed_slice_dims=(0,), start_index_map=(0,))


def _lane_allsum(v, perms):
    for p in perms:
        pv = lax.gather(v, p, _GDN, slice_sizes=(1,),
                        mode=lax.GatherScatterMode.PROMISE_IN_BOUNDS)
        v = v + pv
    return v


def _make_kernel(nb, h):
    assert nb % (NW * BG) == 0
    b_per_w = nb // NW
    n_groups = b_per_w // BG
    rows_pg = BG * h
    mesh = plsc.VectorSubcoreMesh(core_axis_name="c", subcore_axis_name="s")

    @functools.partial(
        pl.kernel,
        mesh=mesh,
        out_type=jax.ShapeDtypeStruct((nb, h, D), jnp.float32),
        scratch_types=[
            pltpu.VMEM((2, BG, h), jnp.int32),
            pltpu.VMEM((2, rows_pg, 2 * D), jnp.float32),
            pltpu.VMEM((BG, h, D), jnp.float32),
            pltpu.VMEM((D,), jnp.float32),
            pltpu.VMEM((D,), jnp.float32),
            pltpu.SemaphoreType.DMA,
            pltpu.SemaphoreType.DMA,
        ],
    )
    def emb_ln(x_hbm, w_hbm, lnw_hbm, lnb_hbm, out_hbm,
               idx_v, rows_v, out_v, lnw_v, lnb_v, sem0, sem1):
        wid = lax.axis_index("s") * NC + lax.axis_index("c")
        base = wid * b_per_w
        sems = [sem0, sem1]

        pltpu.sync_copy(lnw_hbm, lnw_v)
        pltpu.sync_copy(lnb_hbm, lnb_v)
        w_vecs = [lnw_v[pl.ds(k * L16, L16)] for k in range(NV)]
        b_vecs = [lnb_v[pl.ds(k * L16, L16)] for k in range(NV)]
        lane = lax.iota(jnp.int32, L16)
        perms = [(lane ^ (1 << b))[:, None] for b in range(4)]

        def fire(g, buf):
            b0 = jnp.minimum(base + g * BG, nb - BG)
            pltpu.sync_copy(x_hbm.at[pl.ds(b0, BG)], idx_v.at[buf])
            for j in range(BG):
                pltpu.async_copy(
                    w_hbm.at[idx_v.at[buf, j]],
                    rows_v.at[buf, pl.ds(j * h, h)], sems[buf])

        def process(g, buf):
            pltpu.make_async_copy(
                w_hbm.at[pl.ds(0, rows_pg)], rows_v.at[buf],
                sems[buf]).wait()

            @plsc.parallel_loop(0, rows_pg, unroll=8)
            def row_body(r):
                vs = [rows_v[buf, r, pl.ds(k * L16, L16)]
                      for k in range(NV)]
                s = vs[0] + vs[1] + vs[2] + vs[3]
                q = (vs[0] * vs[0] + vs[1] * vs[1]
                     + vs[2] * vs[2] + vs[3] * vs[3])
                mean = _lane_allsum(s, perms) * (1.0 / D)
                ex2 = _lane_allsum(q, perms) * (1.0 / D)
                rstd = _rsqrt_nr(ex2 - mean * mean + EPS)
                for k in range(NV):
                    out_v[r // h, r % h, pl.ds(k * L16, L16)] = (
                        (vs[k] - mean) * rstd * w_vecs[k] + b_vecs[k])

            b0 = pl.multiple_of(base + g * BG, BG)
            pltpu.sync_copy(out_v, out_hbm.at[pl.ds(b0, BG)])

        fire(0, 0)

        def pair_body(k, _):
            g0 = 2 * k
            fire(g0 + 1, 1)
            process(g0, 0)
            fire(g0 + 2, 0)
            process(g0 + 1, 1)
            return 0

        lax.fori_loop(0, n_groups // 2, pair_body, 0)
        pltpu.make_async_copy(
            w_hbm.at[pl.ds(0, rows_pg)], rows_v.at[0], sems[0]).wait()

    return emb_ln


VB = 7936


def _tpad_tc(wt_ref, out_ref):
    t = wt_ref[...].T
    out_ref[...] = jnp.concatenate(
        [t, jnp.zeros((VB, D), jnp.float32)], axis=1)


def _make_tpad(v):
    return pl.pallas_call(
        _tpad_tc,
        grid=((v + VB - 1) // VB,),
        in_specs=[pl.BlockSpec((D, VB), lambda i: (0, i))],
        out_specs=pl.BlockSpec((VB, 2 * D), lambda i: (i, 0)),
        out_shape=jax.ShapeDtypeStruct((v, 2 * D), jnp.float32),
    )


def kernel(x, weight, ln_weight, ln_bias):
    b, h = x.shape
    v, d = weight.shape
    wpad = _make_tpad(v)(weight.T)
    return _make_kernel(b, h)(x.astype(jnp.int32), wpad, ln_weight, ln_bias)

# --- scband reference (transcript-rebuilt; emitter-appended) ---
"""Pipeline reference for scband-frozen-stable-embedding-70471823393467 (READ-ONLY COPY).

The authoritative reference and input builder live on the scoring server;
editing this copy changes nothing except your own understanding.
"""

import jax, jax.numpy as jnp
import numpy as np

VOCAB = 1000000
EMBED_DIM = 64
BATCH = 16384
HIST = 50

def setup_inputs(seed: int = 0) -> dict:
    key = jax.random.key(seed)
    k1, k2 = jax.random.split(key)
    x = jax.random.randint(k1, (BATCH, HIST), 0, VOCAB, dtype=jnp.int64 if jax.config.jax_enable_x64 else jnp.int32)
    weight = jax.random.normal(k2, (VOCAB, EMBED_DIM), dtype=jnp.float32)
    ln_weight = jnp.ones((EMBED_DIM,), dtype=jnp.float32)
    ln_bias = jnp.zeros((EMBED_DIM,), dtype=jnp.float32)
    return {"x": x, "weight": weight, "ln_weight": ln_weight, "ln_bias": ln_bias}

def reference(x, weight, ln_weight, ln_bias):
    # F.embedding: gather rows from the (frozen) table
    emb = jnp.take(weight, x, axis=0)  # [B, L, D]
    # F.layer_norm over last dim, eps=1e-5 (torch default)
    mean = jnp.mean(emb, axis=-1, keepdims=True)
    var = jnp.mean(jnp.square(emb - mean), axis=-1, keepdims=True)
    normed = (emb - mean) / jnp.sqrt(var + 1e-5)
    out = normed * ln_weight + ln_bias
    return out

if __name__ == "__main__":
    import jax
    _d = setup_inputs()
    print(jax.jit(kernel)(*tuple(_d.values())))

</pallas_src>

<mosaic_0001>
#map = affine_map<(d0, d1) -> (0, 0)>
#map1 = affine_map<(d0, d1) -> (0)>
#map2 = affine_map<(d0, d1) -> (0, 0, 0)>
module attributes {stable_mosaic.version = 14 : i64} {
  func.func @emb_ln(%arg0: i32, %arg1: i32, %arg2: memref<16384x50xi32, #tpu.memory_space<hbm>>, %arg3: memref<1000000x128xf32, #tpu.memory_space<hbm>>, %arg4: memref<64xf32, #tpu.memory_space<hbm>>, %arg5: memref<64xf32, #tpu.memory_space<hbm>>, %arg6: memref<16384x50x64xf32, #tpu.memory_space<hbm>>, %arg7: memref<2x4x50xi32, #tpu.memory_space<vmem>>, %arg8: memref<2x200x128xf32, #tpu.memory_space<vmem>>, %arg9: memref<4x50x64xf32, #tpu.memory_space<vmem>>, %arg10: memref<64xf32, #tpu.memory_space<vmem>>, %arg11: memref<64xf32, #tpu.memory_space<vmem>>, %arg12: memref<!tpu.dma_semaphore, #tpu.memory_space<semaphore_mem>>, %arg13: memref<!tpu.dma_semaphore, #tpu.memory_space<semaphore_mem>>) attributes {dimension_semantics = [#tpu.dimension_semantics<core_parallel>, #tpu.dimension_semantics<subcore_parallel>], iteration_bounds = array<i64: 2, 16>, scalar_prefetch = 0 : i64, scratch_operands = 7 : i64, tpu.core_type = #tpu.core_type<sc_vector_subcore>, window_params = [{transform_indices = #map}, {transform_indices = #map}, {transform_indices = #map1}, {transform_indices = #map1}, {transform_indices = #map2}]} {
    %mul3A = arith.constant 2 : i32
    %mul3A_0 = arith.muli %arg1, %mul3A : i32
    %add3A = arith.addi %mul3A_0, %arg0 : i32
    %mul3A_1 = arith.constant 512 : i32
    %mul3A_2 = arith.muli %add3A, %mul3A_1 : i32
    "tpu.region"() ({
      %run_scoped3A_114 = tpu.sem_alloc : memref<!tpu.dma_semaphore, #tpu.memory_space<semaphore_mem>>
      tpu.enqueue_dma source(%arg4 : memref<64xf32, #tpu.memory_space<hbm>>) target(%arg10 : memref<64xf32, #tpu.memory_space<vmem>>) target_semaphore(%run_scoped3A_114 : memref<!tpu.dma_semaphore, #tpu.memory_space<semaphore_mem>>)
      tpu.wait_dma2 semaphore(%run_scoped3A_114 : memref<!tpu.dma_semaphore, #tpu.memory_space<semaphore_mem>>) src(%arg4 : memref<64xf32, #tpu.memory_space<hbm>>) dst(%arg10 : memref<64xf32, #tpu.memory_space<vmem>>)
      tpu.yield
    }) : () -> ()
    "tpu.region"() ({
      %run_scoped3A_114 = tpu.sem_alloc : memref<!tpu.dma_semaphore, #tpu.memory_space<semaphore_mem>>
      tpu.enqueue_dma source(%arg5 : memref<64xf32, #tpu.memory_space<hbm>>) target(%arg11 : memref<64xf32, #tpu.memory_space<vmem>>) target_semaphore(%run_scoped3A_114 : memref<!tpu.dma_semaphore, #tpu.memory_space<semaphore_mem>>)
      tpu.wait_dma2 semaphore(%run_scoped3A_114 : memref<!tpu.dma_semaphore, #tpu.memory_space<semaphore_mem>>) src(%arg5 : memref<64xf32, #tpu.memory_space<hbm>>) dst(%arg11 : memref<64xf32, #tpu.memory_space<vmem>>)
      tpu.yield
    }) : () -> ()
    %get3A = arith.constant 0 : index
    %get3A_3 = tpu.vector_load %arg10[%get3A] {strides = array<i32>} : memref<64xf32, #tpu.memory_space<vmem>>, vector<16xf32>,
    %get3A_4 = vector.shape_cast %get3A_3 : vector<16xf32> to vector<16xf32>
    %get3A_5 = arith.constant 16 : index
    %get3A_6 = tpu.vector_load %arg10[%get3A_5] {strides = array<i32>} : memref<64xf32, #tpu.memory_space<vmem>>, vector<16xf32>,
    %get3A_7 = vector.shape_cast %get3A_6 : vector<16xf32> to vector<16xf32>
    %get3A_8 = arith.constant 32 : index
    %get3A_9 = tpu.vector_load %arg10[%get3A_8] {strides = array<i32>} : memref<64xf32, #tpu.memory_space<vmem>>, vector<16xf32>,
    %get3A_10 = vector.shape_cast %get3A_9 : vector<16xf32> to vector<16xf32>
    %get3A_11 = arith.constant 48 : index
    %get3A_12 = tpu.vector_load %arg10[%get3A_11] {strides = array<i32>} : memref<64xf32, #tpu.memory_space<vmem>>, vector<16xf32>,
    %get3A_13 = vector.shape_cast %get3A_12 : vector<16xf32> to vector<16xf32>
    %get3A_14 = arith.constant 0 : index
    %get3A_15 = tpu.vector_load %arg11[%get3A_14] {strides = array<i32>} : memref<64xf32, #tpu.memory_space<vmem>>, vector<16xf32>,
    %get3A_16 = vector.shape_cast %get3A_15 : vector<16xf32> to vector<16xf32>
    %get3A_17 = arith.constant 16 : index
    %get3A_18 = tpu.vector_load %arg11[%get3A_17] {strides = array<i32>} : memref<64xf32, #tpu.memory_space<vmem>>, vector<16xf32>,
    %get3A_19 = vector.shape_cast %get3A_18 : vector<16xf32> to vector<16xf32>
    %get3A_20 = arith.constant 32 : index
    %get3A_21 = tpu.vector_load %arg11[%get3A_20] {strides = array<i32>} : memref<64xf32, #tpu.memory_space<vmem>>, vector<16xf32>,
    %get3A_22 = vector.shape_cast %get3A_21 : vector<16xf32> to vector<16xf32>
    %get3A_23 = arith.constant 48 : index
    %get3A_24 = tpu.vector_load %arg11[%get3A_23] {strides = array<i32>} : memref<64xf32, #tpu.memory_space<vmem>>, vector<16xf32>,
    %get3A_25 = vector.shape_cast %get3A_24 : vector<16xf32> to vector<16xf32>
    %iota3A = tpu.iota {dimensions = array<i32: 0>} : vector<16xi32>
    %xor3A = arith.constant 1 : i32
    %xor3A_26 = vector.broadcast %xor3A : i32 to vector<16xi32>
    %xor3A_27 = arith.xori %iota3A, %xor3A_26 : vector<16xi32>
    %broadcast_in_dim3A = vector.shape_cast %xor3A_27 : vector<16xi32> to vector<16x1xi32>
    %xor3A_28 = arith.constant 2 : i32
    %xor3A_29 = vector.broadcast %xor3A_28 : i32 to vector<16xi32>
    %xor3A_30 = arith.xori %iota3A, %xor3A_29 : vector<16xi32>
    %broadcast_in_dim3A_31 = vector.shape_cast %xor3A_30 : vector<16xi32> to vector<16x1xi32>
    %xor3A_32 = arith.constant 4 : i32
    %xor3A_33 = vector.broadcast %xor3A_32 : i32 to vector<16xi32>
    %xor3A_34 = arith.xori %iota3A, %xor3A_33 : vector<16xi32>
    %broadcast_in_dim3A_35 = vector.shape_cast %xor3A_34 : vector<16xi32> to vector<16x1xi32>
    %xor3A_36 = arith.constant 8 : i32
    %xor3A_37 = vector.broadcast %xor3A_36 : i32 to vector<16xi32>
    %xor3A_38 = arith.xori %iota3A, %xor3A_37 : vector<16xi32>
    %broadcast_in_dim3A_39 = vector.shape_cast %xor3A_38 : vector<16xi32> to vector<16x1xi32>
    %add3A_40 = arith.constant 0 : i32
    %add3A_41 = arith.addi %mul3A_2, %add3A_40 : i32
    %min3A = arith.constant 16380 : i32
    %min3A_42 = arith.minsi %add3A_41, %min3A : i32
    %run_scoped3A = arith.constant 0 : i32
    "tpu.region"() ({
      %run_scoped3A_114 = tpu.sem_alloc : memref<!tpu.dma_semaphore, #tpu.memory_space<semaphore_mem>>
      %dma_start3A_115 = arith.constant 0 : i32
      %dma_start3A_116 = arith.constant 0 : i32
      %dma_start3A_117 = tpu.memref_slice %arg7[%run_scoped3A, %dma_start3A_115, %dma_start3A_116] : memref<2x4x50xi32, #tpu.memory_space<vmem>> -> memref<1x4x50xi32, #tpu.memory_space<vmem>>
      %dma_start3A_118 = tpu.memref_squeeze %dma_start3A_117 : memref<1x4x50xi32, #tpu.memory_space<vmem>> -> memref<4x50xi32, #tpu.memory_space<vmem>>
      %dma_start3A_119 = arith.constant 0 : i32
      %dma_start3A_120 = tpu.memref_slice %arg2[%min3A_42, %dma_start3A_119] : memref<16384x50xi32, #tpu.memory_space<hbm>> -> memref<4x50xi32, #tpu.memory_space<hbm>>
      %dma_start3A_121 = arith.constant 0 : i32
      %dma_start3A_122 = arith.constant 0 : i32
      %dma_start3A_123 = tpu.memref_slice %arg7[%run_scoped3A, %dma_start3A_121, %dma_start3A_122] : memref<2x4x50xi32, #tpu.memory_space<vmem>> -> memref<1x4x50xi32, #tpu.memory_space<vmem>>
      %dma_start3A_124 = tpu.memref_squeeze %dma_start3A_123 : memref<1x4x50xi32, #tpu.memory_space<vmem>> -> memref<4x50xi32, #tpu.memory_space<vmem>>
      %dma_start3A_125 = arith.constant 0 : i32
      %dma_start3A_126 = tpu.memref_slice %arg2[%min3A_42, %dma_start3A_125] : memref<16384x50xi32, #tpu.memory_space<hbm>> -> memref<4x50xi32, #tpu.memory_space<hbm>>
      tpu.enqueue_dma source(%dma_start3A_126 : memref<4x50xi32, #tpu.memory_space<hbm>>) target(%dma_start3A_124 : memref<4x50xi32, #tpu.memory_space<vmem>>) target_semaphore(%run_scoped3A_114 : memref<!tpu.dma_semaphore, #tpu.memory_space<semaphore_mem>>)
      %dma_wait3A_127 = arith.constant 0 : i32
      %dma_wait3A_128 = arith.constant 0 : i32
      %dma_wait3A_129 = tpu.memref_slice %arg7[%run_scoped3A, %dma_wait3A_127, %dma_wait3A_128] : memref<2x4x50xi32, #tpu.memory_space<vmem>> -> memref<1x4x50xi32, #tpu.memory_space<vmem>>
      %dma_wait3A_130 = tpu.memref_squeeze %dma_wait3A_129 : memref<1x4x50xi32, #tpu.memory_space<vmem>> -> memref<4x50xi32, #tpu.memory_space<vmem>>
      %dma_wait3A_131 = arith.constant 0 : i32
      %dma_wait3A_132 = tpu.memref_slice %arg2[%min3A_42, %dma_wait3A_131] : memref<16384x50xi32, #tpu.memory_space<hbm>> -> memref<4x50xi32, #tpu.memory_space<hbm>>
      %dma_wait3A_133 = arith.constant 0 : i32
      %dma_wait3A_134 = arith.constant 0 : i32
      %dma_wait3A_135 = tpu.memref_slice %arg7[%run_scoped3A, %dma_wait3A_133, %dma_wait3A_134] : memref<2x4x50xi32, #tpu.memory_space<vmem>> -> memref<1x4x50xi32, #tpu.memory_space<vmem>>
      %dma_wait3A_136 = tpu.memref_squeeze %dma_wait3A_135 : memref<1x4x50xi32, #tpu.memory_space<vmem>> -> memref<4x50xi32, #tpu.memory_space<vmem>>
      %dma_wait3A_137 = arith.constant 0 : i32
      %dma_wait3A_138 = tpu.memref_slice %arg2[%min3A_42, %dma_wait3A_137] : memref<16384x50xi32, #tpu.memory_space<hbm>> -> memref<4x50xi32, #tpu.memory_space<hbm>>
      tpu.wait_dma2 semaphore(%run_scoped3A_114 : memref<!tpu.dma_semaphore, #tpu.memory_space<semaphore_mem>>) src(%dma_wait3A_138 : memref<4x50xi32, #tpu.memory_space<hbm>>) dst(%dma_wait3A_136 : memref<4x50xi32, #tpu.memory_space<vmem>>)
      tpu.yield
    }) : () -> ()
    %dma_start3A = arith.constant 0 : i32
    %dma_start3A_43 = arith.constant 0 : i32
    %dma_start3A_44 = arith.constant 0 : i32
    %dma_start3A_45 = arith.constant 0 : i32
    %dma_start3A_46 = arith.constant 0 : i32
    %dma_start3A_47 = tpu.memref_slice %arg8[%dma_start3A_44, %dma_start3A_45, %dma_start3A_46] : memref<2x200x128xf32, #tpu.memory_space<vmem>> -> memref<1x50x128xf32, #tpu.memory_space<vmem>>
    %dma_start3A_48 = tpu.memref_squeeze %dma_start3A_47 : memref<1x50x128xf32, #tpu.memory_space<vmem>> -> memref<50x128xf32, #tpu.memory_space<vmem>>
    %dma_start3A_49 = arith.constant 0 : i32
    %dma_start3A_50 = tpu.memref_slice %arg7[%dma_start3A, %dma_start3A_43, %dma_start3A_49] : memref<2x4x50xi32, #tpu.memory_space<vmem>> -> memref<1x1x50xi32, #tpu.memory_space<vmem>>
    %dma_start3A_51 = tpu.memref_squeeze %dma_start3A_50 : memref<1x1x50xi32, #tpu.memory_space<vmem>> -> memref<50xi32, #tpu.memory_space<vmem>>
    %dma_start3A_52 = arith.constant 0 : i32
    %dma_start3A_53 = arith.constant 0 : i32
    %dma_start3A_54 = tpu.memref_slice %arg3[%dma_start3A_52, %dma_start3A_53] : memref<1000000x128xf32, #tpu.memory_space<hbm>> -> memref<1000000x128xf32, #tpu.memory_space<hbm>>
    tpu.enqueue_indirect_dma source(%dma_start3A_54 : memref<1000000x128xf32, #tpu.memory_space<hbm>>) target(%dma_start3A_48 : memref<50x128xf32, #tpu.memory_space<vmem>>) offsets(%dma_start3A_51 : memref<50xi32, #tpu.memory_space<vmem>>) semaphore(%arg12 : memref<!tpu.dma_semaphore, #tpu.memory_space<semaphore_mem>>)
    %dma_start3A_55 = arith.constant 0 : i32
    %dma_start3A_56 = arith.constant 1 : i32
    %dma_start3A_57 = arith.constant 0 : i32
    %dma_start3A_58 = arith.constant 50 : i32
    %dma_start3A_59 = arith.constant 0 : i32
    %dma_start3A_60 = tpu.memref_slice %arg8[%dma_start3A_57, %dma_start3A_58, %dma_start3A_59] : memref<2x200x128xf32, #tpu.memory_space<vmem>> -> memref<1x50x128xf32, #tpu.memory_space<vmem>>
    %dma_start3A_61 = tpu.memref_squeeze %dma_start3A_60 : memref<1x50x128xf32, #tpu.memory_space<vmem>> -> memref<50x128xf32, #tpu.memory_space<vmem>>
    %dma_start3A_62 = arith.constant 0 : i32
    %dma_start3A_63 = tpu.memref_slice %arg7[%dma_start3A_55, %dma_start3A_56, %dma_start3A_62] : memref<2x4x50xi32, #tpu.memory_space<vmem>> -> memref<1x1x50xi32, #tpu.memory_space<vmem>>
    %dma_start3A_64 = tpu.memref_squeeze %dma_start3A_63 : memref<1x1x50xi32, #tpu.memory_space<vmem>> -> memref<50xi32, #tpu.memory_space<vmem>>
    %dma_start3A_65 = arith.constant 0 : i32
    %dma_start3A_66 = arith.constant 0 : i32
    %dma_start3A_67 = tpu.memref_slice %arg3[%dma_start3A_65, %dma_start3A_66] : memref<1000000x128xf32, #tpu.memory_space<hbm>> -> memref<1000000x128xf32, #tpu.memory_space<hbm>>
    tpu.enqueue_indirect_dma source(%dma_start3A_67 : memref<1000000x128xf32, #tpu.memory_space<hbm>>) target(%dma_start3A_61 : memref<50x128xf32, #tpu.memory_space<vmem>>) offsets(%dma_start3A_64 : memref<50xi32, #tpu.memory_space<vmem>>) semaphore(%arg12 : memref<!tpu.dma_semaphore, #tpu.memory_space<semaphore_mem>>)
    %dma_start3A_68 = arith.constant 0 : i32
    %dma_start3A_69 = arith.constant 2 : i32
    %dma_start3A_70 = arith.constant 0 : i32
    %dma_start3A_71 = arith.constant 100 : i32
    %dma_start3A_72 = arith.constant 0 : i32
    %dma_start3A_73 = tpu.memref_slice %arg8[%dma_start3A_70, %dma_start3A_71, %dma_start3A_72] : memref<2x200x128xf32, #tpu.memory_space<vmem>> -> memref<1x50x128xf32, #tpu.memory_space<vmem>>
    %dma_start3A_74 = tpu.memref_squeeze %dma_start3A_73 : memref<1x50x128xf32, #tpu.memory_space<vmem>> -> memref<50x128xf32, #tpu.memory_space<vmem>>
    %dma_start3A_75 = arith.constant 0 : i32
    %dma_start3A_76 = tpu.memref_slice %arg7[%dma_start3A_68, %dma_start3A_69, %dma_start3A_75] : memref<2x4x50xi32, #tpu.memory_space<vmem>> -> memref<1x1x50xi32, #tpu.memory_space<vmem>>
    %dma_start3A_77 = tpu.memref_squeeze %dma_start3A_76 : memref<1x1x50xi32, #tpu.memory_space<vmem>> -> memref<50xi32, #tpu.memory_space<vmem>>
    %dma_start3A_78 = arith.constant 0 : i32
    %dma_start3A_79 = arith.constant 0 : i32
    %dma_start3A_80 = tpu.memref_slice %arg3[%dma_start3A_78, %dma_start3A_79] : memref<1000000x128xf32, #tpu.memory_space<hbm>> -> memref<1000000x128xf32, #tpu.memory_space<hbm>>
    tpu.enqueue_indirect_dma source(%dma_start3A_80 : memref<1000000x128xf32, #tpu.memory_space<hbm>>) target(%dma_start3A_74 : memref<50x128xf32, #tpu.memory_space<vmem>>) offsets(%dma_start3A_77 : memref<50xi32, #tpu.memory_space<vmem>>) semaphore(%arg12 : memref<!tpu.dma_semaphore, #tpu.memory_space<semaphore_mem>>)
    %dma_start3A_81 = arith.constant 0 : i32
    %dma_start3A_82 = arith.constant 3 : i32
    %dma_start3A_83 = arith.constant 0 : i32
    %dma_start3A_84 = arith.constant 150 : i32
    %dma_start3A_85 = arith.constant 0 : i32
    %dma_start3A_86 = tpu.memref_slice %arg8[%dma_start3A_83, %dma_start3A_84, %dma_start3A_85] : memref<2x200x128xf32, #tpu.memory_space<vmem>> -> memref<1x50x128xf32, #tpu.memory_space<vmem>>
    %dma_start3A_87 = tpu.memref_squeeze %dma_start3A_86 : memref<1x50x128xf32, #tpu.memory_space<vmem>> -> memref<50x128xf32, #tpu.memory_space<vmem>>
    %dma_start3A_88 = arith.constant 0 : i32
    %dma_start3A_89 = tpu.memref_slice %arg7[%dma_start3A_81, %dma_start3A_82, %dma_start3A_88] : memref<2x4x50xi32, #tpu.memory_space<vmem>> -> memref<1x1x50xi32, #tpu.memory_space<vmem>>
    %dma_start3A_90 = tpu.memref_squeeze %dma_start3A_89 : memref<1x1x50xi32, #tpu.memory_space<vmem>> -> memref<50xi32, #tpu.memory_space<vmem>>
    %dma_start3A_91 = arith.constant 0 : i32
    %dma_start3A_92 = arith.constant 0 : i32
    %dma_start3A_93 = tpu.memref_slice %arg3[%dma_start3A_91, %dma_start3A_92] : memref<1000000x128xf32, #tpu.memory_space<hbm>> -> memref<1000000x128xf32, #tpu.memory_space<hbm>>
    tpu.enqueue_indirect_dma source(%dma_start3A_93 : memref<1000000x128xf32, #tpu.memory_space<hbm>>) target(%dma_start3A_87 : memref<50x128xf32, #tpu.memory_space<vmem>>) offsets(%dma_start3A_90 : memref<50xi32, #tpu.memory_space<vmem>>) semaphore(%arg12 : memref<!tpu.dma_semaphore, #tpu.memory_space<semaphore_mem>>)
    %scan3A = arith.constant 0 : i32
    %scan3A_94 = arith.constant 0 : i32
    %scan3A_95 = arith.constant 64 : i32
    %scan3A_96 = arith.addi %scan3A_94, %scan3A_95 : i32
    %scan3A_97 = arith.constant 1 : i32
    %scan3A_98 = scf.for %scan3A_114 = %scan3A_94 to %scan3A_96 step %scan3A_97 iter_args(%scan3A_115 = %scan3A) -> (i32)  : i32 {
      %mul3A_116 = arith.constant 2 : i32
      %mul3A_117 = arith.muli %mul3A_116, %scan3A_114 : i32
      %add3A_118 = arith.constant 1 : i32
      %add3A_119 = arith.addi %mul3A_117, %add3A_118 : i32
      %mul3A_120 = arith.constant 4 : i32
      %mul3A_121 = arith.muli %add3A_119, %mul3A_120 : i32
      %add3A_122 = arith.addi %mul3A_2, %mul3A_121 : i32
      %min3A_123 = arith.constant 16380 : i32
      %min3A_124 = arith.minsi %add3A_122, %min3A_123 : i32
      %run_scoped3A_125 = arith.constant 1 : i32
      "tpu.region"() ({
        %run_scoped3A_283 = tpu.sem_alloc : memref<!tpu.dma_semaphore, #tpu.memory_space<semaphore_mem>>
        %dma_start3A_284 = arith.constant 0 : i32
        %dma_start3A_285 = arith.constant 0 : i32
        %dma_start3A_286 = tpu.memref_slice %arg7[%run_scoped3A_125, %dma_start3A_284, %dma_start3A_285] : memref<2x4x50xi32, #tpu.memory_space<vmem>> -> memref<1x4x50xi32, #tpu.memory_space<vmem>>
        %dma_start3A_287 = tpu.memref_squeeze %dma_start3A_286 : memref<1x4x50xi32, #tpu.memory_space<vmem>> -> memref<4x50xi32, #tpu.memory_space<vmem>>
        %dma_start3A_288 = arith.constant 0 : i32
        %dma_start3A_289 = tpu.memref_slice %arg2[%min3A_124, %dma_start3A_288] : memref<16384x50xi32, #tpu.memory_space<hbm>> -> memref<4x50xi32, #tpu.memory_space<hbm>>
        %dma_start3A_290 = arith.constant 0 : i32
        %dma_start3A_291 = arith.constant 0 : i32
        %dma_start3A_292 = tpu.memref_slice %arg7[%run_scoped3A_125, %dma_start3A_290, %dma_start3A_291] : memref<2x4x50xi32, #tpu.memory_space<vmem>> -> memref<1x4x50xi32, #tpu.memory_space<vmem>>
        %dma_start3A_293 = tpu.memref_squeeze %dma_start3A_292 : memref<1x4x50xi32, #tpu.memory_space<vmem>> -> memref<4x50xi32, #tpu.memory_space<vmem>>
        %dma_start3A_294 = arith.constant 0 : i32
        %dma_start3A_295 = tpu.memref_slice %arg2[%min3A_124, %dma_start3A_294] : memref<16384x50xi32, #tpu.memory_space<hbm>> -> memref<4x50xi32, #tpu.memory_space<hbm>>
        tpu.enqueue_dma source(%dma_start3A_295 : memref<4x50xi32, #tpu.memory_space<hbm>>) target(%dma_start3A_293 : memref<4x50xi32, #tpu.memory_space<vmem>>) target_semaphore(%run_scoped3A_283 : memref<!tpu.dma_semaphore, #tpu.memory_space<semaphore_mem>>)
        %dma_wait3A_296 = arith.constant 0 : i32
        %dma_wait3A_297 = arith.constant 0 : i32
        %dma_wait3A_298 = tpu.memref_slice %arg7[%run_scoped3A_125, %dma_wait3A_296, %dma_wait3A_297] : memref<2x4x50xi32, #tpu.memory_space<vmem>> -> memref<1x4x50xi32, #tpu.memory_space<vmem>>
        %dma_wait3A_299 = tpu.memref_squeeze %dma_wait3A_298 : memref<1x4x50xi32, #tpu.memory_space<vmem>> -> memref<4x50xi32, #tpu.memory_space<vmem>>
        %dma_wait3A_300 = arith.constant 0 : i32
        %dma_wait3A_301 = tpu.memref_slice %arg2[%min3A_124, %dma_wait3A_300] : memref<16384x50xi32, #tpu.memory_space<hbm>> -> memref<4x50xi32, #tpu.memory_space<hbm>>
        %dma_wait3A_302 = arith.constant 0 : i32
        %dma_wait3A_303 = arith.constant 0 : i32
        %dma_wait3A_304 = tpu.memref_slice %arg7[%run_scoped3A_125, %dma_wait3A_302, %dma_wait3A_303] : memref<2x4x50xi32, #tpu.memory_space<vmem>> -> memref<1x4x50xi32, #tpu.memory_space<vmem>>
        %dma_wait3A_305 = tpu.memref_squeeze %dma_wait3A_304 : memref<1x4x50xi32, #tpu.memory_space<vmem>> -> memref<4x50xi32, #tpu.memory_space<vmem>>
        %dma_wait3A_306 = arith.constant 0 : i32
        %dma_wait3A_307 = tpu.memref_slice %arg2[%min3A_124, %dma_wait3A_306] : memref<16384x50xi32, #tpu.memory_space<hbm>> -> memref<4x50xi32, #tpu.memory_space<hbm>>
        tpu.wait_dma2 semaphore(%run_scoped3A_283 : memref<!tpu.dma_semaphore, #tpu.memory_space<semaphore_mem>>) src(%dma_wait3A_307 : memref<4x50xi32, #tpu.memory_space<hbm>>) dst(%dma_wait3A_305 : memref<4x50xi32, #tpu.memory_space<vmem>>)
        tpu.yield
      }) : () -> ()
      %dma_start3A_126 = arith.constant 1 : i32
      %dma_start3A_127 = arith.constant 0 : i32
      %dma_start3A_128 = arith.constant 1 : i32
      %dma_start3A_129 = arith.constant 0 : i32
      %dma_start3A_130 = arith.constant 0 : i32
      %dma_start3A_131 = tpu.memref_slice %arg8[%dma_start3A_128, %dma_start3A_129, %dma_start3A_130] : memref<2x200x128xf32, #tpu.memory_space<vmem>> -> memref<1x50x128xf32, #tpu.memory_space<vmem>>
      %dma_start3A_132 = tpu.memref_squeeze %dma_start3A_131 : memref<1x50x128xf32, #tpu.memory_space<vmem>> -> memref<50x128xf32, #tpu.memory_space<vmem>>
      %dma_start3A_133 = arith.constant 0 : i32
      %dma_start3A_134 = tpu.memref_slice %arg7[%dma_start3A_126, %dma_start3A_127, %dma_start3A_133] : memref<2x4x50xi32, #tpu.memory_space<vmem>> -> memref<1x1x50xi32, #tpu.memory_space<vmem>>
      %dma_start3A_135 = tpu.memref_squeeze %dma_start3A_134 : memref<1x1x50xi32, #tpu.memory_space<vmem>> -> memref<50xi32, #tpu.memory_space<vmem>>
      %dma_start3A_136 = arith.constant 0 : i32
      %dma_start3A_137 = arith.constant 0 : i32
      %dma_start3A_138 = tpu.memref_slice %arg3[%dma_start3A_136, %dma_start3A_137] : memref<1000000x128xf32, #tpu.memory_space<hbm>> -> memref<1000000x128xf32, #tpu.memory_space<hbm>>
      tpu.enqueue_indirect_dma source(%dma_start3A_138 : memref<1000000x128xf32, #tpu.memory_space<hbm>>) target(%dma_start3A_132 : memref<50x128xf32, #tpu.memory_space<vmem>>) offsets(%dma_start3A_135 : memref<50xi32, #tpu.memory_space<vmem>>) semaphore(%arg13 : memref<!tpu.dma_semaphore, #tpu.memory_space<semaphore_mem>>)
      %dma_start3A_139 = arith.constant 1 : i32
      %dma_start3A_140 = arith.constant 1 : i32
      %dma_start3A_141 = arith.constant 1 : i32
      %dma_start3A_142 = arith.constant 50 : i32
      %dma_start3A_143 = arith.constant 0 : i32
      %dma_start3A_144 = tpu.memref_slice %arg8[%dma_start3A_141, %dma_start3A_142, %dma_start3A_143] : memref<2x200x128xf32, #tpu.memory_space<vmem>> -> memref<1x50x128xf32, #tpu.memory_space<vmem>>
      %dma_start3A_145 = tpu.memref_squeeze %dma_start3A_144 : memref<1x50x128xf32, #tpu.memory_space<vmem>> -> memref<50x128xf32, #tpu.memory_space<vmem>>
      %dma_start3A_146 = arith.constant 0 : i32
      %dma_start3A_147 = tpu.memref_slice %arg7[%dma_start3A_139, %dma_start3A_140, %dma_start3A_146] : memref<2x4x50xi32, #tpu.memory_space<vmem>> -> memref<1x1x50xi32, #tpu.memory_space<vmem>>
      %dma_start3A_148 = tpu.memref_squeeze %dma_start3A_147 : memref<1x1x50xi32, #tpu.memory_space<vmem>> -> memref<50xi32, #tpu.memory_space<vmem>>
      %dma_start3A_149 = arith.constant 0 : i32
      %dma_start3A_150 = arith.constant 0 : i32
      %dma_start3A_151 = tpu.memref_slice %arg3[%dma_start3A_149, %dma_start3A_150] : memref<1000000x128xf32, #tpu.memory_space<hbm>> -> memref<1000000x128xf32, #tpu.memory_space<hbm>>
      tpu.enqueue_indirect_dma source(%dma_start3A_151 : memref<1000000x128xf32, #tpu.memory_space<hbm>>) target(%dma_start3A_145 : memref<50x128xf32, #tpu.memory_space<vmem>>) offsets(%dma_start3A_148 : memref<50xi32, #tpu.memory_space<vmem>>) semaphore(%arg13 : memref<!tpu.dma_semaphore, #tpu.memory_space<semaphore_mem>>)
      %dma_start3A_152 = arith.constant 1 : i32
      %dma_start3A_153 = arith.constant 2 : i32
      %dma_start3A_154 = arith.constant 1 : i32
      %dma_start3A_155 = arith.constant 100 : i32
      %dma_start3A_156 = arith.constant 0 : i32
      %dma_start3A_157 = tpu.memref_slice %arg8[%dma_start3A_154, %dma_start3A_155, %dma_start3A_156] : memref<2x200x128xf32, #tpu.memory_space<vmem>> -> memref<1x50x128xf32, #tpu.memory_space<vmem>>
      %dma_start3A_158 = tpu.memref_squeeze %dma_start3A_157 : memref<1x50x128xf32, #tpu.memory_space<vmem>> -> memref<50x128xf32, #tpu.memory_space<vmem>>
      %dma_start3A_159 = arith.constant 0 : i32
      %dma_start3A_160 = tpu.memref_slice %arg7[%dma_start3A_152, %dma_start3A_153, %dma_start3A_159] : memref<2x4x50xi32, #tpu.memory_space<vmem>> -> memref<1x1x50xi32, #tpu.memory_space<vmem>>
      %dma_start3A_161 = tpu.memref_squeeze %dma_start3A_160 : memref<1x1x50xi32, #tpu.memory_space<vmem>> -> memref<50xi32, #tpu.memory_space<vmem>>
      %dma_start3A_162 = arith.constant 0 : i32
      %dma_start3A_163 = arith.constant 0 : i32
      %dma_start3A_164 = tpu.memref_slice %arg3[%dma_start3A_162, %dma_start3A_163] : memref<1000000x128xf32, #tpu.memory_space<hbm>> -> memref<1000000x128xf32, #tpu.memory_space<hbm>>
      tpu.enqueue_indirect_dma source(%dma_start3A_164 : memref<1000000x128xf32, #tpu.memory_space<hbm>>) target(%dma_start3A_158 : memref<50x128xf32, #tpu.memory_space<vmem>>) offsets(%dma_start3A_161 : memref<50xi32, #tpu.memory_space<vmem>>) semaphore(%arg13 : memref<!tpu.dma_semaphore, #tpu.memory_space<semaphore_mem>>)
      %dma_start3A_165 = arith.constant 1 : i32
      %dma_start3A_166 = arith.constant 3 : i32
      %dma_start3A_167 = arith.constant 1 : i32
      %dma_start3A_168 = arith.constant 150 : i32
      %dma_start3A_169 = arith.constant 0 : i32
      %dma_start3A_170 = tpu.memref_slice %arg8[%dma_start3A_167, %dma_start3A_168, %dma_start3A_169] : memref<2x200x128xf32, #tpu.memory_space<vmem>> -> memref<1x50x128xf32, #tpu.memory_space<vmem>>
      %dma_start3A_171 = tpu.memref_squeeze %dma_start3A_170 : memref<1x50x128xf32, #tpu.memory_space<vmem>> -> memref<50x128xf32, #tpu.memory_space<vmem>>
      %dma_start3A_172 = arith.constant 0 : i32
      %dma_start3A_173 = tpu.memref_slice %arg7[%dma_start3A_165, %dma_start3A_166, %dma_start3A_172] : memref<2x4x50xi32, #tpu.memory_space<vmem>> -> memref<1x1x50xi32, #tpu.memory_space<vmem>>
      %dma_start3A_174 = tpu.memref_squeeze %dma_start3A_173 : memref<1x1x50xi32, #tpu.memory_space<vmem>> -> memref<50xi32, #tpu.memory_space<vmem>>
      %dma_start3A_175 = arith.constant 0 : i32
      %dma_start3A_176 = arith.constant 0 : i32
      %dma_start3A_177 = tpu.memref_slice %arg3[%dma_start3A_175, %dma_start3A_176] : memref<1000000x128xf32, #tpu.memory_space<hbm>> -> memref<1000000x128xf32, #tpu.memory_space<hbm>>
      tpu.enqueue_indirect_dma source(%dma_start3A_177 : memref<1000000x128xf32, #tpu.memory_space<hbm>>) target(%dma_start3A_171 : memref<50x128xf32, #tpu.memory_space<vmem>>) offsets(%dma_start3A_174 : memref<50xi32, #tpu.memory_space<vmem>>) semaphore(%arg13 : memref<!tpu.dma_semaphore, #tpu.memory_space<semaphore_mem>>)
      %dma_wait3A_178 = arith.constant 0 : i32
      %dma_wait3A_179 = arith.constant 0 : i32
      %dma_wait3A_180 = arith.constant 0 : i32
      %dma_wait3A_181 = tpu.memref_slice %arg8[%dma_wait3A_178, %dma_wait3A_179, %dma_wait3A_180] : memref<2x200x128xf32, #tpu.memory_space<vmem>> -> memref<1x200x128xf32, #tpu.memory_space<vmem>>
      %dma_wait3A_182 = tpu.memref_squeeze %dma_wait3A_181 : memref<1x200x128xf32, #tpu.memory_space<vmem>> -> memref<200x128xf32, #tpu.memory_space<vmem>>
      %dma_wait3A_183 = arith.constant 0 : i32
      %dma_wait3A_184 = arith.constant 0 : i32
      %dma_wait3A_185 = tpu.memref_slice %arg3[%dma_wait3A_183, %dma_wait3A_184] : memref<1000000x128xf32, #tpu.memory_space<hbm>> -> memref<200x128xf32, #tpu.memory_space<hbm>>
      %dma_wait3A_186 = arith.constant 0 : i32
      %dma_wait3A_187 = arith.constant 0 : i32
      %dma_wait3A_188 = tpu.memref_slice %arg8[%dma_wait3A_178, %dma_wait3A_186, %dma_wait3A_187] : memref<2x200x128xf32, #tpu.memory_space<vmem>> -> memref<1x200x128xf32, #tpu.memory_space<vmem>>
      %dma_wait3A_189 = tpu.memref_squeeze %dma_wait3A_188 : memref<1x200x128xf32, #tpu.memory_space<vmem>> -> memref<200x128xf32, #tpu.memory_space<vmem>>
      %dma_wait3A_190 = arith.constant 0 : i32
      %dma_wait3A_191 = arith.constant 0 : i32
      %dma_wait3A_192 = tpu.memref_slice %arg3[%dma_wait3A_190, %dma_wait3A_191] : memref<1000000x128xf32, #tpu.memory_space<hbm>> -> memref<200x128xf32, #tpu.memory_space<hbm>>
      tpu.wait_dma2 semaphore(%arg12 : memref<!tpu.dma_semaphore, #tpu.memory_space<semaphore_mem>>) src(%dma_wait3A_192 : memref<200x128xf32, #tpu.memory_space<hbm>>) dst(%dma_wait3A_189 : memref<200x128xf32, #tpu.memory_space<vmem>>)
      %parallel_loop3A = arith.constant 0 : i32
      %parallel_loop3A_193 = arith.constant 200 : i32
      %parallel_loop3A_194 = arith.constant 1 : i32
      scf.for %parallel_loop3A_283 = %parallel_loop3A to %parallel_loop3A_193 step %parallel_loop3A_194  : i32 {
        %parallel_loop3A_284 = arith.constant 0 : i32
        %parallel_loop3A_285 = arith.index_cast %parallel_loop3A_284 : i32 to index
        %parallel_loop3A_286 = arith.index_cast %parallel_loop3A_283 : i32 to index
        %parallel_loop3A_287 = arith.constant 0 : index
        %parallel_loop3A_288 = tpu.vector_load %arg8[%parallel_loop3A_285, %parallel_loop3A_286, %parallel_loop3A_287] {strides = array<i32>} : memref<2x200x128xf32, #tpu.memory_space<vmem>>, vector<1x1x16xf32>,
        %parallel_loop3A_289 = vector.shape_cast %parallel_loop3A_288 : vector<1x1x16xf32> to vector<16xf32>
        %parallel_loop3A_290 = arith.constant 0 : i32
        %parallel_loop3A_291 = arith.index_cast %parallel_loop3A_290 : i32 to index
        %parallel_loop3A_292 = arith.index_cast %parallel_loop3A_283 : i32 to index
        %parallel_loop3A_293 = arith.constant 16 : index
        %parallel_loop3A_294 = tpu.vector_load %arg8[%parallel_loop3A_291, %parallel_loop3A_292, %parallel_loop3A_293] {strides = array<i32>} : memref<2x200x128xf32, #tpu.memory_space<vmem>>, vector<1x1x16xf32>,
        %parallel_loop3A_295 = vector.shape_cast %parallel_loop3A_294 : vector<1x1x16xf32> to vector<16xf32>
        %parallel_loop3A_296 = arith.constant 0 : i32
        %parallel_loop3A_297 = arith.index_cast %parallel_loop3A_296 : i32 to index
        %parallel_loop3A_298 = arith.index_cast %parallel_loop3A_283 : i32 to index
        %parallel_loop3A_299 = arith.constant 32 : index
        %parallel_loop3A_300 = tpu.vector_load %arg8[%parallel_loop3A_297, %parallel_loop3A_298, %parallel_loop3A_299] {strides = array<i32>} : memref<2x200x128xf32, #tpu.memory_space<vmem>>, vector<1x1x16xf32>,
        %parallel_loop3A_301 = vector.shape_cast %parallel_loop3A_300 : vector<1x1x16xf32> to vector<16xf32>
        %parallel_loop3A_302 = arith.constant 0 : i32
        %parallel_loop3A_303 = arith.index_cast %parallel_loop3A_302 : i32 to index
        %parallel_loop3A_304 = arith.index_cast %parallel_loop3A_283 : i32 to index
        %parallel_loop3A_305 = arith.constant 48 : index
        %parallel_loop3A_306 = tpu.vector_load %arg8[%parallel_loop3A_303, %parallel_loop3A_304, %parallel_loop3A_305] {strides = array<i32>} : memref<2x200x128xf32, #tpu.memory_space<vmem>>, vector<1x1x16xf32>,
        %parallel_loop3A_307 = vector.shape_cast %parallel_loop3A_306 : vector<1x1x16xf32> to vector<16xf32>
        %parallel_loop3A_308 = arith.addf %parallel_loop3A_289, %parallel_loop3A_295 : vector<16xf32>
        %parallel_loop3A_309 = arith.addf %parallel_loop3A_308, %parallel_loop3A_301 : vector<16xf32>
        %parallel_loop3A_310 = arith.addf %parallel_loop3A_309, %parallel_loop3A_307 : vector<16xf32>
        %parallel_loop3A_311 = arith.mulf %parallel_loop3A_289, %parallel_loop3A_289 : vector<16xf32>
        %parallel_loop3A_312 = arith.mulf %parallel_loop3A_295, %parallel_loop3A_295 : vector<16xf32>
        %parallel_loop3A_313 = arith.addf %parallel_loop3A_311, %parallel_loop3A_312 : vector<16xf32>
        %parallel_loop3A_314 = arith.mulf %parallel_loop3A_301, %parallel_loop3A_301 : vector<16xf32>
        %parallel_loop3A_315 = arith.addf %parallel_loop3A_313, %parallel_loop3A_314 : vector<16xf32>
        %parallel_loop3A_316 = arith.mulf %parallel_loop3A_307, %parallel_loop3A_307 : vector<16xf32>
        %parallel_loop3A_317 = arith.addf %parallel_loop3A_315, %parallel_loop3A_316 : vector<16xf32>
        %parallel_loop3A_318 = vector.shape_cast %broadcast_in_dim3A : vector<16x1xi32> to vector<16xi32>
        %parallel_loop3A_319 = tpu.dynamic_gather %parallel_loop3A_310[%parallel_loop3A_318] in [0] : vector<16xf32>, vector<16xi32> -> vector<16xf32>
        %parallel_loop3A_320 = arith.addf %parallel_loop3A_310, %parallel_loop3A_319 : vector<16xf32>
        %parallel_loop3A_321 = vector.shape_cast %broadcast_in_dim3A_31 : vector<16x1xi32> to vector<16xi32>
        %parallel_loop3A_322 = tpu.dynamic_gather %parallel_loop3A_320[%parallel_loop3A_321] in [0] : vector<16xf32>, vector<16xi32> -> vector<16xf32>
        %parallel_loop3A_323 = arith.addf %parallel_loop3A_320, %parallel_loop3A_322 : vector<16xf32>
        %parallel_loop3A_324 = vector.shape_cast %broadcast_in_dim3A_35 : vector<16x1xi32> to vector<16xi32>
        %parallel_loop3A_325 = tpu.dynamic_gather %parallel_loop3A_323[%parallel_loop3A_324] in [0] : vector<16xf32>, vector<16xi32> -> vector<16xf32>
        %parallel_loop3A_326 = arith.addf %parallel_loop3A_323, %parallel_loop3A_325 : vector<16xf32>
        %parallel_loop3A_327 = vector.shape_cast %broadcast_in_dim3A_39 : vector<16x1xi32> to vector<16xi32>
        %parallel_loop3A_328 = tpu.dynamic_gather %parallel_loop3A_326[%parallel_loop3A_327] in [0] : vector<16xf32>, vector<16xi32> -> vector<16xf32>
        %parallel_loop3A_329 = arith.addf %parallel_loop3A_326, %parallel_loop3A_328 : vector<16xf32>
        %parallel_loop3A_330 = arith.constant 1.562500e-02 : f32
        %parallel_loop3A_331 = vector.broadcast %parallel_loop3A_330 : f32 to vector<16xf32>
        %parallel_loop3A_332 = arith.mulf %parallel_loop3A_329, %parallel_loop3A_331 : vector<16xf32>
        %parallel_loop3A_333 = vector.shape_cast %broadcast_in_dim3A : vector<16x1xi32> to vector<16xi32>
        %parallel_loop3A_334 = tpu.dynamic_gather %parallel_loop3A_317[%parallel_loop3A_333] in [0] : vector<16xf32>, vector<16xi32> -> vector<16xf32>
        %parallel_loop3A_335 = arith.addf %parallel_loop3A_317, %parallel_loop3A_334 : vector<16xf32>
        %parallel_loop3A_336 = vector.shape_cast %broadcast_in_dim3A_31 : vector<16x1xi32> to vector<16xi32>
        %parallel_loop3A_337 = tpu.dynamic_gather %parallel_loop3A_335[%parallel_loop3A_336] in [0] : vector<16xf32>, vector<16xi32> -> vector<16xf32>
        %parallel_loop3A_338 = arith.addf %parallel_loop3A_335, %parallel_loop3A_337 : vector<16xf32>
        %parallel_loop3A_339 = vector.shape_cast %broadcast_in_dim3A_35 : vector<16x1xi32> to vector<16xi32>
        %parallel_loop3A_340 = tpu.dynamic_gather %parallel_loop3A_338[%parallel_loop3A_339] in [0] : vector<16xf32>, vector<16xi32> -> vector<16xf32>
        %parallel_loop3A_341 = arith.addf %parallel_loop3A_338, %parallel_loop3A_340 : vector<16xf32>
        %parallel_loop3A_342 = vector.shape_cast %broadcast_in_dim3A_39 : vector<16x1xi32> to vector<16xi32>
        %parallel_loop3A_343 = tpu.dynamic_gather %parallel_loop3A_341[%parallel_loop3A_342] in [0] : vector<16xf32>, vector<16xi32> -> vector<16xf32>
        %parallel_loop3A_344 = arith.addf %parallel_loop3A_341, %parallel_loop3A_343 : vector<16xf32>
        %parallel_loop3A_345 = arith.constant 1.562500e-02 : f32
        %parallel_loop3A_346 = vector.broadcast %parallel_loop3A_345 : f32 to vector<16xf32>
        %parallel_loop3A_347 = arith.mulf %parallel_loop3A_344, %parallel_loop3A_346 : vector<16xf32>
        %parallel_loop3A_348 = arith.mulf %parallel_loop3A_332, %parallel_loop3A_332 : vector<16xf32>
        %parallel_loop3A_349 = arith.subf %parallel_loop3A_347, %parallel_loop3A_348 : vector<16xf32>
        %parallel_loop3A_350 = arith.constant 9.99999974E-6 : f32
        %parallel_loop3A_351 = vector.broadcast %parallel_loop3A_350 : f32 to vector<16xf32>
        %parallel_loop3A_352 = arith.addf %parallel_loop3A_349, %parallel_loop3A_351 : vector<16xf32>
        %parallel_loop3A_353 = tpu.bitcast %parallel_loop3A_352 : vector<16xf32> -> vector<16xi32>
        %parallel_loop3A_354 = arith.constant 1 : i32
        %parallel_loop3A_355 = vector.broadcast %parallel_loop3A_354 : i32 to vector<16xi32>
        %parallel_loop3A_356 = arith.shrsi %parallel_loop3A_353, %parallel_loop3A_355 : vector<16xi32>
        %parallel_loop3A_357 = arith.constant 1597463007 : i32
        %parallel_loop3A_358 = vector.broadcast %parallel_loop3A_357 : i32 to vector<16xi32>
        %parallel_loop3A_359 = arith.subi %parallel_loop3A_358, %parallel_loop3A_356 : vector<16xi32>
        %parallel_loop3A_360 = tpu.bitcast %parallel_loop3A_359 : vector<16xi32> -> vector<16xf32>
        %parallel_loop3A_361 = arith.constant 5.000000e-01 : f32
        %parallel_loop3A_362 = vector.broadcast %parallel_loop3A_361 : f32 to vector<16xf32>
        %parallel_loop3A_363 = arith.mulf %parallel_loop3A_362, %parallel_loop3A_352 : vector<16xf32>
        %parallel_loop3A_364 = arith.mulf %parallel_loop3A_363, %parallel_loop3A_360 : vector<16xf32>
        %parallel_loop3A_365 = arith.mulf %parallel_loop3A_364, %parallel_loop3A_360 : vector<16xf32>
        %parallel_loop3A_366 = arith.constant 1.500000e+00 : f32
        %parallel_loop3A_367 = vector.broadcast %parallel_loop3A_366 : f32 to vector<16xf32>
        %parallel_loop3A_368 = arith.subf %parallel_loop3A_367, %parallel_loop3A_365 : vector<16xf32>
        %parallel_loop3A_369 = arith.mulf %parallel_loop3A_360, %parallel_loop3A_368 : vector<16xf32>
        %parallel_loop3A_370 = arith.constant 5.000000e-01 : f32
        %parallel_loop3A_371 = vector.broadcast %parallel_loop3A_370 : f32 to vector<16xf32>
        %parallel_loop3A_372 = arith.mulf %parallel_loop3A_371, %parallel_loop3A_352 : vector<16xf32>
        %parallel_loop3A_373 = arith.mulf %parallel_loop3A_372, %parallel_loop3A_369 : vector<16xf32>
        %parallel_loop3A_374 = arith.mulf %parallel_loop3A_373, %parallel_loop3A_369 : vector<16xf32>
        %parallel_loop3A_375 = arith.constant 1.500000e+00 : f32
        %parallel_loop3A_376 = vector.broadcast %parallel_loop3A_375 : f32 to vector<16xf32>
        %parallel_loop3A_377 = arith.subf %parallel_loop3A_376, %parallel_loop3A_374 : vector<16xf32>
        %parallel_loop3A_378 = arith.mulf %parallel_loop3A_369, %parallel_loop3A_377 : vector<16xf32>
        %parallel_loop3A_379 = arith.constant 5.000000e-01 : f32
        %parallel_loop3A_380 = vector.broadcast %parallel_loop3A_379 : f32 to vector<16xf32>
        %parallel_loop3A_381 = arith.mulf %parallel_loop3A_380, %parallel_loop3A_352 : vector<16xf32>
        %parallel_loop3A_382 = arith.mulf %parallel_loop3A_381, %parallel_loop3A_378 : vector<16xf32>
        %parallel_loop3A_383 = arith.mulf %parallel_loop3A_382, %parallel_loop3A_378 : vector<16xf32>
        %parallel_loop3A_384 = arith.constant 1.500000e+00 : f32
        %parallel_loop3A_385 = vector.broadcast %parallel_loop3A_384 : f32 to vector<16xf32>
        %parallel_loop3A_386 = arith.subf %parallel_loop3A_385, %parallel_loop3A_383 : vector<16xf32>
        %parallel_loop3A_387 = arith.mulf %parallel_loop3A_378, %parallel_loop3A_386 : vector<16xf32>
        %parallel_loop3A_388 = arith.subf %parallel_loop3A_289, %parallel_loop3A_332 : vector<16xf32>
        %parallel_loop3A_389 = arith.mulf %parallel_loop3A_388, %parallel_loop3A_387 : vector<16xf32>
        %parallel_loop3A_390 = arith.mulf %parallel_loop3A_389, %get3A_4 : vector<16xf32>
        %parallel_loop3A_391 = arith.addf %parallel_loop3A_390, %get3A_16 : vector<16xf32>
        %parallel_loop3A_392 = arith.constant 50 : i32
        %parallel_loop3A_393 = arith.divsi %parallel_loop3A_283, %parallel_loop3A_392 : i32
        %parallel_loop3A_394 = arith.constant 0 : i32
        %parallel_loop3A_395 = arith.cmpi sgt, %parallel_loop3A_283, %parallel_loop3A_394 : i32
        %parallel_loop3A_396 = arith.extui %parallel_loop3A_395 : i1 to i32
        %parallel_loop3A_397 = arith.constant 0 : i32
        %parallel_loop3A_398 = arith.cmpi slt, %parallel_loop3A_283, %parallel_loop3A_397 : i32
        %parallel_loop3A_399 = arith.extui %parallel_loop3A_398 : i1 to i32
        %parallel_loop3A_400 = arith.subi %parallel_loop3A_396, %parallel_loop3A_399 : i32
        %parallel_loop3A_401 = arith.constant 0 : i32
        %parallel_loop3A_402 = arith.cmpi sgt, %parallel_loop3A_392, %parallel_loop3A_401 : i32
        %parallel_loop3A_403 = arith.extui %parallel_loop3A_402 : i1 to i32
        %parallel_loop3A_404 = arith.constant 0 : i32
        %parallel_loop3A_405 = arith.cmpi slt, %parallel_loop3A_392, %parallel_loop3A_404 : i32
        %parallel_loop3A_406 = arith.extui %parallel_loop3A_405 : i1 to i32
        %parallel_loop3A_407 = arith.subi %parallel_loop3A_403, %parallel_loop3A_406 : i32
        %parallel_loop3A_408 = arith.cmpi ne, %parallel_loop3A_400, %parallel_loop3A_407 : i32
        %parallel_loop3A_409 = arith.remsi %parallel_loop3A_283, %parallel_loop3A_392 : i32
        %parallel_loop3A_410 = arith.constant 0 : i32
        %parallel_loop3A_411 = arith.cmpi ne, %parallel_loop3A_409, %parallel_loop3A_410 : i32
        %parallel_loop3A_412 = arith.andi %parallel_loop3A_408, %parallel_loop3A_411 : i1
        %parallel_loop3A_413 = arith.constant 1 : i32
        %parallel_loop3A_414 = arith.subi %parallel_loop3A_393, %parallel_loop3A_413 : i32
        %parallel_loop3A_415 = arith.select %parallel_loop3A_412, %parallel_loop3A_414, %parallel_loop3A_393 : i32
        %parallel_loop3A_416 = arith.constant 50 : i32
        %parallel_loop3A_417 = arith.constant 0 : i32
        %parallel_loop3A_418 = arith.cmpi eq, %parallel_loop3A_416, %parallel_loop3A_417 : i32
        %parallel_loop3A_419 = arith.constant 1 : i32
        %parallel_loop3A_420 = arith.select %parallel_loop3A_418, %parallel_loop3A_419, %parallel_loop3A_416 : i32
        %parallel_loop3A_421 = arith.remsi %parallel_loop3A_283, %parallel_loop3A_420 : i32
        %parallel_loop3A_422 = arith.constant 0 : i32
        %parallel_loop3A_423 = arith.cmpi ne, %parallel_loop3A_421, %parallel_loop3A_422 : i32
        %parallel_loop3A_424 = arith.constant 0 : i32
        %parallel_loop3A_425 = arith.cmpi slt, %parallel_loop3A_421, %parallel_loop3A_424 : i32
        %parallel_loop3A_426 = arith.constant 0 : i32
        %parallel_loop3A_427 = arith.cmpi slt, %parallel_loop3A_420, %parallel_loop3A_426 : i32
        %parallel_loop3A_428 = arith.xori %parallel_loop3A_425, %parallel_loop3A_427 : i1
        %parallel_loop3A_429 = arith.andi %parallel_loop3A_428, %parallel_loop3A_423 : i1
        %parallel_loop3A_430 = arith.addi %parallel_loop3A_421, %parallel_loop3A_420 : i32
        %parallel_loop3A_431 = arith.select %parallel_loop3A_429, %parallel_loop3A_430, %parallel_loop3A_421 : i32
        %parallel_loop3A_432 = arith.index_cast %parallel_loop3A_415 : i32 to index
        %parallel_loop3A_433 = arith.index_cast %parallel_loop3A_431 : i32 to index
        %parallel_loop3A_434 = arith.constant 0 : index
        %parallel_loop3A_435 = tpu.vector_load %arg9[%parallel_loop3A_432, %parallel_loop3A_433, %parallel_loop3A_434] {strides = array<i32>} : memref<4x50x64xf32, #tpu.memory_space<vmem>>, vector<1x1x16xf32>,
        %parallel_loop3A_436 = vector.shape_cast %parallel_loop3A_435 : vector<1x1x16xf32> to vector<16xf32>
        %parallel_loop3A_437 = vector.shape_cast %parallel_loop3A_391 : vector<16xf32> to vector<1x1x16xf32>
        tpu.vector_store %arg9[%parallel_loop3A_432, %parallel_loop3A_433, %parallel_loop3A_434], %parallel_loop3A_437 {strides = array<i32>} : memref<4x50x64xf32, #tpu.memory_space<vmem>>, vector<1x1x16xf32>,
        %parallel_loop3A_438 = arith.subf %parallel_loop3A_295, %parallel_loop3A_332 : vector<16xf32>
        %parallel_loop3A_439 = arith.mulf %parallel_loop3A_438, %parallel_loop3A_387 : vector<16xf32>
        %parallel_loop3A_440 = arith.mulf %parallel_loop3A_439, %get3A_7 : vector<16xf32>
        %parallel_loop3A_441 = arith.addf %parallel_loop3A_440, %get3A_19 : vector<16xf32>
        %parallel_loop3A_442 = arith.constant 50 : i32
        %parallel_loop3A_443 = arith.divsi %parallel_loop3A_283, %parallel_loop3A_442 : i32
        %parallel_loop3A_444 = arith.constant 0 : i32
        %parallel_loop3A_445 = arith.cmpi sgt, %parallel_loop3A_283, %parallel_loop3A_444 : i32
        %parallel_loop3A_446 = arith.extui %parallel_loop3A_445 : i1 to i32
        %parallel_loop3A_447 = arith.constant 0 : i32
        %parallel_loop3A_448 = arith.cmpi slt, %parallel_loop3A_283, %parallel_loop3A_447 : i32
        %parallel_loop3A_449 = arith.extui %parallel_loop3A_448 : i1 to i32
        %parallel_loop3A_450 = arith.subi %parallel_loop3A_446, %parallel_loop3A_449 : i32
        %parallel_loop3A_451 = arith.constant 0 : i32
        %parallel_loop3A_452 = arith.cmpi sgt, %parallel_loop3A_442, %parallel_loop3A_451 : i32
        %parallel_loop3A_453 = arith.extui %parallel_loop3A_452 : i1 to i32
        %parallel_loop3A_454 = arith.constant 0 : i32
        %parallel_loop3A_455 = arith.cmpi slt, %parallel_loop3A_442, %parallel_loop3A_454 : i32
        %parallel_loop3A_456 = arith.extui %parallel_loop3A_455 : i1 to i32
        %parallel_loop3A_457 = arith.subi %parallel_loop3A_453, %parallel_loop3A_456 : i32
        %parallel_loop3A_458 = arith.cmpi ne, %parallel_loop3A_450, %parallel_loop3A_457 : i32
        %parallel_loop3A_459 = arith.remsi %parallel_loop3A_283, %parallel_loop3A_442 : i32
        %parallel_loop3A_460 = arith.constant 0 : i32
        %parallel_loop3A_461 = arith.cmpi ne, %parallel_loop3A_459, %parallel_loop3A_460 : i32
        %parallel_loop3A_462 = arith.andi %parallel_loop3A_458, %parallel_loop3A_461 : i1
        %parallel_loop3A_463 = arith.constant 1 : i32
        %parallel_loop3A_464 = arith.subi %parallel_loop3A_443, %parallel_loop3A_463 : i32
        %parallel_loop3A_465 = arith.select %parallel_loop3A_462, %parallel_loop3A_464, %parallel_loop3A_443 : i32
        %parallel_loop3A_466 = arith.constant 50 : i32
        %parallel_loop3A_467 = arith.constant 0 : i32
        %parallel_loop3A_468 = arith.cmpi eq, %parallel_loop3A_466, %parallel_loop3A_467 : i32
        %parallel_loop3A_469 = arith.constant 1 : i32
        %parallel_loop3A_470 = arith.select %parallel_loop3A_468, %parallel_loop3A_469, %parallel_loop3A_466 : i32
        %parallel_loop3A_471 = arith.remsi %parallel_loop3A_283, %parallel_loop3A_470 : i32
        %parallel_loop3A_472 = arith.constant 0 : i32
        %parallel_loop3A_473 = arith.cmpi ne, %parallel_loop3A_471, %parallel_loop3A_472 : i32
        %parallel_loop3A_474 = arith.constant 0 : i32
        %parallel_loop3A_475 = arith.cmpi slt, %parallel_loop3A_471, %parallel_loop3A_474 : i32
        %parallel_loop3A_476 = arith.constant 0 : i32
        %parallel_loop3A_477 = arith.cmpi slt, %parallel_loop3A_470, %parallel_loop3A_476 : i32
        %parallel_loop3A_478 = arith.xori %parallel_loop3A_475, %parallel_loop3A_477 : i1
        %parallel_loop3A_479 = arith.andi %parallel_loop3A_478, %parallel_loop3A_473 : i1
        %parallel_loop3A_480 = arith.addi %parallel_loop3A_471, %parallel_loop3A_470 : i32
        %parallel_loop3A_481 = arith.select %parallel_loop3A_479, %parallel_loop3A_480, %parallel_loop3A_471 : i32
        %parallel_loop3A_482 = arith.index_cast %parallel_loop3A_465 : i32 to index
        %parallel_loop3A_483 = arith.index_cast %parallel_loop3A_481 : i32 to index
        %parallel_loop3A_484 = arith.constant 16 : index
        %parallel_loop3A_485 = tpu.vector_load %arg9[%parallel_loop3A_482, %parallel_loop3A_483, %parallel_loop3A_484] {strides = array<i32>} : memref<4x50x64xf32, #tpu.memory_space<vmem>>, vector<1x1x16xf32>,
        %parallel_loop3A_486 = vector.shape_cast %parallel_loop3A_485 : vector<1x1x16xf32> to vector<16xf32>
        %parallel_loop3A_487 = vector.shape_cast %parallel_loop3A_441 : vector<16xf32> to vector<1x1x16xf32>
        tpu.vector_store %arg9[%parallel_loop3A_482, %parallel_loop3A_483, %parallel_loop3A_484], %parallel_loop3A_487 {strides = array<i32>} : memref<4x50x64xf32, #tpu.memory_space<vmem>>, vector<1x1x16xf32>,
        %parallel_loop3A_488 = arith.subf %parallel_loop3A_301, %parallel_loop3A_332 : vector<16xf32>
        %parallel_loop3A_489 = arith.mulf %parallel_loop3A_488, %parallel_loop3A_387 : vector<16xf32>
        %parallel_loop3A_490 = arith.mulf %parallel_loop3A_489, %get3A_10 : vector<16xf32>
        %parallel_loop3A_491 = arith.addf %parallel_loop3A_490, %get3A_22 : vector<16xf32>
        %parallel_loop3A_492 = arith.constant 50 : i32
        %parallel_loop3A_493 = arith.divsi %parallel_loop3A_283, %parallel_loop3A_492 : i32
        %parallel_loop3A_494 = arith.constant 0 : i32
        %parallel_loop3A_495 = arith.cmpi sgt, %parallel_loop3A_283, %parallel_loop3A_494 : i32
        %parallel_loop3A_496 = arith.extui %parallel_loop3A_495 : i1 to i32
        %parallel_loop3A_497 = arith.constant 0 : i32
        %parallel_loop3A_498 = arith.cmpi slt, %parallel_loop3A_283, %parallel_loop3A_497 : i32
        %parallel_loop3A_499 = arith.extui %parallel_loop3A_498 : i1 to i32
        %parallel_loop3A_500 = arith.subi %parallel_loop3A_496, %parallel_loop3A_499 : i32
        %parallel_loop3A_501 = arith.constant 0 : i32
        %parallel_loop3A_502 = arith.cmpi sgt, %parallel_loop3A_492, %parallel_loop3A_501 : i32
        %parallel_loop3A_503 = arith.extui %parallel_loop3A_502 : i1 to i32
        %parallel_loop3A_504 = arith.constant 0 : i32
        %parallel_loop3A_505 = arith.cmpi slt, %parallel_loop3A_492, %parallel_loop3A_504 : i32
        %parallel_loop3A_506 = arith.extui %parallel_loop3A_505 : i1 to i32
        %parallel_loop3A_507 = arith.subi %parallel_loop3A_503, %parallel_loop3A_506 : i32
        %parallel_loop3A_508 = arith.cmpi ne, %parallel_loop3A_500, %parallel_loop3A_507 : i32
        %parallel_loop3A_509 = arith.remsi %parallel_loop3A_283, %parallel_loop3A_492 : i32
        %parallel_loop3A_510 = arith.constant 0 : i32
        %parallel_loop3A_511 = arith.cmpi ne, %parallel_loop3A_509, %parallel_loop3A_510 : i32
        %parallel_loop3A_512 = arith.andi %parallel_loop3A_508, %parallel_loop3A_511 : i1
        %parallel_loop3A_513 = arith.constant 1 : i32
        %parallel_loop3A_514 = arith.subi %parallel_loop3A_493, %parallel_loop3A_513 : i32
        %parallel_loop3A_515 = arith.select %parallel_loop3A_512, %parallel_loop3A_514, %parallel_loop3A_493 : i32
        %parallel_loop3A_516 = arith.constant 50 : i32
        %parallel_loop3A_517 = arith.constant 0 : i32
        %parallel_loop3A_518 = arith.cmpi eq, %parallel_loop3A_516, %parallel_loop3A_517 : i32
        %parallel_loop3A_519 = arith.constant 1 : i32
        %parallel_loop3A_520 = arith.select %parallel_loop3A_518, %parallel_loop3A_519, %parallel_loop3A_516 : i32
        %parallel_loop3A_521 = arith.remsi %parallel_loop3A_283, %parallel_loop3A_520 : i32
        %parallel_loop3A_522 = arith.constant 0 : i32
        %parallel_loop3A_523 = arith.cmpi ne, %parallel_loop3A_521, %parallel_loop3A_522 : i32
        %parallel_loop3A_524 = arith.constant 0 : i32
        %parallel_loop3A_525 = arith.cmpi slt, %parallel_loop3A_521, %parallel_loop3A_524 : i32
        %parallel_loop3A_526 = arith.constant 0 : i32
        %parallel_loop3A_527 = arith.cmpi slt, %parallel_loop3A_520, %parallel_loop3A_526 : i32
        %parallel_loop3A_528 = arith.xori %parallel_loop3A_525, %parallel_loop3A_527 : i1
        %parallel_loop3A_529 = arith.andi %parallel_loop3A_528, %parallel_loop3A_523 : i1
        %parallel_loop3A_530 = arith.addi %parallel_loop3A_521, %parallel_loop3A_520 : i32
        %parallel_loop3A_531 = arith.select %parallel_loop3A_529, %parallel_loop3A_530, %parallel_loop3A_521 : i32
        %parallel_loop3A_532 = arith.index_cast %parallel_loop3A_515 : i32 to index
        %parallel_loop3A_533 = arith.index_cast %parallel_loop3A_531 : i32 to index
        %parallel_loop3A_534 = arith.constant 32 : index
        %parallel_loop3A_535 = tpu.vector_load %arg9[%parallel_loop3A_532, %parallel_loop3A_533, %parallel_loop3A_534] {strides = array<i32>} : memref<4x50x64xf32, #tpu.memory_space<vmem>>, vector<1x1x16xf32>,
        %parallel_loop3A_536 = vector.shape_cast %parallel_loop3A_535 : vector<1x1x16xf32> to vector<16xf32>
        %parallel_loop3A_537 = vector.shape_cast %parallel_loop3A_491 : vector<16xf32> to vector<1x1x16xf32>
        tpu.vector_store %arg9[%parallel_loop3A_532, %parallel_loop3A_533, %parallel_loop3A_534], %parallel_loop3A_537 {strides = array<i32>} : memref<4x50x64xf32, #tpu.memory_space<vmem>>, vector<1x1x16xf32>,
        %parallel_loop3A_538 = arith.subf %parallel_loop3A_307, %parallel_loop3A_332 : vector<16xf32>
        %parallel_loop3A_539 = arith.mulf %parallel_loop3A_538, %parallel_loop3A_387 : vector<16xf32>
        %parallel_loop3A_540 = arith.mulf %parallel_loop3A_539, %get3A_13 : vector<16xf32>
        %parallel_loop3A_541 = arith.addf %parallel_loop3A_540, %get3A_25 : vector<16xf32>
        %parallel_loop3A_542 = arith.constant 50 : i32
        %parallel_loop3A_543 = arith.divsi %parallel_loop3A_283, %parallel_loop3A_542 : i32
        %parallel_loop3A_544 = arith.constant 0 : i32
        %parallel_loop3A_545 = arith.cmpi sgt, %parallel_loop3A_283, %parallel_loop3A_544 : i32
        %parallel_loop3A_546 = arith.extui %parallel_loop3A_545 : i1 to i32
        %parallel_loop3A_547 = arith.constant 0 : i32
        %parallel_loop3A_548 = arith.cmpi slt, %parallel_loop3A_283, %parallel_loop3A_547 : i32
        %parallel_loop3A_549 = arith.extui %parallel_loop3A_548 : i1 to i32
        %parallel_loop3A_550 = arith.subi %parallel_loop3A_546, %parallel_loop3A_549 : i32
        %parallel_loop3A_551 = arith.constant 0 : i32
        %parallel_loop3A_552 = arith.cmpi sgt, %parallel_loop3A_542, %parallel_loop3A_551 : i32
        %parallel_loop3A_553 = arith.extui %parallel_loop3A_552 : i1 to i32
        %parallel_loop3A_554 = arith.constant 0 : i32
        %parallel_loop3A_555 = arith.cmpi slt, %parallel_loop3A_542, %parallel_loop3A_554 : i32
        %parallel_loop3A_556 = arith.extui %parallel_loop3A_555 : i1 to i32
        %parallel_loop3A_557 = arith.subi %parallel_loop3A_553, %parallel_loop3A_556 : i32
        %parallel_loop3A_558 = arith.cmpi ne, %parallel_loop3A_550, %parallel_loop3A_557 : i32
        %parallel_loop3A_559 = arith.remsi %parallel_loop3A_283, %parallel_loop3A_542 : i32
        %parallel_loop3A_560 = arith.constant 0 : i32
        %parallel_loop3A_561 = arith.cmpi ne, %parallel_loop3A_559, %parallel_loop3A_560 : i32
        %parallel_loop3A_562 = arith.andi %parallel_loop3A_558, %parallel_loop3A_561 : i1
        %parallel_loop3A_563 = arith.constant 1 : i32
        %parallel_loop3A_564 = arith.subi %parallel_loop3A_543, %parallel_loop3A_563 : i32
        %parallel_loop3A_565 = arith.select %parallel_loop3A_562, %parallel_loop3A_564, %parallel_loop3A_543 : i32
        %parallel_loop3A_566 = arith.constant 50 : i32
        %parallel_loop3A_567 = arith.constant 0 : i32
        %parallel_loop3A_568 = arith.cmpi eq, %parallel_loop3A_566, %parallel_loop3A_567 : i32
        %parallel_loop3A_569 = arith.constant 1 : i32
        %parallel_loop3A_570 = arith.select %parallel_loop3A_568, %parallel_loop3A_569, %parallel_loop3A_566 : i32
        %parallel_loop3A_571 = arith.remsi %parallel_loop3A_283, %parallel_loop3A_570 : i32
        %parallel_loop3A_572 = arith.constant 0 : i32
        %parallel_loop3A_573 = arith.cmpi ne, %parallel_loop3A_571, %parallel_loop3A_572 : i32
        %parallel_loop3A_574 = arith.constant 0 : i32
        %parallel_loop3A_575 = arith.cmpi slt, %parallel_loop3A_571, %parallel_loop3A_574 : i32
        %parallel_loop3A_576 = arith.constant 0 : i32
        %parallel_loop3A_577 = arith.cmpi slt, %parallel_loop3A_570, %parallel_loop3A_576 : i32
        %parallel_loop3A_578 = arith.xori %parallel_loop3A_575, %parallel_loop3A_577 : i1
        %parallel_loop3A_579 = arith.andi %parallel_loop3A_578, %parallel_loop3A_573 : i1
        %parallel_loop3A_580 = arith.addi %parallel_loop3A_571, %parallel_loop3A_570 : i32
        %parallel_loop3A_581 = arith.select %parallel_loop3A_579, %parallel_loop3A_580, %parallel_loop3A_571 : i32
        %parallel_loop3A_582 = arith.index_cast %parallel_loop3A_565 : i32 to index
        %parallel_loop3A_583 = arith.index_cast %parallel_loop3A_581 : i32 to index
        %parallel_loop3A_584 = arith.constant 48 : index
        %parallel_loop3A_585 = tpu.vector_load %arg9[%parallel_loop3A_582, %parallel_loop3A_583, %parallel_loop3A_584] {strides = array<i32>} : memref<4x50x64xf32, #tpu.memory_space<vmem>>, vector<1x1x16xf32>,
        %parallel_loop3A_586 = vector.shape_cast %parallel_loop3A_585 : vector<1x1x16xf32> to vector<16xf32>
        %parallel_loop3A_587 = vector.shape_cast %parallel_loop3A_541 : vector<16xf32> to vector<1x1x16xf32>
        tpu.vector_store %arg9[%parallel_loop3A_582, %parallel_loop3A_583, %parallel_loop3A_584], %parallel_loop3A_587 {strides = array<i32>} : memref<4x50x64xf32, #tpu.memory_space<vmem>>, vector<1x1x16xf32>,
      } {sc.loop_unroll_factor = 8 : i64, sc.parallel_access}
      %mul3A_195 = arith.constant 4 : i32
      %mul3A_196 = arith.muli %mul3A_117, %mul3A_195 : i32
      %add3A_197 = arith.addi %mul3A_2, %mul3A_196 : i32
      %multiple_of3A = tpu.assume_multiple %add3A_197, 4 : i32
      "tpu.region"() ({
        %run_scoped3A_283 = tpu.sem_alloc : memref<!tpu.dma_semaphore, #tpu.memory_space<semaphore_mem>>
        %dma_start3A_284 = arith.constant 0 : i32
        %dma_start3A_285 = arith.constant 0 : i32
        %dma_start3A_286 = tpu.memref_slice %arg6[%multiple_of3A, %dma_start3A_284, %dma_start3A_285] : memref<16384x50x64xf32, #tpu.memory_space<hbm>> -> memref<4x50x64xf32, #tpu.memory_space<hbm>>
        %dma_start3A_287 = arith.constant 0 : i32
        %dma_start3A_288 = arith.constant 0 : i32
        %dma_start3A_289 = tpu.memref_slice %arg6[%multiple_of3A, %dma_start3A_287, %dma_start3A_288] : memref<16384x50x64xf32, #tpu.memory_space<hbm>> -> memref<4x50x64xf32, #tpu.memory_space<hbm>>
        tpu.enqueue_dma source(%arg9 : memref<4x50x64xf32, #tpu.memory_space<vmem>>) target(%dma_start3A_289 : memref<4x50x64xf32, #tpu.memory_space<hbm>>) target_semaphore(%run_scoped3A_283 : memref<!tpu.dma_semaphore, #tpu.memory_space<semaphore_mem>>)
        %dma_wait3A_290 = arith.constant 0 : i32
        %dma_wait3A_291 = arith.constant 0 : i32
        %dma_wait3A_292 = tpu.memref_slice %arg6[%multiple_of3A, %dma_wait3A_290, %dma_wait3A_291] : memref<16384x50x64xf32, #tpu.memory_space<hbm>> -> memref<4x50x64xf32, #tpu.memory_space<hbm>>
        %dma_wait3A_293 = arith.constant 0 : i32
        %dma_wait3A_294 = arith.constant 0 : i32
        %dma_wait3A_295 = tpu.memref_slice %arg6[%multiple_of3A, %dma_wait3A_293, %dma_wait3A_294] : memref<16384x50x64xf32, #tpu.memory_space<hbm>> -> memref<4x50x64xf32, #tpu.memory_space<hbm>>
        tpu.wait_dma2 semaphore(%run_scoped3A_283 : memref<!tpu.dma_semaphore, #tpu.memory_space<semaphore_mem>>) src(%arg9 : memref<4x50x64xf32, #tpu.memory_space<vmem>>) dst(%dma_wait3A_295 : memref<4x50x64xf32, #tpu.memory_space<hbm>>)
        tpu.yield
      }) : () -> ()
      %add3A_198 = arith.constant 2 : i32
      %add3A_199 = arith.addi %mul3A_117, %add3A_198 : i32
      %mul3A_200 = arith.constant 4 : i32
      %mul3A_201 = arith.muli %add3A_199, %mul3A_200 : i32
      %add3A_202 = arith.addi %mul3A_2, %mul3A_201 : i32
      %min3A_203 = arith.constant 16380 : i32
      %min3A_204 = arith.minsi %add3A_202, %min3A_203 : i32
      %run_scoped3A_205 = arith.constant 0 : i32
      "tpu.region"() ({
        %run_scoped3A_283 = tpu.sem_alloc : memref<!tpu.dma_semaphore, #tpu.memory_space<semaphore_mem>>
        %dma_start3A_284 = arith.constant 0 : i32
        %dma_start3A_285 = arith.constant 0 : i32
        %dma_start3A_286 = tpu.memref_slice %arg7[%run_scoped3A_205, %dma_start3A_284, %dma_start3A_285] : memref<2x4x50xi32, #tpu.memory_space<vmem>> -> memref<1x4x50xi32, #tpu.memory_space<vmem>>
        %dma_start3A_287 = tpu.memref_squeeze %dma_start3A_286 : memref<1x4x50xi32, #tpu.memory_space<vmem>> -> memref<4x50xi32, #tpu.memory_space<vmem>>
        %dma_start3A_288 = arith.constant 0 : i32
        %dma_start3A_289 = tpu.memref_slice %arg2[%min3A_204, %dma_start3A_288] : memref<16384x50xi32, #tpu.memory_space<hbm>> -> memref<4x50xi32, #tpu.memory_space<hbm>>
        %dma_start3A_290 = arith.constant 0 : i32
        %dma_start3A_291 = arith.constant 0 : i32
        %dma_start3A_292 = tpu.memref_slice %arg7[%run_scoped3A_205, %dma_start3A_290, %dma_start3A_291] : memref<2x4x50xi32, #tpu.memory_space<vmem>> -> memref<1x4x50xi32, #tpu.memory_space<vmem>>
        %dma_start3A_293 = tpu.memref_squeeze %dma_start3A_292 : memref<1x4x50xi32, #tpu.memory_space<vmem>> -> memref<4x50xi32, #tpu.memory_space<vmem>>
        %dma_start3A_294 = arith.constant 0 : i32
        %dma_start3A_295 = tpu.memref_slice %arg2[%min3A_204, %dma_start3A_294] : memref<16384x50xi32, #tpu.memory_space<hbm>> -> memref<4x50xi32, #tpu.memory_space<hbm>>
        tpu.enqueue_dma source(%dma_start3A_295 : memref<4x50xi32, #tpu.memory_space<hbm>>) target(%dma_start3A_293 : memref<4x50xi32, #tpu.memory_space<vmem>>) target_semaphore(%run_scoped3A_283 : memref<!tpu.dma_semaphore, #tpu.memory_space<semaphore_mem>>)
        %dma_wait3A_296 = arith.constant 0 : i32
        %dma_wait3A_297 = arith.constant 0 : i32
        %dma_wait3A_298 = tpu.memref_slice %arg7[%run_scoped3A_205, %dma_wait3A_296, %dma_wait3A_297] : memref<2x4x50xi32, #tpu.memory_space<vmem>> -> memref<1x4x50xi32, #tpu.memory_space<vmem>>
        %dma_wait3A_299 = tpu.memref_squeeze %dma_wait3A_298 : memref<1x4x50xi32, #tpu.memory_space<vmem>> -> memref<4x50xi32, #tpu.memory_space<vmem>>
        %dma_wait3A_300 = arith.constant 0 : i32
        %dma_wait3A_301 = tpu.memref_slice %arg2[%min3A_204, %dma_wait3A_300] : memref<16384x50xi32, #tpu.memory_space<hbm>> -> memref<4x50xi32, #tpu.memory_space<hbm>>
        %dma_wait3A_302 = arith.constant 0 : i32
        %dma_wait3A_303 = arith.constant 0 : i32
        %dma_wait3A_304 = tpu.memref_slice %arg7[%run_scoped3A_205, %dma_wait3A_302, %dma_wait3A_303] : memref<2x4x50xi32, #tpu.memory_space<vmem>> -> memref<1x4x50xi32, #tpu.memory_space<vmem>>
        %dma_wait3A_305 = tpu.memref_squeeze %dma_wait3A_304 : memref<1x4x50xi32, #tpu.memory_space<vmem>> -> memref<4x50xi32, #tpu.memory_space<vmem>>
        %dma_wait3A_306 = arith.constant 0 : i32
        %dma_wait3A_307 = tpu.memref_slice %arg2[%min3A_204, %dma_wait3A_306] : memref<16384x50xi32, #tpu.memory_space<hbm>> -> memref<4x50xi32, #tpu.memory_space<hbm>>
        tpu.wait_dma2 semaphore(%run_scoped3A_283 : memref<!tpu.dma_semaphore, #tpu.memory_space<semaphore_mem>>) src(%dma_wait3A_307 : memref<4x50xi32, #tpu.memory_space<hbm>>) dst(%dma_wait3A_305 : memref<4x50xi32, #tpu.memory_space<vmem>>)
        tpu.yield
      }) : () -> ()
      %dma_start3A_206 = arith.constant 0 : i32
      %dma_start3A_207 = arith.constant 0 : i32
      %dma_start3A_208 = arith.constant 0 : i32
      %dma_start3A_209 = arith.constant 0 : i32
      %dma_start3A_210 = arith.constant 0 : i32
      %dma_start3A_211 = tpu.memref_slice %arg8[%dma_start3A_208, %dma_start3A_209, %dma_start3A_210] : memref<2x200x128xf32, #tpu.memory_space<vmem>> -> memref<1x50x128xf32, #tpu.memory_space<vmem>>
      %dma_start3A_212 = tpu.memref_squeeze %dma_start3A_211 : memref<1x50x128xf32, #tpu.memory_space<vmem>> -> memref<50x128xf32, #tpu.memory_space<vmem>>
      %dma_start3A_213 = arith.constant 0 : i32
      %dma_start3A_214 = tpu.memref_slice %arg7[%dma_start3A_206, %dma_start3A_207, %dma_start3A_213] : memref<2x4x50xi32, #tpu.memory_space<vmem>> -> memref<1x1x50xi32, #tpu.memory_space<vmem>>
      %dma_start3A_215 = tpu.memref_squeeze %dma_start3A_214 : memref<1x1x50xi32, #tpu.memory_space<vmem>> -> memref<50xi32, #tpu.memory_space<vmem>>
      %dma_start3A_216 = arith.constant 0 : i32
      %dma_start3A_217 = arith.constant 0 : i32
      %dma_start3A_218 = tpu.memref_slice %arg3[%dma_start3A_216, %dma_start3A_217] : memref<1000000x128xf32, #tpu.memory_space<hbm>> -> memref<1000000x128xf32, #tpu.memory_space<hbm>>
      tpu.enqueue_indirect_dma source(%dma_start3A_218 : memref<1000000x128xf32, #tpu.memory_space<hbm>>) target(%dma_start3A_212 : memref<50x128xf32, #tpu.memory_space<vmem>>) offsets(%dma_start3A_215 : memref<50xi32, #tpu.memory_space<vmem>>) semaphore(%arg12 : memref<!tpu.dma_semaphore, #tpu.memory_space<semaphore_mem>>)
      %dma_start3A_219 = arith.constant 0 : i32
      %dma_start3A_220 = arith.constant 1 : i32
      %dma_start3A_221 = arith.constant 0 : i32
      %dma_start3A_222 = arith.constant 50 : i32
      %dma_start3A_223 = arith.constant 0 : i32
      %dma_start3A_224 = tpu.memref_slice %arg8[%dma_start3A_221, %dma_start3A_222, %dma_start3A_223] : memref<2x200x128xf32, #tpu.memory_space<vmem>> -> memref<1x50x128xf32, #tpu.memory_space<vmem>>
      %dma_start3A_225 = tpu.memref_squeeze %dma_start3A_224 : memref<1x50x128xf32, #tpu.memory_space<vmem>> -> memref<50x128xf32, #tpu.memory_space<vmem>>
      %dma_start3A_226 = arith.constant 0 : i32
      %dma_start3A_227 = tpu.memref_slice %arg7[%dma_start3A_219, %dma_start3A_220, %dma_start3A_226] : memref<2x4x50xi32, #tpu.memory_space<vmem>> -> memref<1x1x50xi32, #tpu.memory_space<vmem>>
      %dma_start3A_228 = tpu.memref_squeeze %dma_start3A_227 : memref<1x1x50xi32, #tpu.memory_space<vmem>> -> memref<50xi32, #tpu.memory_space<vmem>>
      %dma_start3A_229 = arith.constant 0 : i32
      %dma_start3A_230 = arith.constant 0 : i32
      %dma_start3A_231 = tpu.memref_slice %arg3[%dma_start3A_229, %dma_start3A_230] : memref<1000000x128xf32, #tpu.memory_space<hbm>> -> memref<1000000x128xf32, #tpu.memory_space<hbm>>
      tpu.enqueue_indirect_dma source(%dma_start3A_231 : memref<1000000x128xf32, #tpu.memory_space<hbm>>) target(%dma_start3A_225 : memref<50x128xf32, #tpu.memory_space<vmem>>) offsets(%dma_start3A_228 : memref<50xi32, #tpu.memory_space<vmem>>) semaphore(%arg12 : memref<!tpu.dma_semaphore, #tpu.memory_space<semaphore_mem>>)
      %dma_start3A_232 = arith.constant 0 : i32
      %dma_start3A_233 = arith.constant 2 : i32
      %dma_start3A_234 = arith.constant 0 : i32
      %dma_start3A_235 = arith.constant 100 : i32
      %dma_start3A_236 = arith.constant 0 : i32
      %dma_start3A_237 = tpu.memref_slice %arg8[%dma_start3A_234, %dma_start3A_235, %dma_start3A_236] : memref<2x200x128xf32, #tpu.memory_space<vmem>> -> memref<1x50x128xf32, #tpu.memory_space<vmem>>
      %dma_start3A_238 = tpu.memref_squeeze %dma_start3A_237 : memref<1x50x128xf32, #tpu.memory_space<vmem>> -> memref<50x128xf32, #tpu.memory_space<vmem>>
      %dma_start3A_239 = arith.constant 0 : i32
      %dma_start3A_240 = tpu.memref_slice %arg7[%dma_start3A_232, %dma_start3A_233, %dma_start3A_239] : memref<2x4x50xi32, #tpu.memory_space<vmem>> -> memref<1x1x50xi32, #tpu.memory_space<vmem>>
      %dma_start3A_241 = tpu.memref_squeeze %dma_start3A_240 : memref<1x1x50xi32, #tpu.memory_space<vmem>> -> memref<50xi32, #tpu.memory_space<vmem>>
      %dma_start3A_242 = arith.constant 0 : i32
      %dma_start3A_243 = arith.constant 0 : i32
      %dma_start3A_244 = tpu.memref_slice %arg3[%dma_start3A_242, %dma_start3A_243] : memref<1000000x128xf32, #tpu.memory_space<hbm>> -> memref<1000000x128xf32, #tpu.memory_space<hbm>>
      tpu.enqueue_indirect_dma source(%dma_start3A_244 : memref<1000000x128xf32, #tpu.memory_space<hbm>>) target(%dma_start3A_238 : memref<50x128xf32, #tpu.memory_space<vmem>>) offsets(%dma_start3A_241 : memref<50xi32, #tpu.memory_space<vmem>>) semaphore(%arg12 : memref<!tpu.dma_semaphore, #tpu.memory_space<semaphore_mem>>)
      %dma_start3A_245 = arith.constant 0 : i32
      %dma_start3A_246 = arith.constant 3 : i32
      %dma_start3A_247 = arith.constant 0 : i32
      %dma_start3A_248 = arith.constant 150 : i32
      %dma_start3A_249 = arith.constant 0 : i32
      %dma_start3A_250 = tpu.memref_slice %arg8[%dma_start3A_247, %dma_start3A_248, %dma_start3A_249] : memref<2x200x128xf32, #tpu.memory_space<vmem>> -> memref<1x50x128xf32, #tpu.memory_space<vmem>>
      %dma_start3A_251 = tpu.memref_squeeze %dma_start3A_250 : memref<1x50x128xf32, #tpu.memory_space<vmem>> -> memref<50x128xf32, #tpu.memory_space<vmem>>
      %dma_start3A_252 = arith.constant 0 : i32
      %dma_start3A_253 = tpu.memref_slice %arg7[%dma_start3A_245, %dma_start3A_246, %dma_start3A_252] : memref<2x4x50xi32, #tpu.memory_space<vmem>> -> memref<1x1x50xi32, #tpu.memory_space<vmem>>
      %dma_start3A_254 = tpu.memref_squeeze %dma_start3A_253 : memref<1x1x50xi32, #tpu.memory_space<vmem>> -> memref<50xi32, #tpu.memory_space<vmem>>
      %dma_start3A_255 = arith.constant 0 : i32
      %dma_start3A_256 = arith.constant 0 : i32
      %dma_start3A_257 = tpu.memref_slice %arg3[%dma_start3A_255, %dma_start3A_256] : memref<1000000x128xf32, #tpu.memory_space<hbm>> -> memref<1000000x128xf32, #tpu.memory_space<hbm>>
      tpu.enqueue_indirect_dma source(%dma_start3A_257 : memref<1000000x128xf32, #tpu.memory_space<hbm>>) target(%dma_start3A_251 : memref<50x128xf32, #tpu.memory_space<vmem>>) offsets(%dma_start3A_254 : memref<50xi32, #tpu.memory_space<vmem>>) semaphore(%arg12 : memref<!tpu.dma_semaphore, #tpu.memory_space<semaphore_mem>>)
      %add3A_258 = arith.constant 1 : i32
      %add3A_259 = arith.addi %mul3A_117, %add3A_258 : i32
      %dma_wait3A_260 = arith.constant 1 : i32
      %dma_wait3A_261 = arith.constant 0 : i32
      %dma_wait3A_262 = arith.constant 0 : i32
      %dma_wait3A_263 = tpu.memref_slice %arg8[%dma_wait3A_260, %dma_wait3A_261, %dma_wait3A_262] : memref<2x200x128xf32, #tpu.memory_space<vmem>> -> memref<1x200x128xf32, #tpu.memory_space<vmem>>
      %dma_wait3A_264 = tpu.memref_squeeze %dma_wait3A_263 : memref<1x200x128xf32, #tpu.memory_space<vmem>> -> memref<200x128xf32, #tpu.memory_space<vmem>>
      %dma_wait3A_265 = arith.constant 0 : i32
      %dma_wait3A_266 = arith.constant 0 : i32
      %dma_wait3A_267 = tpu.memref_slice %arg3[%dma_wait3A_265, %dma_wait3A_266] : memref<1000000x128xf32, #tpu.memory_space<hbm>> -> memref<200x128xf32, #tpu.memory_space<hbm>>
      %dma_wait3A_268 = arith.constant 0 : i32
      %dma_wait3A_269 = arith.constant 0 : i32
      %dma_wait3A_270 = tpu.memref_slice %arg8[%dma_wait3A_260, %dma_wait3A_268, %dma_wait3A_269] : memref<2x200x128xf32, #tpu.memory_space<vmem>> -> memref<1x200x128xf32, #tpu.memory_space<vmem>>
      %dma_wait3A_271 = tpu.memref_squeeze %dma_wait3A_270 : memref<1x200x128xf32, #tpu.memory_space<vmem>> -> memref<200x128xf32, #tpu.memory_space<vmem>>
      %dma_wait3A_272 = arith.constant 0 : i32
      %dma_wait3A_273 = arith.constant 0 : i32
      %dma_wait3A_274 = tpu.memref_slice %arg3[%dma_wait3A_272, %dma_wait3A_273] : memref<1000000x128xf32, #tpu.memory_space<hbm>> -> memref<200x128xf32, #tpu.memory_space<hbm>>
      tpu.wait_dma2 semaphore(%arg13 : memref<!tpu.dma_semaphore, #tpu.memory_space<semaphore_mem>>) src(%dma_wait3A_274 : memref<200x128xf32, #tpu.memory_space<hbm>>) dst(%dma_wait3A_271 : memref<200x128xf32, #tpu.memory_space<vmem>>)
      %parallel_loop3A_275 = arith.constant 0 : i32
      %parallel_loop3A_276 = arith.constant 200 : i32
      %parallel_loop3A_277 = arith.constant 1 : i32
      scf.for %parallel_loop3A_283 = %parallel_loop3A_275 to %parallel_loop3A_276 step %parallel_loop3A_277  : i32 {
        %parallel_loop3A_284 = arith.constant 1 : i32
        %parallel_loop3A_285 = arith.index_cast %parallel_loop3A_284 : i32 to index
        %parallel_loop3A_286 = arith.index_cast %parallel_loop3A_283 : i32 to index
        %parallel_loop3A_287 = arith.constant 0 : index
        %parallel_loop3A_288 = tpu.vector_load %arg8[%parallel_loop3A_285, %parallel_loop3A_286, %parallel_loop3A_287] {strides = array<i32>} : memref<2x200x128xf32, #tpu.memory_space<vmem>>, vector<1x1x16xf32>,
        %parallel_loop3A_289 = vector.shape_cast %parallel_loop3A_288 : vector<1x1x16xf32> to vector<16xf32>
        %parallel_loop3A_290 = arith.constant 1 : i32
        %parallel_loop3A_291 = arith.index_cast %parallel_loop3A_290 : i32 to index
        %parallel_loop3A_292 = arith.index_cast %parallel_loop3A_283 : i32 to index
        %parallel_loop3A_293 = arith.constant 16 : index
        %parallel_loop3A_294 = tpu.vector_load %arg8[%parallel_loop3A_291, %parallel_loop3A_292, %parallel_loop3A_293] {strides = array<i32>} : memref<2x200x128xf32, #tpu.memory_space<vmem>>, vector<1x1x16xf32>,
        %parallel_loop3A_295 = vector.shape_cast %parallel_loop3A_294 : vector<1x1x16xf32> to vector<16xf32>
        %parallel_loop3A_296 = arith.constant 1 : i32
        %parallel_loop3A_297 = arith.index_cast %parallel_loop3A_296 : i32 to index
        %parallel_loop3A_298 = arith.index_cast %parallel_loop3A_283 : i32 to index
        %parallel_loop3A_299 = arith.constant 32 : index
        %parallel_loop3A_300 = tpu.vector_load %arg8[%parallel_loop3A_297, %parallel_loop3A_298, %parallel_loop3A_299] {strides = array<i32>} : memref<2x200x128xf32, #tpu.memory_space<vmem>>, vector<1x1x16xf32>,
        %parallel_loop3A_301 = vector.shape_cast %parallel_loop3A_300 : vector<1x1x16xf32> to vector<16xf32>
        %parallel_loop3A_302 = arith.constant 1 : i32
        %parallel_loop3A_303 = arith.index_cast %parallel_loop3A_302 : i32 to index
        %parallel_loop3A_304 = arith.index_cast %parallel_loop3A_283 : i32 to index
        %parallel_loop3A_305 = arith.constant 48 : index
        %parallel_loop3A_306 = tpu.vector_load %arg8[%parallel_loop3A_303, %parallel_loop3A_304, %parallel_loop3A_305] {strides = array<i32>} : memref<2x200x128xf32, #tpu.memory_space<vmem>>, vector<1x1x16xf32>,
        %parallel_loop3A_307 = vector.shape_cast %parallel_loop3A_306 : vector<1x1x16xf32> to vector<16xf32>
        %parallel_loop3A_308 = arith.addf %parallel_loop3A_289, %parallel_loop3A_295 : vector<16xf32>
        %parallel_loop3A_309 = arith.addf %parallel_loop3A_308, %parallel_loop3A_301 : vector<16xf32>
        %parallel_loop3A_310 = arith.addf %parallel_loop3A_309, %parallel_loop3A_307 : vector<16xf32>
        %parallel_loop3A_311 = arith.mulf %parallel_loop3A_289, %parallel_loop3A_289 : vector<16xf32>
        %parallel_loop3A_312 = arith.mulf %parallel_loop3A_295, %parallel_loop3A_295 : vector<16xf32>
        %parallel_loop3A_313 = arith.addf %parallel_loop3A_311, %parallel_loop3A_312 : vector<16xf32>
        %parallel_loop3A_314 = arith.mulf %parallel_loop3A_301, %parallel_loop3A_301 : vector<16xf32>
        %parallel_loop3A_315 = arith.addf %parallel_loop3A_313, %parallel_loop3A_314 : vector<16xf32>
        %parallel_loop3A_316 = arith.mulf %parallel_loop3A_307, %parallel_loop3A_307 : vector<16xf32>
        %parallel_loop3A_317 = arith.addf %parallel_loop3A_315, %parallel_loop3A_316 : vector<16xf32>
        %parallel_loop3A_318 = vector.shape_cast %broadcast_in_dim3A : vector<16x1xi32> to vector<16xi32>
        %parallel_loop3A_319 = tpu.dynamic_gather %parallel_loop3A_310[%parallel_loop3A_318] in [0] : vector<16xf32>, vector<16xi32> -> vector<16xf32>
        %parallel_loop3A_320 = arith.addf %parallel_loop3A_310, %parallel_loop3A_319 : vector<16xf32>
        %parallel_loop3A_321 = vector.shape_cast %broadcast_in_dim3A_31 : vector<16x1xi32> to vector<16xi32>
        %parallel_loop3A_322 = tpu.dynamic_gather %parallel_loop3A_320[%parallel_loop3A_321] in [0] : vector<16xf32>, vector<16xi32> -> vector<16xf32>
        %parallel_loop3A_323 = arith.addf %parallel_loop3A_320, %parallel_loop3A_322 : vector<16xf32>
        %parallel_loop3A_324 = vector.shape_cast %broadcast_in_dim3A_35 : vector<16x1xi32> to vector<16xi32>
        %parallel_loop3A_325 = tpu.dynamic_gather %parallel_loop3A_323[%parallel_loop3A_324] in [0] : vector<16xf32>, vector<16xi32> -> vector<16xf32>
        %parallel_loop3A_326 = arith.addf %parallel_loop3A_323, %parallel_loop3A_325 : vector<16xf32>
        %parallel_loop3A_327 = vector.shape_cast %broadcast_in_dim3A_39 : vector<16x1xi32> to vector<16xi32>
        %parallel_loop3A_328 = tpu.dynamic_gather %parallel_loop3A_326[%parallel_loop3A_327] in [0] : vector<16xf32>, vector<16xi32> -> vector<16xf32>
        %parallel_loop3A_329 = arith.addf %parallel_loop3A_326, %parallel_loop3A_328 : vector<16xf32>
        %parallel_loop3A_330 = arith.constant 1.562500e-02 : f32
        %parallel_loop3A_331 = vector.broadcast %parallel_loop3A_330 : f32 to vector<16xf32>
        %parallel_loop3A_332 = arith.mulf %parallel_loop3A_329, %parallel_loop3A_331 : vector<16xf32>
        %parallel_loop3A_333 = vector.shape_cast %broadcast_in_dim3A : vector<16x1xi32> to vector<16xi32>
        %parallel_loop3A_334 = tpu.dynamic_gather %parallel_loop3A_317[%parallel_loop3A_333] in [0] : vector<16xf32>, vector<16xi32> -> vector<16xf32>
        %parallel_loop3A_335 = arith.addf %parallel_loop3A_317, %parallel_loop3A_334 : vector<16xf32>
        %parallel_loop3A_336 = vector.shape_cast %broadcast_in_dim3A_31 : vector<16x1xi32> to vector<16xi32>
        %parallel_loop3A_337 = tpu.dynamic_gather %parallel_loop3A_335[%parallel_loop3A_336] in [0] : vector<16xf32>, vector<16xi32> -> vector<16xf32>
        %parallel_loop3A_338 = arith.addf %parallel_loop3A_335, %parallel_loop3A_337 : vector<16xf32>
        %parallel_loop3A_339 = vector.shape_cast %broadcast_in_dim3A_35 : vector<16x1xi32> to vector<16xi32>
        %parallel_loop3A_340 = tpu.dynamic_gather %parallel_loop3A_338[%parallel_loop3A_339] in [0] : vector<16xf32>, vector<16xi32> -> vector<16xf32>
        %parallel_loop3A_341 = arith.addf %parallel_loop3A_338, %parallel_loop3A_340 : vector<16xf32>
        %parallel_loop3A_342 = vector.shape_cast %broadcast_in_dim3A_39 : vector<16x1xi32> to vector<16xi32>
        %parallel_loop3A_343 = tpu.dynamic_gather %parallel_loop3A_341[%parallel_loop3A_342] in [0] : vector<16xf32>, vector<16xi32> -> vector<16xf32>
        %parallel_loop3A_344 = arith.addf %parallel_loop3A_341, %parallel_loop3A_343 : vector<16xf32>
        %parallel_loop3A_345 = arith.constant 1.562500e-02 : f32
        %parallel_loop3A_346 = vector.broadcast %parallel_loop3A_345 : f32 to vector<16xf32>
        %parallel_loop3A_347 = arith.mulf %parallel_loop3A_344, %parallel_loop3A_346 : vector<16xf32>
        %parallel_loop3A_348 = arith.mulf %parallel_loop3A_332, %parallel_loop3A_332 : vector<16xf32>
        %parallel_loop3A_349 = arith.subf %parallel_loop3A_347, %parallel_loop3A_348 : vector<16xf32>
        %parallel_loop3A_350 = arith.constant 9.99999974E-6 : f32
        %parallel_loop3A_351 = vector.broadcast %parallel_loop3A_350 : f32 to vector<16xf32>
        %parallel_loop3A_352 = arith.addf %parallel_loop3A_349, %parallel_loop3A_351 : vector<16xf32>
        %parallel_loop3A_353 = tpu.bitcast %parallel_loop3A_352 : vector<16xf32> -> vector<16xi32>
        %parallel_loop3A_354 = arith.constant 1 : i32
        %parallel_loop3A_355 = vector.broadcast %parallel_loop3A_354 : i32 to vector<16xi32>
        %parallel_loop3A_356 = arith.shrsi %parallel_loop3A_353, %parallel_loop3A_355 : vector<16xi32>
        %parallel_loop3A_357 = arith.constant 1597463007 : i32
        %parallel_loop3A_358 = vector.broadcast %parallel_loop3A_357 : i32 to vector<16xi32>
        %parallel_loop3A_359 = arith.subi %parallel_loop3A_358, %parallel_loop3A_356 : vector<16xi32>
        %parallel_loop3A_360 = tpu.bitcast %parallel_loop3A_359 : vector<16xi32> -> vector<16xf32>
        %parallel_loop3A_361 = arith.constant 5.000000e-01 : f32
        %parallel_loop3A_362 = vector.broadcast %parallel_loop3A_361 : f32 to vector<16xf32>
        %parallel_loop3A_363 = arith.mulf %parallel_loop3A_362, %parallel_loop3A_352 : vector<16xf32>
        %parallel_loop3A_364 = arith.mulf %parallel_loop3A_363, %parallel_loop3A_360 : vector<16xf32>
        %parallel_loop3A_365 = arith.mulf %parallel_loop3A_364, %parallel_loop3A_360 : vector<16xf32>
        %parallel_loop3A_366 = arith.constant 1.500000e+00 : f32
        %parallel_loop3A_367 = vector.broadcast %parallel_loop3A_366 : f32 to vector<16xf32>
        %parallel_loop3A_368 = arith.subf %parallel_loop3A_367, %parallel_loop3A_365 : vector<16xf32>
        %parallel_loop3A_369 = arith.mulf %parallel_loop3A_360, %parallel_loop3A_368 : vector<16xf32>
        %parallel_loop3A_370 = arith.constant 5.000000e-01 : f32
        %parallel_loop3A_371 = vector.broadcast %parallel_loop3A_370 : f32 to vector<16xf32>
        %parallel_loop3A_372 = arith.mulf %parallel_loop3A_371, %parallel_loop3A_352 : vector<16xf32>
        %parallel_loop3A_373 = arith.mulf %parallel_loop3A_372, %parallel_loop3A_369 : vector<16xf32>
        %parallel_loop3A_374 = arith.mulf %parallel_loop3A_373, %parallel_loop3A_369 : vector<16xf32>
        %parallel_loop3A_375 = arith.constant 1.500000e+00 : f32
        %parallel_loop3A_376 = vector.broadcast %parallel_loop3A_375 : f32 to vector<16xf32>
        %parallel_loop3A_377 = arith.subf %parallel_loop3A_376, %parallel_loop3A_374 : vector<16xf32>
        %parallel_loop3A_378 = arith.mulf %parallel_loop3A_369, %parallel_loop3A_377 : vector<16xf32>
        %parallel_loop3A_379 = arith.constant 5.000000e-01 : f32
        %parallel_loop3A_380 = vector.broadcast %parallel_loop3A_379 : f32 to vector<16xf32>
        %parallel_loop3A_381 = arith.mulf %parallel_loop3A_380, %parallel_loop3A_352 : vector<16xf32>
        %parallel_loop3A_382 = arith.mulf %parallel_loop3A_381, %parallel_loop3A_378 : vector<16xf32>
        %parallel_loop3A_383 = arith.mulf %parallel_loop3A_382, %parallel_loop3A_378 : vector<16xf32>
        %parallel_loop3A_384 = arith.constant 1.500000e+00 : f32
        %parallel_loop3A_385 = vector.broadcast %parallel_loop3A_384 : f32 to vector<16xf32>
        %parallel_loop3A_386 = arith.subf %parallel_loop3A_385, %parallel_loop3A_383 : vector<16xf32>
        %parallel_loop3A_387 = arith.mulf %parallel_loop3A_378, %parallel_loop3A_386 : vector<16xf32>
        %parallel_loop3A_388 = arith.subf %parallel_loop3A_289, %parallel_loop3A_332 : vector<16xf32>
        %parallel_loop3A_389 = arith.mulf %parallel_loop3A_388, %parallel_loop3A_387 : vector<16xf32>
        %parallel_loop3A_390 = arith.mulf %parallel_loop3A_389, %get3A_4 : vector<16xf32>
        %parallel_loop3A_391 = arith.addf %parallel_loop3A_390, %get3A_16 : vector<16xf32>
        %parallel_loop3A_392 = arith.constant 50 : i32
        %parallel_loop3A_393 = arith.divsi %parallel_loop3A_283, %parallel_loop3A_392 : i32
        %parallel_loop3A_394 = arith.constant 0 : i32
        %parallel_loop3A_395 = arith.cmpi sgt, %parallel_loop3A_283, %parallel_loop3A_394 : i32
        %parallel_loop3A_396 = arith.extui %parallel_loop3A_395 : i1 to i32
        %parallel_loop3A_397 = arith.constant 0 : i32
        %parallel_loop3A_398 = arith.cmpi slt, %parallel_loop3A_283, %parallel_loop3A_397 : i32
        %parallel_loop3A_399 = arith.extui %parallel_loop3A_398 : i1 to i32
        %parallel_loop3A_400 = arith.subi %parallel_loop3A_396, %parallel_loop3A_399 : i32
        %parallel_loop3A_401 = arith.constant 0 : i32
        %parallel_loop3A_402 = arith.cmpi sgt, %parallel_loop3A_392, %parallel_loop3A_401 : i32
        %parallel_loop3A_403 = arith.extui %parallel_loop3A_402 : i1 to i32
        %parallel_loop3A_404 = arith.constant 0 : i32
        %parallel_loop3A_405 = arith.cmpi slt, %parallel_loop3A_392, %parallel_loop3A_404 : i32
        %parallel_loop3A_406 = arith.extui %parallel_loop3A_405 : i1 to i32
        %parallel_loop3A_407 = arith.subi %parallel_loop3A_403, %parallel_loop3A_406 : i32
        %parallel_loop3A_408 = arith.cmpi ne, %parallel_loop3A_400, %parallel_loop3A_407 : i32
        %parallel_loop3A_409 = arith.remsi %parallel_loop3A_283, %parallel_loop3A_392 : i32
        %parallel_loop3A_410 = arith.constant 0 : i32
        %parallel_loop3A_411 = arith.cmpi ne, %parallel_loop3A_409, %parallel_loop3A_410 : i32
        %parallel_loop3A_412 = arith.andi %parallel_loop3A_408, %parallel_loop3A_411 : i1
        %parallel_loop3A_413 = arith.constant 1 : i32
        %parallel_loop3A_414 = arith.subi %parallel_loop3A_393, %parallel_loop3A_413 : i32
        %parallel_loop3A_415 = arith.select %parallel_loop3A_412, %parallel_loop3A_414, %parallel_loop3A_393 : i32
        %parallel_loop3A_416 = arith.constant 50 : i32
        %parallel_loop3A_417 = arith.constant 0 : i32
        %parallel_loop3A_418 = arith.cmpi eq, %parallel_loop3A_416, %parallel_loop3A_417 : i32
        %parallel_loop3A_419 = arith.constant 1 : i32
        %parallel_loop3A_420 = arith.select %parallel_loop3A_418, %parallel_loop3A_419, %parallel_loop3A_416 : i32
        %parallel_loop3A_421 = arith.remsi %parallel_loop3A_283, %parallel_loop3A_420 : i32
        %parallel_loop3A_422 = arith.constant 0 : i32
        %parallel_loop3A_423 = arith.cmpi ne, %parallel_loop3A_421, %parallel_loop3A_422 : i32
        %parallel_loop3A_424 = arith.constant 0 : i32
        %parallel_loop3A_425 = arith.cmpi slt, %parallel_loop3A_421, %parallel_loop3A_424 : i32
        %parallel_loop3A_426 = arith.constant 0 : i32
        %parallel_loop3A_427 = arith.cmpi slt, %parallel_loop3A_420, %parallel_loop3A_426 : i32
        %parallel_loop3A_428 = arith.xori %parallel_loop3A_425, %parallel_loop3A_427 : i1
        %parallel_loop3A_429 = arith.andi %parallel_loop3A_428, %parallel_loop3A_423 : i1
        %parallel_loop3A_430 = arith.addi %parallel_loop3A_421, %parallel_loop3A_420 : i32
        %parallel_loop3A_431 = arith.select %parallel_loop3A_429, %parallel_loop3A_430, %parallel_loop3A_421 : i32
        %parallel_loop3A_432 = arith.index_cast %parallel_loop3A_415 : i32 to index
        %parallel_loop3A_433 = arith.index_cast %parallel_loop3A_431 : i32 to index
        %parallel_loop3A_434 = arith.constant 0 : index
        %parallel_loop3A_435 = tpu.vector_load %arg9[%parallel_loop3A_432, %parallel_loop3A_433, %parallel_loop3A_434] {strides = array<i32>} : memref<4x50x64xf32, #tpu.memory_space<vmem>>, vector<1x1x16xf32>,
        %parallel_loop3A_436 = vector.shape_cast %parallel_loop3A_435 : vector<1x1x16xf32> to vector<16xf32>
        %parallel_loop3A_437 = vector.shape_cast %parallel_loop3A_391 : vector<16xf32> to vector<1x1x16xf32>
        tpu.vector_store %arg9[%parallel_loop3A_432, %parallel_loop3A_433, %parallel_loop3A_434], %parallel_loop3A_437 {strides = array<i32>} : memref<4x50x64xf32, #tpu.memory_space<vmem>>, vector<1x1x16xf32>,
        %parallel_loop3A_438 = arith.subf %parallel_loop3A_295, %parallel_loop3A_332 : vector<16xf32>
        %parallel_loop3A_439 = arith.mulf %parallel_loop3A_438, %parallel_loop3A_387 : vector<16xf32>
        %parallel_loop3A_440 = arith.mulf %parallel_loop3A_439, %get3A_7 : vector<16xf32>
        %parallel_loop3A_441 = arith.addf %parallel_loop3A_440, %get3A_19 : vector<16xf32>
        %parallel_loop3A_442 = arith.constant 50 : i32
        %parallel_loop3A_443 = arith.divsi %parallel_loop3A_283, %parallel_loop3A_442 : i32
        %parallel_loop3A_444 = arith.constant 0 : i32
        %parallel_loop3A_445 = arith.cmpi sgt, %parallel_loop3A_283, %parallel_loop3A_444 : i32
        %parallel_loop3A_446 = arith.extui %parallel_loop3A_445 : i1 to i32
        %parallel_loop3A_447 = arith.constant 0 : i32
        %parallel_loop3A_448 = arith.cmpi slt, %parallel_loop3A_283, %parallel_loop3A_447 : i32
        %parallel_loop3A_449 = arith.extui %parallel_loop3A_448 : i1 to i32
        %parallel_loop3A_450 = arith.subi %parallel_loop3A_446, %parallel_loop3A_449 : i32
        %parallel_loop3A_451 = arith.constant 0 : i32
        %parallel_loop3A_452 = arith.cmpi sgt, %parallel_loop3A_442, %parallel_loop3A_451 : i32
        %parallel_loop3A_453 = arith.extui %parallel_loop3A_452 : i1 to i32
        %parallel_loop3A_454 = arith.constant 0 : i32
        %parallel_loop3A_455 = arith.cmpi slt, %parallel_loop3A_442, %parallel_loop3A_454 : i32
        %parallel_loop3A_456 = arith.extui %parallel_loop3A_455 : i1 to i32
        %parallel_loop3A_457 = arith.subi %parallel_loop3A_453, %parallel_loop3A_456 : i32
        %parallel_loop3A_458 = arith.cmpi ne, %parallel_loop3A_450, %parallel_loop3A_457 : i32
        %parallel_loop3A_459 = arith.remsi %parallel_loop3A_283, %parallel_loop3A_442 : i32
        %parallel_loop3A_460 = arith.constant 0 : i32
        %parallel_loop3A_461 = arith.cmpi ne, %parallel_loop3A_459, %parallel_loop3A_460 : i32
        %parallel_loop3A_462 = arith.andi %parallel_loop3A_458, %parallel_loop3A_461 : i1
        %parallel_loop3A_463 = arith.constant 1 : i32
        %parallel_loop3A_464 = arith.subi %parallel_loop3A_443, %parallel_loop3A_463 : i32
        %parallel_loop3A_465 = arith.select %parallel_loop3A_462, %parallel_loop3A_464, %parallel_loop3A_443 : i32
        %parallel_loop3A_466 = arith.constant 50 : i32
        %parallel_loop3A_467 = arith.constant 0 : i32
        %parallel_loop3A_468 = arith.cmpi eq, %parallel_loop3A_466, %parallel_loop3A_467 : i32
        %parallel_loop3A_469 = arith.constant 1 : i32
        %parallel_loop3A_470 = arith.select %parallel_loop3A_468, %parallel_loop3A_469, %parallel_loop3A_466 : i32
        %parallel_loop3A_471 = arith.remsi %parallel_loop3A_283, %parallel_loop3A_470 : i32
        %parallel_loop3A_472 = arith.constant 0 : i32
        %parallel_loop3A_473 = arith.cmpi ne, %parallel_loop3A_471, %parallel_loop3A_472 : i32
        %parallel_loop3A_474 = arith.constant 0 : i32
        %parallel_loop3A_475 = arith.cmpi slt, %parallel_loop3A_471, %parallel_loop3A_474 : i32
        %parallel_loop3A_476 = arith.constant 0 : i32
        %parallel_loop3A_477 = arith.cmpi slt, %parallel_loop3A_470, %parallel_loop3A_476 : i32
        %parallel_loop3A_478 = arith.xori %parallel_loop3A_475, %parallel_loop3A_477 : i1
        %parallel_loop3A_479 = arith.andi %parallel_loop3A_478, %parallel_loop3A_473 : i1
        %parallel_loop3A_480 = arith.addi %parallel_loop3A_471, %parallel_loop3A_470 : i32
        %parallel_loop3A_481 = arith.select %parallel_loop3A_479, %parallel_loop3A_480, %parallel_loop3A_471 : i32
        %parallel_loop3A_482 = arith.index_cast %parallel_loop3A_465 : i32 to index
        %parallel_loop3A_483 = arith.index_cast %parallel_loop3A_481 : i32 to index
        %parallel_loop3A_484 = arith.constant 16 : index
        %parallel_loop3A_485 = tpu.vector_load %arg9[%parallel_loop3A_482, %parallel_loop3A_483, %parallel_loop3A_484] {strides = array<i32>} : memref<4x50x64xf32, #tpu.memory_space<vmem>>, vector<1x1x16xf32>,
        %parallel_loop3A_486 = vector.shape_cast %parallel_loop3A_485 : vector<1x1x16xf32> to vector<16xf32>
        %parallel_loop3A_487 = vector.shape_cast %parallel_loop3A_441 : vector<16xf32> to vector<1x1x16xf32>
        tpu.vector_store %arg9[%parallel_loop3A_482, %parallel_loop3A_483, %parallel_loop3A_484], %parallel_loop3A_487 {strides = array<i32>} : memref<4x50x64xf32, #tpu.memory_space<vmem>>, vector<1x1x16xf32>,
        %parallel_loop3A_488 = arith.subf %parallel_loop3A_301, %parallel_loop3A_332 : vector<16xf32>
        %parallel_loop3A_489 = arith.mulf %parallel_loop3A_488, %parallel_loop3A_387 : vector<16xf32>
        %parallel_loop3A_490 = arith.mulf %parallel_loop3A_489, %get3A_10 : vector<16xf32>
        %parallel_loop3A_491 = arith.addf %parallel_loop3A_490, %get3A_22 : vector<16xf32>
        %parallel_loop3A_492 = arith.constant 50 : i32
        %parallel_loop3A_493 = arith.divsi %parallel_loop3A_283, %parallel_loop3A_492 : i32
        %parallel_loop3A_494 = arith.constant 0 : i32
        %parallel_loop3A_495 = arith.cmpi sgt, %parallel_loop3A_283, %parallel_loop3A_494 : i32
        %parallel_loop3A_496 = arith.extui %parallel_loop3A_495 : i1 to i32
        %parallel_loop3A_497 = arith.constant 0 : i32
        %parallel_loop3A_498 = arith.cmpi slt, %parallel_loop3A_283, %parallel_loop3A_497 : i32
        %parallel_loop3A_499 = arith.extui %parallel_loop3A_498 : i1 to i32
        %parallel_loop3A_500 = arith.subi %parallel_loop3A_496, %parallel_loop3A_499 : i32
        %parallel_loop3A_501 = arith.constant 0 : i32
        %parallel_loop3A_502 = arith.cmpi sgt, %parallel_loop3A_492, %parallel_loop3A_501 : i32
        %parallel_loop3A_503 = arith.extui %parallel_loop3A_502 : i1 to i32
        %parallel_loop3A_504 = arith.constant 0 : i32
        %parallel_loop3A_505 = arith.cmpi slt, %parallel_loop3A_492, %parallel_loop3A_504 : i32
        %parallel_loop3A_506 = arith.extui %parallel_loop3A_505 : i1 to i32
        %parallel_loop3A_507 = arith.subi %parallel_loop3A_503, %parallel_loop3A_506 : i32
        %parallel_loop3A_508 = arith.cmpi ne, %parallel_loop3A_500, %parallel_loop3A_507 : i32
        %parallel_loop3A_509 = arith.remsi %parallel_loop3A_283, %parallel_loop3A_492 : i32
        %parallel_loop3A_510 = arith.constant 0 : i32
        %parallel_loop3A_511 = arith.cmpi ne, %parallel_loop3A_509, %parallel_loop3A_510 : i32
        %parallel_loop3A_512 = arith.andi %parallel_loop3A_508, %parallel_loop3A_511 : i1
        %parallel_loop3A_513 = arith.constant 1 : i32
        %parallel_loop3A_514 = arith.subi %parallel_loop3A_493, %parallel_loop3A_513 : i32
        %parallel_loop3A_515 = arith.select %parallel_loop3A_512, %parallel_loop3A_514, %parallel_loop3A_493 : i32
        %parallel_loop3A_516 = arith.constant 50 : i32
        %parallel_loop3A_517 = arith.constant 0 : i32
        %parallel_loop3A_518 = arith.cmpi eq, %parallel_loop3A_516, %parallel_loop3A_517 : i32
        %parallel_loop3A_519 = arith.constant 1 : i32
        %parallel_loop3A_520 = arith.select %parallel_loop3A_518, %parallel_loop3A_519, %parallel_loop3A_516 : i32
        %parallel_loop3A_521 = arith.remsi %parallel_loop3A_283, %parallel_loop3A_520 : i32
        %parallel_loop3A_522 = arith.constant 0 : i32
        %parallel_loop3A_523 = arith.cmpi ne, %parallel_loop3A_521, %parallel_loop3A_522 : i32
        %parallel_loop3A_524 = arith.constant 0 : i32
        %parallel_loop3A_525 = arith.cmpi slt, %parallel_loop3A_521, %parallel_loop3A_524 : i32
        %parallel_loop3A_526 = arith.constant 0 : i32
        %parallel_loop3A_527 = arith.cmpi slt, %parallel_loop3A_520, %parallel_loop3A_526 : i32
        %parallel_loop3A_528 = arith.xori %parallel_loop3A_525, %parallel_loop3A_527 : i1
        %parallel_loop3A_529 = arith.andi %parallel_loop3A_528, %parallel_loop3A_523 : i1
        %parallel_loop3A_530 = arith.addi %parallel_loop3A_521, %parallel_loop3A_520 : i32
        %parallel_loop3A_531 = arith.select %parallel_loop3A_529, %parallel_loop3A_530, %parallel_loop3A_521 : i32
        %parallel_loop3A_532 = arith.index_cast %parallel_loop3A_515 : i32 to index
        %parallel_loop3A_533 = arith.index_cast %parallel_loop3A_531 : i32 to index
        %parallel_loop3A_534 = arith.constant 32 : index
        %parallel_loop3A_535 = tpu.vector_load %arg9[%parallel_loop3A_532, %parallel_loop3A_533, %parallel_loop3A_534] {strides = array<i32>} : memref<4x50x64xf32, #tpu.memory_space<vmem>>, vector<1x1x16xf32>,
        %parallel_loop3A_536 = vector.shape_cast %parallel_loop3A_535 : vector<1x1x16xf32> to vector<16xf32>
        %parallel_loop3A_537 = vector.shape_cast %parallel_loop3A_491 : vector<16xf32> to vector<1x1x16xf32>
        tpu.vector_store %arg9[%parallel_loop3A_532, %parallel_loop3A_533, %parallel_loop3A_534], %parallel_loop3A_537 {strides = array<i32>} : memref<4x50x64xf32, #tpu.memory_space<vmem>>, vector<1x1x16xf32>,
        %parallel_loop3A_538 = arith.subf %parallel_loop3A_307, %parallel_loop3A_332 : vector<16xf32>
        %parallel_loop3A_539 = arith.mulf %parallel_loop3A_538, %parallel_loop3A_387 : vector<16xf32>
        %parallel_loop3A_540 = arith.mulf %parallel_loop3A_539, %get3A_13 : vector<16xf32>
        %parallel_loop3A_541 = arith.addf %parallel_loop3A_540, %get3A_25 : vector<16xf32>
        %parallel_loop3A_542 = arith.constant 50 : i32
        %parallel_loop3A_543 = arith.divsi %parallel_loop3A_283, %parallel_loop3A_542 : i32
        %parallel_loop3A_544 = arith.constant 0 : i32
        %parallel_loop3A_545 = arith.cmpi sgt, %parallel_loop3A_283, %parallel_loop3A_544 : i32
        %parallel_loop3A_546 = arith.extui %parallel_loop3A_545 : i1 to i32
        %parallel_loop3A_547 = arith.constant 0 : i32
        %parallel_loop3A_548 = arith.cmpi slt, %parallel_loop3A_283, %parallel_loop3A_547 : i32
        %parallel_loop3A_549 = arith.extui %parallel_loop3A_548 : i1 to i32
        %parallel_loop3A_550 = arith.subi %parallel_loop3A_546, %parallel_loop3A_549 : i32
        %parallel_loop3A_551 = arith.constant 0 : i32
        %parallel_loop3A_552 = arith.cmpi sgt, %parallel_loop3A_542, %parallel_loop3A_551 : i32
        %parallel_loop3A_553 = arith.extui %parallel_loop3A_552 : i1 to i32
        %parallel_loop3A_554 = arith.constant 0 : i32
        %parallel_loop3A_555 = arith.cmpi slt, %parallel_loop3A_542, %parallel_loop3A_554 : i32
        %parallel_loop3A_556 = arith.extui %parallel_loop3A_555 : i1 to i32
        %parallel_loop3A_557 = arith.subi %parallel_loop3A_553, %parallel_loop3A_556 : i32
        %parallel_loop3A_558 = arith.cmpi ne, %parallel_loop3A_550, %parallel_loop3A_557 : i32
        %parallel_loop3A_559 = arith.remsi %parallel_loop3A_283, %parallel_loop3A_542 : i32
        %parallel_loop3A_560 = arith.constant 0 : i32
        %parallel_loop3A_561 = arith.cmpi ne, %parallel_loop3A_559, %parallel_loop3A_560 : i32
        %parallel_loop3A_562 = arith.andi %parallel_loop3A_558, %parallel_loop3A_561 : i1
        %parallel_loop3A_563 = arith.constant 1 : i32
        %parallel_loop3A_564 = arith.subi %parallel_loop3A_543, %parallel_loop3A_563 : i32
        %parallel_loop3A_565 = arith.select %parallel_loop3A_562, %parallel_loop3A_564, %parallel_loop3A_543 : i32
        %parallel_loop3A_566 = arith.constant 50 : i32
        %parallel_loop3A_567 = arith.constant 0 : i32
        %parallel_loop3A_568 = arith.cmpi eq, %parallel_loop3A_566, %parallel_loop3A_567 : i32
        %parallel_loop3A_569 = arith.constant 1 : i32
        %parallel_loop3A_570 = arith.select %parallel_loop3A_568, %parallel_loop3A_569, %parallel_loop3A_566 : i32
        %parallel_loop3A_571 = arith.remsi %parallel_loop3A_283, %parallel_loop3A_570 : i32
        %parallel_loop3A_572 = arith.constant 0 : i32
        %parallel_loop3A_573 = arith.cmpi ne, %parallel_loop3A_571, %parallel_loop3A_572 : i32
        %parallel_loop3A_574 = arith.constant 0 : i32
        %parallel_loop3A_575 = arith.cmpi slt, %parallel_loop3A_571, %parallel_loop3A_574 : i32
        %parallel_loop3A_576 = arith.constant 0 : i32
        %parallel_loop3A_577 = arith.cmpi slt, %parallel_loop3A_570, %parallel_loop3A_576 : i32
        %parallel_loop3A_578 = arith.xori %parallel_loop3A_575, %parallel_loop3A_577 : i1
        %parallel_loop3A_579 = arith.andi %parallel_loop3A_578, %parallel_loop3A_573 : i1
        %parallel_loop3A_580 = arith.addi %parallel_loop3A_571, %parallel_loop3A_570 : i32
        %parallel_loop3A_581 = arith.select %parallel_loop3A_579, %parallel_loop3A_580, %parallel_loop3A_571 : i32
        %parallel_loop3A_582 = arith.index_cast %parallel_loop3A_565 : i32 to index
        %parallel_loop3A_583 = arith.index_cast %parallel_loop3A_581 : i32 to index
        %parallel_loop3A_584 = arith.constant 48 : index
        %parallel_loop3A_585 = tpu.vector_load %arg9[%parallel_loop3A_582, %parallel_loop3A_583, %parallel_loop3A_584] {strides = array<i32>} : memref<4x50x64xf32, #tpu.memory_space<vmem>>, vector<1x1x16xf32>,
        %parallel_loop3A_586 = vector.shape_cast %parallel_loop3A_585 : vector<1x1x16xf32> to vector<16xf32>
        %parallel_loop3A_587 = vector.shape_cast %parallel_loop3A_541 : vector<16xf32> to vector<1x1x16xf32>
        tpu.vector_store %arg9[%parallel_loop3A_582, %parallel_loop3A_583, %parallel_loop3A_584], %parallel_loop3A_587 {strides = array<i32>} : memref<4x50x64xf32, #tpu.memory_space<vmem>>, vector<1x1x16xf32>,
      } {sc.loop_unroll_factor = 8 : i64, sc.parallel_access}
      %mul3A_278 = arith.constant 4 : i32
      %mul3A_279 = arith.muli %add3A_259, %mul3A_278 : i32
      %add3A_280 = arith.addi %mul3A_2, %mul3A_279 : i32
      %multiple_of3A_281 = tpu.assume_multiple %add3A_280, 4 : i32
      "tpu.region"() ({
        %run_scoped3A_283 = tpu.sem_alloc : memref<!tpu.dma_semaphore, #tpu.memory_space<semaphore_mem>>
        %dma_start3A_284 = arith.constant 0 : i32
        %dma_start3A_285 = arith.constant 0 : i32
        %dma_start3A_286 = tpu.memref_slice %arg6[%multiple_of3A_281, %dma_start3A_284, %dma_start3A_285] : memref<16384x50x64xf32, #tpu.memory_space<hbm>> -> memref<4x50x64xf32, #tpu.memory_space<hbm>>
        %dma_start3A_287 = arith.constant 0 : i32
        %dma_start3A_288 = arith.constant 0 : i32
        %dma_start3A_289 = tpu.memref_slice %arg6[%multiple_of3A_281, %dma_start3A_287, %dma_start3A_288] : memref<16384x50x64xf32, #tpu.memory_space<hbm>> -> memref<4x50x64xf32, #tpu.memory_space<hbm>>
        tpu.enqueue_dma source(%arg9 : memref<4x50x64xf32, #tpu.memory_space<vmem>>) target(%dma_start3A_289 : memref<4x50x64xf32, #tpu.memory_space<hbm>>) target_semaphore(%run_scoped3A_283 : memref<!tpu.dma_semaphore, #tpu.memory_space<semaphore_mem>>)
        %dma_wait3A_290 = arith.constant 0 : i32
        %dma_wait3A_291 = arith.constant 0 : i32
        %dma_wait3A_292 = tpu.memref_slice %arg6[%multiple_of3A_281, %dma_wait3A_290, %dma_wait3A_291] : memref<16384x50x64xf32, #tpu.memory_space<hbm>> -> memref<4x50x64xf32, #tpu.memory_space<hbm>>
        %dma_wait3A_293 = arith.constant 0 : i32
        %dma_wait3A_294 = arith.constant 0 : i32
        %dma_wait3A_295 = tpu.memref_slice %arg6[%multiple_of3A_281, %dma_wait3A_293, %dma_wait3A_294] : memref<16384x50x64xf32, #tpu.memory_space<hbm>> -> memref<4x50x64xf32, #tpu.memory_space<hbm>>
        tpu.wait_dma2 semaphore(%run_scoped3A_283 : memref<!tpu.dma_semaphore, #tpu.memory_space<semaphore_mem>>) src(%arg9 : memref<4x50x64xf32, #tpu.memory_space<vmem>>) dst(%dma_wait3A_295 : memref<4x50x64xf32, #tpu.memory_space<hbm>>)
        tpu.yield
      }) : () -> ()
      %scan3A_282 = arith.constant 0 : i32
      scf.yield %scan3A_282 : i32
    }
    %scan3A_99 = arith.constant 64 : i32
    %dma_wait3A = arith.constant 0 : i32
    %dma_wait3A_100 = arith.constant 0 : i32
    %dma_wait3A_101 = arith.constant 0 : i32
    %dma_wait3A_102 = tpu.memref_slice %arg8[%dma_wait3A, %dma_wait3A_100, %dma_wait3A_101] : memref<2x200x128xf32, #tpu.memory_space<vmem>> -> memref<1x200x128xf32, #tpu.memory_space<vmem>>
    %dma_wait3A_103 = tpu.memref_squeeze %dma_wait3A_102 : memref<1x200x128xf32, #tpu.memory_space<vmem>> -> memref<200x128xf32, #tpu.memory_space<vmem>>
    %dma_wait3A_104 = arith.constant 0 : i32
    %dma_wait3A_105 = arith.constant 0 : i32
    %dma_wait3A_106 = tpu.memref_slice %arg3[%dma_wait3A_104, %dma_wait3A_105] : memref<1000000x128xf32, #tpu.memory_space<hbm>> -> memref<200x128xf32, #tpu.memory_space<hbm>>
    %dma_wait3A_107 = arith.constant 0 : i32
    %dma_wait3A_108 = arith.constant 0 : i32
    %dma_wait3A_109 = tpu.memref_slice %arg8[%dma_wait3A, %dma_wait3A_107, %dma_wait3A_108] : memref<2x200x128xf32, #tpu.memory_space<vmem>> -> memref<1x200x128xf32, #tpu.memory_space<vmem>>
    %dma_wait3A_110 = tpu.memref_squeeze %dma_wait3A_109 : memref<1x200x128xf32, #tpu.memory_space<vmem>> -> memref<200x128xf32, #tpu.memory_space<vmem>>
    %dma_wait3A_111 = arith.constant 0 : i32
    %dma_wait3A_112 = arith.constant 0 : i32
    %dma_wait3A_113 = tpu.memref_slice %arg3[%dma_wait3A_111, %dma_wait3A_112] : memref<1000000x128xf32, #tpu.memory_space<hbm>> -> memref<200x128xf32, #tpu.memory_space<hbm>>
    tpu.wait_dma2 semaphore(%arg12 : memref<!tpu.dma_semaphore, #tpu.memory_space<semaphore_mem>>) src(%dma_wait3A_113 : memref<200x128xf32, #tpu.memory_space<hbm>>) dst(%dma_wait3A_110 : memref<200x128xf32, #tpu.memory_space<vmem>>)
    return
  }
}

module attributes {stable_mosaic.version = 14 : i64} {
  func.func @_tpad_tc(%arg0: i32, %arg1: memref<64x7936xf32, #tpu.memory_space<vmem>>, %arg2: memref<7936x128xf32, #tpu.memory_space<vmem>>) attributes {dimension_semantics = [#tpu.dimension_semantics<arbitrary>], iteration_bounds = array<i64: 127>, scalar_prefetch = 0 : i64, scratch_operands = 0 : i64, tpu.core_type = #tpu.core_type<tc>, window_params = [{transform_indices = @transform_0, window_bounds = array<i64: 64, 7936>}, {transform_indices = @transform_1, window_bounds = array<i64: 7936, 128>}]} {
    %get3A = arith.constant 0 : index
    %get3A_0 = arith.constant 0 : index
    %get3A_1 = vector.load %arg1[%get3A, %get3A_0] : memref<64x7936xf32, #tpu.memory_space<vmem>>, vector<64x7936xf32>
    %transpose3A = tpu.transpose %get3A_1, [1, 0] : vector<64x7936xf32> -> vector<7936x64xf32>
    %broadcast_in_dim3A = arith.constant 0.000000e+00 : f32
    %broadcast_in_dim3A_2 = vector.broadcast %broadcast_in_dim3A : f32 to vector<7936x64xf32>
    %concatenate3A = tpu.concatenate %transpose3A, %broadcast_in_dim3A_2 in 1 : vector<7936x64xf32>, vector<7936x64xf32> -> vector<7936x128xf32>
    %swap3A = arith.constant 0 : index
    %swap3A_3 = arith.constant 0 : index
    %swap3A_4 = vector.load %arg2[%swap3A, %swap3A_3] : memref<7936x128xf32, #tpu.memory_space<vmem>>, vector<7936x128xf32>
    tpu.vector_store %arg2[%swap3A, %swap3A_3], %concatenate3A {strides = array<i32>} : memref<7936x128xf32, #tpu.memory_space<vmem>>, vector<7936x128xf32>,
    return
  }
  func.func @transform_0(%arg0: i32) -> (i32, i32) {
    %c0_i32 = arith.constant 0 : i32
    %c0_i32_0 = arith.constant 0 : i32
    return %c0_i32, %arg0 : i32, i32
  }
  func.func @transform_1(%arg0: i32) -> (i32, i32) {
    %c0_i32 = arith.constant 0 : i32
    %c0_i32_0 = arith.constant 0 : i32
    return %arg0, %c0_i32 : i32, i32
  }
}

</mosaic_0001>

<sc_bundles>
// kernel: kernel.4.cloned.1.call-start
scs
__scs_entry_jumppad:
0x0: {  	(pc) =	sbr.rel $0x88, $3  }
0x1: {  	(tag) =	ssettag $0x0;
	lr =	simm.s32 $0x1  }
0x2: {  	[smem:$0x3F9D] =	sst lr;
	_ =	strace $0xD0000000  }
0x3: {  	_ = 	snop  }
0x4: {  	_ = 	snop  }
0x5: {  	_ = 	snop  }
0x6: {  	_ = 	snop  }
0x7: {  	_ = 	snop  }
__scs_overlays_trampoline_lowered:
0x8: {  	[smem:$0x3FAC] =	sst s0  }
0x9: {  	[smem:$0x3FAD] =	sst s1  }
0xa: {  	[smem:$0x3FAE] =	sst s2  }
0xb: {  	[smem:$0x3FAF] =	sst s3  }
0xc: {  	[smem:$0x3FB0] =	sst s4  }
0xd: {  	[smem:$0x3FB1] =	sst s5  }
0xe: {  	[smem:$0x3FB2] =	sst s6  }
0xf: {  	[smem:$0x3FB3] =	sst s7  }
0x10: {  	[smem:$0x3FB4] =	sst s8  }
0x11: {  	[smem:$0x3FB5] =	sst s9;
	s0 =	simm.s32 @!p0 $0x0  }
0x12: {  	s1 =	sld [smem:$0x3F9B];
	s0 =	simm.s32 @p0 $0x1  }
0x13: {  	[smem:$0x3FB6] =	sst s0;
	s0 =	simm.s32 @!p1 $0x0  }
0x14: {  	s2 =	sld [smem:$0x3F9A];
	s0 =	simm.s32 @p1 $0x1  }
0x15: {  	[smem:$0x3FB7] =	sst s0;
	s0 =	simm.s32 @!p2 $0x0  }
0x16: {  	s3 =	sld [smem:$0x3FDB];
	s0 =	simm.s32 @p2 $0x1  }
0x17: {  	s4 =	simm.s32 $0x1BF5;
	[smem:$0x3FB9] =	sst s0  }
0x18: {  	s0 =	sld [smem:$0x3F9C];
	_ =	swait.ge [sflag:s4], $0x0  }
0x19: {  	s7 =	sld [smem:$0x3F9D]  }
0x1a: {  	s8 =	sadd.s32 $0xFFFFE003, lr  }
0x1b: {  	s9 =	sadd.s32 $0xFFFFFEF7, lr;
	s5 =	simm.s32 $0xFFFFFFFF;
	p2 =	slt.u32 s8, $0xFFFFF086  }
0x1c: {  	p1 =	slt.u32 s9, $0xF7A;
	s5 =	simm.s32 @!p2 $0x0  }
0x1d: {  	s5 =	simm.s32 @p1 $0x1;
	p0 =	seq.s32 s7, s2  }
0x1e: {  	s7 =	smul.u32 @!p0 $0xF7A, s2;
	p2 =	seq.s32 @!p0 s5, $0x0  }
0x1f: {  	s9 =	smul.u32 $0xF7A, s1;
	s8 =	simm.s32 @!p0 $0x1BF5;
	p2 =	por !p2, p0  }
0x20: {  	[sflag:s8] =	ssyncset.s32 @!p0 $0xFFFFF086;
	s6 =	sadd.s32 @!p0 s3, s7;
	s7 =	simm.s32 @!p0 $0x108  }
0x21: {  	s3 =	sadd.s32 s3, s9;
	s6 =	sadd.s32 @!p0 $0x88, s6;
	s7 =	simm.s32 @p2 $0x1082  }
0x22: {  	[simem:s7], [sflag:s8] =	dma.local @!p0 [hbm:s6], $0xF7A  }
0x23: {  	s9 =	sor.u32 $0xD0000000, s2;
	s6 =	simm.s32 $0x108;
	_ =	swait.ge @!p0 [sflag:s8], $0x0  }
0x24: {  	s3 =	sadd.s32 $0x88, s3;
	s6 =	simm.s32 @!p1 $0x1082;
	[sflag:s4] =	ssyncset.s32 $0xFFFFF086  }
0x25: {  	[simem:s6], [sflag:s4] =	dma.local [hbm:s3], $0xF7A  }
0x26: {  	[smem:$0x3F9D] =	sst s1;
	(tag) =	ssettag s2;
	_ =	strace s9  }
0x27: {  	s1 =	sld [smem:$0x3FAD]  }
0x28: {  	s2 =	sld [smem:$0x3FAE]  }
0x29: {  	s4 =	sld [smem:$0x3FB0]  }
0x2a: {  	p0 =	seq.s32 s5, $0x0;
	s5 =	sld [smem:$0x3FB1]  }
0x2b: {  	s6 =	sld [smem:$0x3FB2]  }
0x2c: {  	s7 =	sld [smem:$0x3FB3]  }
0x2d: {  	s3 =	simm.s32 $0x108;
	s8 =	sld [smem:$0x3FB4]  }
0x2e: {  	s3 =	simm.s32 @!p0 $0x1082;
	s9 =	sld [smem:$0x3FB5]  }
0x2f: {  	lr =	sadd.s32 s0, s3;
	s0 =	sld [smem:$0x3FAC]  }
0x30: {  	s3 =	sld [smem:$0x3FAF]  }
0x31: {  	[smem:$0x3FB8] =	sst s10  }
0x32: {  	s10 =	sld [smem:$0x3FB6];
	_ =	sdelay $0x3  }
0x33: {  	p0 =	seq.s32 s10, $0x1;
	s10 =	sld [smem:$0x3FB8];
	_ =	sdelay $0x3  }
0x34: {  	[smem:$0x3FB8] =	sst s10  }
0x35: {  	s10 =	sld [smem:$0x3FB7];
	_ =	sdelay $0x3  }
0x36: {  	p1 =	seq.s32 s10, $0x1;
	s10 =	sld [smem:$0x3FB8];
	_ =	sdelay $0x3  }
0x37: {  	[smem:$0x3FB8] =	sst s10  }
0x38: {  	s10 =	sld [smem:$0x3FB9]  }
0x39: {  	_ = 	snop;
	(pc) =	sbr.ind lr, $3  }
0x3a: {  	_ = 	snop  }
0x3b: {  	_ = 	snop  }
0x3c: {  	p2 =	seq.s32 s10, $0x1;
	s10 =	sld [smem:$0x3FB8]  }
0x3d: {  	_ =	shalt  }
0x3e: {  	_ =	shalt  }
0x3f: {  	_ =	shalt  }
0x40: {  	_ =	shalt  }
0x41: {  	_ =	shalt  }
0x42: {  	_ =	shalt  }
0x43: {  	_ =	shalt  }
0x44: {  	_ =	shalt  }
0x45: {  	_ =	shalt  }
0x46: {  	_ =	shalt  }
0x47: {  	_ =	shalt  }
0x48: {  	_ =	shalt  }
0x49: {  	_ =	shalt  }
0x4a: {  	_ =	shalt  }
0x4b: {  	_ =	shalt  }
0x4c: {  	_ =	shalt  }
0x4d: {  	_ =	shalt  }
0x4e: {  	_ =	shalt  }
0x4f: {  	_ =	shalt  }
0x50: {  	_ =	shalt  }
0x51: {  	_ =	shalt  }
0x52: {  	_ =	shalt  }
0x53: {  	_ =	shalt  }
0x54: {  	_ =	shalt  }
0x55: {  	_ =	shalt  }
0x56: {  	_ =	shalt  }
0x57: {  	_ =	shalt  }
0x58: {  	_ =	shalt  }
0x59: {  	_ =	shalt  }
0x5a: {  	_ =	shalt  }
0x5b: {  	_ =	shalt  }
0x5c: {  	_ =	shalt  }
0x5d: {  	_ =	shalt  }
0x5e: {  	_ =	shalt  }
0x5f: {  	_ =	shalt  }
0x60: {  	_ =	shalt  }
0x61: {  	_ =	shalt  }
0x62: {  	_ =	shalt  }
0x63: {  	_ =	shalt  }
0x64: {  	_ =	shalt  }
0x65: {  	_ =	shalt  }
0x66: {  	_ =	shalt  }
0x67: {  	_ =	shalt  }
0x68: {  	_ =	shalt  }
0x69: {  	_ =	shalt  }
0x6a: {  	_ =	shalt  }
0x6b: {  	_ =	shalt  }
0x6c: {  	_ =	shalt  }
0x6d: {  	_ =	shalt  }
0x6e: {  	_ =	shalt  }
0x6f: {  	_ =	shalt  }
0x70: {  	_ =	shalt  }
0x71: {  	_ =	shalt  }
0x72: {  	_ =	shalt  }
0x73: {  	_ =	shalt  }
0x74: {  	_ =	shalt  }
0x75: {  	_ =	shalt  }
0x76: {  	_ =	shalt  }
0x77: {  	_ =	shalt  }
0x78: {  	_ =	shalt  }
0x79: {  	_ =	shalt  }
0x7a: {  	_ =	shalt  }
0x7b: {  	_ =	shalt  }
0x7c: {  	_ =	shalt  }
0x7d: {  	_ =	shalt  }
0x7e: {  	_ =	shalt  }
0x7f: {  	_ =	shalt  }
0x80: {  	_ =	shalt  }
0x81: {  	_ =	shalt  }
0x82: {  	_ =	shalt  }
0x83: {  	_ =	shalt  }
0x84: {  	_ =	shalt  }
0x85: {  	_ =	shalt  }
0x86: {  	_ =	shalt  }
0x87: {  	_ =	shalt  }
.Lfunc_end0:
.L_simem_size_0:
called_computation_lowered:
.L_overlay_start_0:
0x88: {  	s2 =	sld [smem:$0x3FD9]  }
0x89: {  	s3 =	sld [smem:$0x3FFE];
	_ =	sdelay $0x1  }
0x8a: {  	s1 =	srdreg.scid  }
0x8b: {  	s0 =	sand.u32 $0x1, s1  }
0x8c: {  	s17 =	sshll.u32 s0, $0xA;
	s2 =	sadd.s32 s3, s2  }
0x8d: {  	s2 =	sadd.s32 s2, s17  }
0x8e: {  	[smem:$0x3FC4] =	sst s2  }
0x8f: {  	_ = 	snop  }
0x90: {  	s2 =	sld [smem:$0x3FC7]  }
0x91: {  	s18 =	sld [smem:$0x3FC6]  }
0x92: {  	s4 =	sld [smem:$0x3FD0];
	(tm) =	ssettm $0x1  }
0x93: {  	s5 =	sld [smem:$0x3FFB];
	_ =	sdelay $0x3  }
0x94: {  	_ =	strace s5  }
0x95: {  	s5 =	sld [smem:$0x3FFC];
	_ =	sdelay $0x3  }
0x96: {  	_ =	strace s5  }
0x97: {  	s5 =	sld [smem:$0x3FFD];
	_ =	sdelay $0x3  }
0x98: {  	_ =	strace s5  }
0x99: {  	_ =	strace $0x8FFFFFFF  }
0x9a: {  	s19 =	sld [smem:$0x3FDB];
	_ =	sdelay $0x1  }
0x9b: {  	s6 =	simm.s32 $_scs_section_size  }
0x9c: {  	s7 =	simm.s32 $_size__tile_overlayer_lowered;
	s8 =	simm.s32 $_tile_overlayer_lowered  }
0x9d: {  	s22 =	simm.s32 $0x1BFF;
	s21 =	sshll.u32 s8, $0x1;
	s5 =	sadd.s32 s6, s19  }
0x9e: {  	s9 =	simm.s32 $0x0;
	s20 =	sshll.u32 s7, $0x1;
	s7 =	sadd.s32 s21, s5  }
0x9f: {  	[timem:s9], [sflag:s22] =	dma.local [hbm:s7], s20  }
0xa0: {  	_ =	swait.ge [sflag:s22], s20  }
0xa1: {  	s6 =	ssub.s32 $0x0, s20;
	[sflag:s22] =	ssyncset.done $0x0  }
0xa2: {  	[sflag:s22] =	ssyncadd.s32 s6;
	_ =	sdelay $0x1  }
0xa3: {  	s23 =	simm.s32 $0x1B8B  }
0xa4: {  	_ =	swait.ge [sflag:s23], $0x1  }
0xa5: {  	[sflag:s23] =	ssyncset.done $0x0  }
0xa6: {  	s25 =	simm.s32 $0x1B8E;
	s24 =	sld [smem:$0x3FFE];
	[sflag:s23] =	ssyncadd.s32 $0xFFFFFFFF  }
0xa7: {  	s26 =	simm.s32 $execute0_lowered;
	[smem:$0x3FD2] =	sst s25  }
0xa8: {  	s7 =	sshll.u32 s26, $0x1;
	_ =	strace $0x80000046;
	[dreg:$0x1] =	wrdreg $0xFFFFFFFF  }
0xa9: {  	s28 =	simm.s32 $_size_execute0_lowered;
	s5 =	sadd.s32 s5, s7;
	[dreg:$0x0] =	wrdreg $0x0  }
0xaa: {  	s7 =	sshll.u32 s28, $0x1;
	[dreg:$0x2] =	wrdreg s5  }
0xab: {  	[dreg:$0x3] =	wrdreg s7  }
0xac: {  	[dreg:$0x4] =	wrdreg $0xC0  }
0xad: {  	_ =	task [dreg:s9], $0x5FFFF  }
0xae: {  	[dreg:$0x1] =	wrdreg $0xFFFFFFFF  }
0xaf: {  	[dreg:$0x0] =	wrdreg $0x60  }
0xb0: {  	[dreg:$0x2] =	wrdreg s4  }
0xb1: {  	[dreg:$0x3] =	wrdreg s24  }
0xb2: {  	[dreg:$0x4] =	wrdreg s2  }
0xb3: {  	[dreg:$0x5] =	wrdreg s18  }
0xb4: {  	[dreg:$0x6] =	wrdreg $0x9  }
0xb5: {  	_ =	task.clear_ibuf [dreg:s9], $0x7FFFF;
	_ =	strace $0x90000046  }
0xb6: {  	s29 =	simm.s32 $0x9;
	_ =	strace $0x80000048  }
0xb7: {  	_ =	swait.ge [sflag:s29], $0x1  }
0xb8: {  	[sflag:s29] =	ssyncadd.s32 $0xFFFFFFFF  }
0xb9: {  	_ =	strace $0x90000048  }
0xba: {  	_ =	sfence  }
0xbb: {  	s30 =	sld [smem:$0x0];
	_ =	sdelay $0x2  }
0xbc: {  	s31 =	sshll.u32 s1, $0xD;
	s1 =	sshrl.u32 s1, $0x2  }
0xbd: {  	s3 =	sand.u32 $0x4000, s31;
	s1 =	sadd.s32 s1, s30  }
0xbe: {  	s0 =	sor.u32 s3, s0;
	s1 =	sshll.u32 s1, $0x11  }
0xbf: {  	s0 =	sor.u32 s1, s0  }
0xc0: {  	s0 =	sadd.s32 $0x8F2B, s0  }
0xc1: {  	[sflag:s0] =	ssyncadd.remote.s32 $0x1  }
0xc2: {  	_ =	sfence.sel $0xFFFF  }
0xc3: {  	[dreg:$0x0] =	wrdreg $0xFFFFFFFF;
	(pc) =	sbr.abs _section_cstart, $3  }
0xc4: {  	[dreg:$0x1] =	wrdreg $0xFFFFFFFF  }
0xc5: {  	_ =	task.clear_ibuf [dreg:s9], $0x2FFFF;
	_ =	strace $0x9FFFFFFF  }
0xc6: {  	(tm) =	ssettm $0x7FFFFFFF  }
0xc7: {  	_ =	shalt  }
tec
execute0_lowered:
.L_overlay_start_1:
0x0: {  	(tag) =	ssettag $0x1  }
0x1: {  	v0 =	vimm.s32 $0xEFCDAB89;
	v1 =	vimm.s32 $0x67452301  }
0x2: {  	v2 =	vimm.s32 $0xDCFE98BA;
	v3 =	vimm.s32 $0x54761032;
	v4 =	vimm.s32 $0xBA98FEDC  }
0x3: {  	v5 =	vimm.s32 $0x32107654;
	v6 =	vimm.s32 $0xFEDCBA98;
	v7 =	vimm.s32 $0x76543210  }
0x4: {  	s31 =	rddreg [dreg:$0x0];
	v0 =	vunpack.c.l.s4.s8 v0;
	v1 =	vunpack.c.l.s4.s8 v1;
	v2 =	vunpack.c.l.s4.s8 v2  }
0x5: {  	s0 =	rddreg [dreg:$0x1];
	s5 =	simm.s32 $0x0;
	s1 =	srdreg.scid;
	v3 =	vunpack.c.l.s4.s8 v3;
	v4 =	vunpack.c.l.s4.s8 v4;
	v5 =	vunpack.c.l.s4.s8 v5  }
0x6: {  	s3 =	stileid.u32;
	[smem:$0x7FF] =	sst s5;
	v6 =	vunpack.c.l.s4.s8 v6;
	v0 =	vunpack.c.0.s8.s32 v0;
	v1 =	vunpack.c.0.s8.s32 v1  }
0x7: {  	s1 =	sand.u32 $0x1, s1;
	s3 =	sshll.u32 s3, $0xA;
	s6 =	sadd.s32 $0x400, s0;
	v7 =	vunpack.c.l.s4.s8 v7;
	v2 =	vunpack.c.0.s8.s32 v2;
	v3 =	vunpack.c.0.s8.s32 v3  }
0x8: {  	s0 =	sadd.s32 $0xF42800, s0;
	s2 =	ssub.s32 $0x2, s1;
	s1 =	sshll.u32 s1, $0x9;
	v4 =	vunpack.c.0.s8.s32 v4;
	v5 =	vunpack.c.0.s8.s32 v5;
	v0 =	vcombine.low v1, v0  }
0x9: {  	_ =	strace $0x80000047;
	[dreg:$0x6] =	wrdreg s0;
	s3 =	sor.u32 s1, s3;
	v1 =	vunpack.c.0.s8.s32 v6;
	v2 =	vcombine.low v3, v2  }
0xa: {  	s4 =	sshrl.u32 s2, $0x1;
	s29 =	sor.u32 $0x8, s3;
	[dreg:$0x5] =	wrdreg s3;
	v3 =	vcombine.low v5, v4;
	v4 =	vunpack.c.0.s8.s32 v7;
	v7 =	vand.u32 $0xF, v0  }
0xb: {  	s1 =	sshll.u32 s3, $0x4;
	s30 =	sor.u32 $0x4, s3;
	[dreg:$0x8] =	wrdreg s29;
	v5 =	vand.u32 $0xF, v1;
	v1 =	vand.u32 $0xF, v2;
	[tilespmem:$0x1FFC0] =	vst v7  }
0xc: {  	s28 =	ssub.s32 s2, s4;
	s1 =	sadd.s32 s31, s1;
	[dreg:$0xa] =	wrdreg s30;
	v2 =	vand.u32 $0xF, v3;
	v3 =	vcombine.low v5, v4;
	[tilespmem:$0x1FFD0] =	vst v1  }
0xd: {  	s15 =	simm.s32 $0x3;
	s0 =	smax.u32 s28, $0x1;
	[dreg:$0x7] =	wrdreg s1;
	[tilespmem:$0x1FFE0] =	vst v2  }
0xe: {  	s16 =	simm.s32 $0x32;
	s2 =	simm.s32 $0x0;
	[dreg:$0x9] =	wrdreg s0;
	[tilespmem:$0x1FFF0] =	vst v3  }
.LBB2_1:
0xf: {  	[dreg:$0xb] =	wrdreg s2  }
0x10: {  	s0 =	rddreg [dreg:$0x2];
	s1 =	simm.s32 $0x13C00  }
0x11: {  	[tilespmem:s1], [sflag:$0x3] =	stream.linear.gather [hbm4b:s0+s5], $0x80, $0x38;
	[tilespmem:$0x13D00] =	vst v63  }
0x12: {  	_ =	swait.ge [sflag:s15], $0x80  }
0x13: {  	[sflag:s15] =	ssyncset.done $0x0  }
0x14: {  	[sflag:s15] =	ssyncadd.s32 $0xFFFFFF80  }
0x15: {  	s21 =	simm.s32 $0x13C80;
	s20 =	rddreg [dreg:$0x3]  }
0x16: {  	[tilespmem:s21], [sflag:$0x3] =	stream.linear.gather [hbm4b:s20+s5], $0x80, $0x38;
	[tilespmem:$0x13D00] =	vst v63  }
0x17: {  	_ =	swait.ge [sflag:s15], $0x80  }
0x18: {  	[sflag:s15] =	ssyncset.done $0x0  }
0x19: {  	[sflag:s15] =	ssyncadd.s32 $0xFFFFFF80  }
0x1a: {  	v0 =	vld [tilespmem:$0x13C00];
	_ =	sdelay $0x4  }
0x1b: {  	[tilespmem:$0x1FF40] =	vst v0;
	v0 =	vld [tilespmem:$0x13C10];
	_ =	sdelay $0x4  }
0x1c: {  	[tilespmem:$0x1FF50] =	vst v0;
	v0 =	vld [tilespmem:$0x13C20];
	_ =	sdelay $0x4  }
0x1d: {  	[tilespmem:$0x1FF60] =	vst v0;
	v0 =	vld [tilespmem:$0x13C30];
	_ =	sdelay $0x4  }
0x1e: {  	[tilespmem:$0x1FF70] =	vst v0;
	v0 =	vld [tilespmem:$0x13C80];
	_ =	sdelay $0x4  }
0x1f: {  	[tilespmem:$0x1FF80] =	vst v0;
	v0 =	vld [tilespmem:$0x13C90];
	_ =	sdelay $0x4  }
0x20: {  	[tilespmem:$0x1FF90] =	vst v0;
	v0 =	vld [tilespmem:$0x13CA0];
	_ =	sdelay $0x4  }
0x21: {  	[tilespmem:$0x1FFA0] =	vst v0;
	v0 =	vld [tilespmem:$0x13CB0];
	_ =	sdelay $0x2  }
0x22: {  	s22 =	rddreg [dreg:$0x7]  }
0x23: {  	[tilespmem:s5], [sflag:$0x3] =	stream.linear.gather [hbm4b:s22+s5], $0x200, $0x38;
	[tilespmem:$0x13D00] =	vst v63  }
0x24: {  	[tilespmem:$0x1FFB0] =	vst v0  }
0x25: {  	_ =	swait.ge [sflag:s15], $0x200  }
0x26: {  	[sflag:s15] =	ssyncset.done $0x0  }
0x27: {  	s23 =	simm.s32 $0x400;
	[sflag:s15] =	ssyncadd.s32 $0xFFFFFE00  }
0x28: {  	[tilespmem:s23], [sflag:$0x1] =	stream.indirect.gather [hbm4b:s6+s16], $0x80, s5, s16, $0xb8;
	[tilespmem:$0x13D00] =	vst v63  }
0x29: {  	s24 =	simm.s32 $0x80;
	s25 =	simm.s32 $0x1D00  }
0x2a: {  	[tilespmem:s25], [sflag:$0x1] =	stream.indirect.gather [hbm4b:s6+s16], $0x80, s24, s16, $0xb8;
	[tilespmem:$0x13D00] =	vst v63  }
0x2b: {  	s26 =	simm.s32 $0x100;
	s28 =	simm.s32 $0x3600  }
0x2c: {  	[tilespmem:s28], [sflag:$0x1] =	stream.indirect.gather [hbm4b:s6+s16], $0x80, s26, s16, $0xb8;
	[tilespmem:$0x13D00] =	vst v63  }
0x2d: {  	s29 =	simm.s32 $0x180;
	s30 =	simm.s32 $0x4F00;
	s11 =	simm.s32 $0x0  }
0x2e: {  	[tilespmem:s30], [sflag:$0x1] =	stream.indirect.gather [hbm4b:s6+s16], $0x80, s29, s16, $0xb8;
	[tilespmem:$0x13D00] =	vst v63  }
.LBB2_2:
0x2f: {  	s26 =	sshll.u32 s11, $0x3;
	s0 =	rddreg [dreg:$0xa]  }
0x30: {  	s25 =	sor.u32 s0, s26  }
0x31: {  	s0 =	sshll.u32 s25, $0x4  }
0x32: {  	s1 =	simm.s32 $0x200;
	s0 =	sadd.s32 s31, s0  }
0x33: {  	[tilespmem:s1], [sflag:$0x3] =	stream.linear.gather [hbm4b:s0+s5], $0x200, $0x38;
	[tilespmem:$0x13D00] =	vst v63  }
0x34: {  	_ =	swait.ge [sflag:s15], $0x200  }
0x35: {  	[sflag:s15] =	ssyncset.done $0x0  }
0x36: {  	s17 =	simm.s32 $0x6800;
	[sflag:s15] =	ssyncadd.s32 $0xFFFFFE00  }
0x37: {  	[tilespmem:s17], [sflag:$0x2] =	stream.indirect.gather [hbm4b:s6+s16], $0x80, s1, s16, $0xb8;
	[tilespmem:$0x13D00] =	vst v63  }
0x38: {  	s18 =	simm.s32 $0x280;
	s19 =	simm.s32 $0x8100  }
0x39: {  	[tilespmem:s19], [sflag:$0x2] =	stream.indirect.gather [hbm4b:s6+s16], $0x80, s18, s16, $0xb8;
	[tilespmem:$0x13D00] =	vst v63  }
0x3a: {  	s20 =	simm.s32 $0x300;
	s21 =	simm.s32 $0x9A00  }
0x3b: {  	[tilespmem:s21], [sflag:$0x2] =	stream.indirect.gather [hbm4b:s6+s16], $0x80, s20, s16, $0xb8;
	[tilespmem:$0x13D00] =	vst v63  }
0x3c: {  	s22 =	simm.s32 $0x380;
	s23 =	simm.s32 $0xB300;
	s24 =	simm.s32 $0x1  }
0x3d: {  	[tilespmem:s23], [sflag:$0x2] =	stream.indirect.gather [hbm4b:s6+s16], $0x80, s22, s16, $0xb8;
	[tilespmem:$0x13D00] =	vst v63  }
0x3e: {  	_ =	swait.ge [sflag:s24], $0x6400  }
0x3f: {  	[sflag:s24] =	ssyncset.done $0x0  }
0x40: {  	s1 =	simm.s32 $0x600;
	[sflag:s24] =	ssyncadd.s32 $0xFFFF9C00  }
0x41: {  	v10 =	vld [tilespmem:s1+$0x180]  }
0x42: {  	v8 =	vld [tilespmem:s1+$0x190]  }
0x43: {  	v35 =	vld [tilespmem:s1+$0xFFFFFE00]  }
0x44: {  	v34 =	vld [tilespmem:s1+$0xFFFFFE10]  }
0x45: {  	v31 =	vld [tilespmem:s1+$0xFFFFFE80]  }
0x46: {  	v33 =	vld [tilespmem:s1+$0xFFFFFE90]  }
0x47: {  	v0 =	vld [tilespmem:s1+$0xFFFFFF00]  }
0x48: {  	v21 =	vld [tilespmem:s1+$0xFFFFFF10]  }
0x49: {  	v24 =	vld [tilespmem:s1+$0xFFFFFF80]  }
0x4a: {  	v25 =	vld [tilespmem:s1+$0xFFFFFF90]  }
0x4b: {  	v4 =	vld [tilespmem:s1+$0x0]  }
0x4c: {  	v22 =	vld [tilespmem:s1+$0x10]  }
0x4d: {  	v41 =	vld [tilespmem:s1+$0x80]  }
0x4e: {  	v42 =	vld [tilespmem:s1+$0x90];
	v16 =	vadd.f32 v8, v10;
	v17 =	vmul.f32 v10, v10;
	v18 =	vmul.f32 v8, v8  }
0x4f: {  	v9 =	vld [tilespmem:s1+$0x1A0];
	v19 =	vmul.f32 v35, v35;
	v20 =	vmul.f32 v34, v34;
	v23 =	vadd.f32 v34, v35  }
0x50: {  	v11 =	vld [tilespmem:s1+$0x1B0];
	v36 =	vadd.f32 v33, v31;
	v29 =	vmul.f32 v33, v33;
	v32 =	vmul.f32 v0, v0  }
0x51: {  	v40 =	vld [tilespmem:s1+$0x100];
	v38 =	vadd.f32 v21, v0;
	v39 =	vmul.f32 v21, v21;
	v5 =	vadd.f32 v25, v24  }
0x52: {  	v27 =	vld [tilespmem:s1+$0x110];
	v59 =	vmul.f32 v25, v25;
	[tilespmem:$0x1FF30] =	vst v4;
	v60 =	vmul.f32 v4, v4;
	v47 =	vadd.f32 v22, v4  }
0x53: {  	v44 =	vmul.f32 v22, v22;
	v49 =	vadd.f32 v42, v41;
	v61 =	vmul.f32 v42, v42;
	v6 =	vld [tilespmem:s1+$0xFFFFFE20]  }
0x54: {  	v4 =	vld [tilespmem:s1+$0xFFFFFEA0];
	v16 =	vadd.f32 v9, v16;
	v17 =	vadd.f32 v18, v17;
	v18 =	vmul.f32 v9, v9  }
0x55: {  	v30 =	vadd.f32 v20, v19;
	v20 =	vmul.f32 v31, v31;
	v46 =	vadd.f32 v39, v32;
	v32 =	vld [tilespmem:s1+$0xFFFFFFA0]  }
0x56: {  	v52 =	vadd.f32 v44, v60;
	v44 =	vld [tilespmem:s1+$0xFFFFFE30];
	v17 =	vadd.f32 v18, v17;
	v18 =	vmul.f32 v11, v11  }
0x57: {  	v16 =	vadd.f32 v11, v16;
	v45 =	vadd.f32 v29, v20;
	v20 =	vmul.f32 v24, v24  }
0x58: {  	v53 =	vmul.f32 v40, v40;
	v54 =	vadd.f32 v27, v40;
	v28 =	vadd.f32 v18, v17  }
0x59: {  	v39 =	vld [tilespmem:s1+$0xFFFFFFB0];
	v17 =	vperm.xlane v16, v7;
	v48 =	vadd.f32 v59, v20;
	v20 =	vmul.f32 v41, v41  }
0x5a: {  	v55 =	vadd.f32 v6, v23;
	v36 =	vadd.f32 v4, v36;
	v58 =	vmul.f32 v6, v6  }
0x5b: {  	v59 =	vadd.f32 v32, v5;
	v15 =	vmul.f32 v44, v44;
	v37 =	vadd.f32 v17, v16  }
0x5c: {  	v16 =	vperm.xlane v28, v7;
	v56 =	vadd.f32 v61, v20;
	v20 =	vmul.f32 v27, v27  }
0x5d: {  	v61 =	vmul.f32 v32, v32;
	v55 =	vadd.f32 v44, v55;
	v58 =	vadd.f32 v58, v30  }
0x5e: {  	v23 =	vld [tilespmem:s1+$0x120];
	v59 =	vadd.f32 v39, v59;
	v29 =	vperm.xlane v37, v1;
	v28 =	vadd.f32 v16, v28  }
0x5f: {  	v48 =	vadd.f32 v61, v48;
	v61 =	vmul.f32 v39, v39;
	v15 =	vadd.f32 v15, v58  }
0x60: {  	v58 =	vperm.xlane v55, v7;
	v43 =	vadd.f32 v29, v37;
	v29 =	vperm.xlane v28, v1  }
0x61: {  	v53 =	vadd.f32 v20, v53;
	v37 =	vld [tilespmem:s1+$0xFFFFFF20];
	v48 =	vadd.f32 v61, v48  }
0x62: {  	v61 =	vperm.xlane v59, v7;
	v55 =	vadd.f32 v58, v55;
	v51 =	vadd.f32 v29, v28;
	v29 =	vld [tilespmem:s1+$0x20]  }
0x63: {  	v54 =	vadd.f32 v23, v54;
	v16 =	vmul.f32 v23, v23;
	v50 =	vperm.xlane v43, v2;
	v28 =	vld [tilespmem:s1+$0xA0]  }
0x64: {  	v5 =	vld [tilespmem:s1+$0xFFFFFF30];
	v59 =	vadd.f32 v61, v59;
	v61 =	vperm.xlane v48, v7;
	v17 =	vperm.xlane v55, v1  }
0x65: {  	v16 =	vadd.f32 v16, v53;
	v50 =	vadd.f32 v50, v43;
	v62 =	vperm.xlane v51, v2  }
0x66: {  	v43 =	vld [tilespmem:s1+$0xFFFFFEB0];
	v48 =	vadd.f32 v61, v48;
	v17 =	vadd.f32 v17, v55  }
0x67: {  	v57 =	vadd.f32 v37, v38;
	v60 =	vmul.f32 v37, v37;
	v51 =	vadd.f32 v62, v51  }
0x68: {  	v63 =	vperm.xlane v50, v3;
	v47 =	vadd.f32 v29, v47;
	v49 =	vadd.f32 v28, v49  }
0x69: {  	v62 =	vmul.f32 v29, v29;
	v13 =	vmul.f32 v28, v28;
	v57 =	vadd.f32 v5, v57  }
0x6a: {  	v46 =	vadd.f32 v60, v46;
	v60 =	vmul.f32 v5, v5;
	v20 =	vadd.f32 v63, v50  }
0x6b: {  	v38 =	vperm.xlane v51, v3;
	v50 =	vmul.f32 v4, v4;
	v30 =	vadd.f32 v43, v36  }
0x6c: {  	v36 =	vld [tilespmem:s1+$0xB0];
	v52 =	vadd.f32 v62, v52;
	v46 =	vadd.f32 v60, v46;
	v60 =	vperm.xlane v57, v7  }
0x6d: {  	v26 =	vmul.f32 $1.562500000e-02, v20;
	v51 =	vadd.f32 v38, v51;
	v45 =	vadd.f32 v50, v45  }
0x6e: {  	v38 =	vld [tilespmem:s1+$0x30];
	v50 =	vmul.f32 v43, v43;
	v57 =	vadd.f32 v60, v57;
	v60 =	vperm.xlane v46, v7  }
0x6f: {  	v14 =	vadd.f32 v13, v56;
	v51 =	vmul.f32 $1.562500000e-02, v51;
	v63 =	vmul.f32 v26, v26  }
0x70: {  	v45 =	vadd.f32 v50, v45;
	v50 =	vperm.xlane v30, v7;
	v46 =	vadd.f32 v60, v46  }
0x71: {  	v51 =	vsub.f32 v51, v63;
	v49 =	vadd.f32 v36, v49  }
0x72: {  	v63 =	vld [tilespmem:s1+$0x130];
	v13 =	vmul.f32 v36, v36;
	v30 =	vadd.f32 v50, v30;
	v50 =	vperm.xlane v45, v7  }
0x73: {  	v47 =	vadd.f32 v38, v47;
	v62 =	vmul.f32 v38, v38;
	v51 =	vadd.f32 $9.999999740e-06, v51  }
0x74: {  	v13 =	vadd.f32 v13, v14;
	v14 =	vperm.xlane v49, v7;
	v45 =	vadd.f32 v50, v45  }
0x75: {  	v50 =	vperm.xlane v57, v1;
	v52 =	vadd.f32 v62, v52;
	v62 =	vperm.xlane v47, v7  }
0x76: {  	v12 =	vshra.s32 v51, $0x1;
	v51 =	vmul.f32 $5.000000000e-01, v51;
	v14 =	vadd.f32 v14, v49  }
0x77: {  	v49 =	vperm.xlane v13, v7;
	v54 =	vadd.f32 v63, v54;
	v53 =	vmul.f32 v63, v63  }
0x78: {  	v50 =	vadd.f32 v50, v57;
	v12 =	vsub.s32 $0x5F3759DF, v12;
	v47 =	vadd.f32 v62, v47  }
0x79: {  	v56 =	vmul.f32 v12, v51;
	v16 =	vadd.f32 v53, v16;
	v53 =	vperm.xlane v54, v7  }
0x7a: {  	v62 =	vperm.xlane v52, v7;
	v13 =	vadd.f32 v49, v13;
	v60 =	vperm.xlane v47, v1  }
0x7b: {  	v61 =	vperm.xlane v14, v1;
	v56 =	vmul.f32 v12, v56;
	v53 =	vadd.f32 v53, v54  }
0x7c: {  	v54 =	vperm.xlane v16, v7;
	v47 =	vadd.f32 v60, v47;
	v60 =	vperm.xlane v13, v1  }
0x7d: {  	v52 =	vadd.f32 v62, v52;
	v56 =	vsub.f32 $1.500000000e+00, v56;
	v49 =	vperm.xlane v53, v1  }
0x7e: {  	v16 =	vadd.f32 v54, v16;
	v54 =	vperm.xlane v45, v1;
	v13 =	vadd.f32 v60, v13  }
0x7f: {  	v12 =	vmul.f32 v12, v56;
	v56 =	vperm.xlane v15, v7;
	v49 =	vadd.f32 v49, v53  }
0x80: {  	v53 =	vperm.xlane v17, v2;
	v45 =	vadd.f32 v54, v45;
	v54 =	vperm.xlane v50, v2  }
0x81: {  	v58 =	vmul.f32 v12, v51;
	v15 =	vadd.f32 v56, v15;
	v56 =	vperm.xlane v30, v1  }
0x82: {  	v17 =	vadd.f32 v53, v17;
	v53 =	vperm.xlane v49, v2;
	v60 =	vperm.xlane v45, v2  }
0x83: {  	v14 =	vadd.f32 v61, v14;
	v58 =	vmul.f32 v58, v12;
	v55 =	vperm.xlane v15, v1  }
0x84: {  	v30 =	vadd.f32 v56, v30;
	v49 =	vadd.f32 v53, v49;
	v53 =	vperm.xlane v17, v3  }
0x85: {  	v58 =	vsub.f32 $1.500000000e+00, v58;
	v15 =	vadd.f32 v55, v15;
	v55 =	vperm.xlane v16, v1  }
0x86: {  	v50 =	vadd.f32 v54, v50;
	v61 =	vperm.xlane v30, v2;
	v17 =	vadd.f32 v53, v17  }
0x87: {  	v12 =	vmul.f32 v58, v12;
	v58 =	vperm.xlane v59, v1;
	v16 =	vadd.f32 v55, v16  }
0x88: {  	v55 =	vperm.xlane v15, v2;
	v30 =	vadd.f32 v61, v30;
	v17 =	vmul.f32 $1.562500000e-02, v17  }
0x89: {  	v51 =	vmul.f32 v12, v51;
	v57 =	vadd.f32 v58, v59;
	v58 =	vperm.xlane v48, v1  }
0x8a: {  	v59 =	vperm.xlane v52, v1;
	v15 =	vadd.f32 v55, v15;
	v55 =	vperm.xlane v16, v2  }
0x8b: {  	v45 =	vadd.f32 v60, v45;
	v61 =	vperm.xlane v30, v3;
	v51 =	vmul.f32 v51, v12  }
0x8c: {  	v48 =	vadd.f32 v58, v48;
	v52 =	vadd.f32 v59, v52;
	v59 =	vperm.xlane v14, v2  }
0x8d: {  	v16 =	vadd.f32 v55, v16;
	v53 =	vperm.xlane v15, v3;
	v30 =	vadd.f32 v61, v30  }
0x8e: {  	v55 =	vperm.xlane v45, v3;
	v56 =	vsub.f32 $1.500000000e+00, v51;
	v51 =	vperm.xlane v46, v1  }
0x8f: {  	v1 =	vperm.xlane v47, v2;
	v14 =	vadd.f32 v59, v14;
	v59 =	vperm.xlane v13, v2  }
0x90: {  	v62 =	vperm.xlane v16, v3;
	v15 =	vadd.f32 v53, v15;
	v46 =	vadd.f32 v51, v46  }
0x91: {  	v51 =	vperm.xlane v57, v2;
	v47 =	vadd.f32 v1, v47;
	v1 =	vperm.xlane v52, v2  }
0x92: {  	v13 =	vadd.f32 v59, v13;
	v59 =	vperm.xlane v49, v3;
	v15 =	vmul.f32 $1.562500000e-02, v15  }
0x93: {  	v16 =	vadd.f32 v62, v16;
	v54 =	vperm.xlane v46, v2;
	v51 =	vadd.f32 v51, v57  }
0x94: {  	v57 =	vperm.xlane v48, v2;
	v2 =	vperm.xlane v50, v3;
	v52 =	vadd.f32 v1, v52  }
0x95: {  	v1 =	vperm.xlane v14, v3;
	v59 =	vadd.f32 v59, v49;
	v16 =	vmul.f32 $1.562500000e-02, v16  }
0x96: {  	v46 =	vadd.f32 v54, v46;
	v54 =	vperm.xlane v51, v3;
	v48 =	vadd.f32 v57, v48  }
0x97: {  	v57 =	vperm.xlane v47, v3;
	v50 =	vadd.f32 v2, v50;
	v14 =	vadd.f32 v1, v14  }
0x98: {  	v1 =	vperm.xlane v13, v3;
	v2 =	vperm.xlane v46, v3;
	v54 =	vadd.f32 v54, v51  }
0x99: {  	v61 =	vperm.xlane v48, v3;
	v47 =	vadd.f32 v57, v47;
	v57 =	vperm.xlane v52, v3  }
0x9a: {  	v51 =	vmul.f32 $1.562500000e-02, v30;
	v30 =	vadd.f32 v55, v45;
	v50 =	vmul.f32 $1.562500000e-02, v50  }
0x9b: {  	v49 =	vmul.f32 $1.562500000e-02, v54;
	v60 =	vadd.f32 v61, v48;
	v48 =	vmul.f32 $1.562500000e-02, v47  }
0x9c: {  	v13 =	vadd.f32 v1, v13;
	v47 =	vmul.f32 $1.562500000e-02, v14;
	v61 =	vmul.f32 v17, v17  }
0x9d: {  	v2 =	vadd.f32 v2, v46;
	v30 =	vmul.f32 $1.562500000e-02, v30;
	v1 =	vmul.f32 v51, v51  }
0x9e: {  	v46 =	vmul.f32 $1.562500000e-02, v59;
	v13 =	vmul.f32 $1.562500000e-02, v13  }
0x9f: {  	v14 =	vadd.f32 v57, v52;
	v45 =	vmul.f32 $1.562500000e-02, v2;
	v2 =	vmul.f32 v50, v50  }
0xa0: {  	v57 =	vmul.f32 $1.562500000e-02, v60;
	v58 =	vmul.f32 v49, v49  }
0xa1: {  	v15 =	vsub.f32 v15, v61;
	v14 =	vmul.f32 $1.562500000e-02, v14;
	v60 =	vmul.f32 v48, v48  }
0xa2: {  	v30 =	vsub.f32 v30, v1;
	v61 =	vmul.f32 v47, v47;
	v54 =	vsub.f32 v45, v2  }
0xa3: {  	v62 =	vmul.f32 v46, v46;
	v52 =	vsub.f32 v57, v58;
	v14 =	vsub.f32 v14, v60  }
0xa4: {  	v15 =	vadd.f32 $9.999999740e-06, v15;
	v45 =	vmul.f32 v56, v12;
	v12 =	vsub.f32 v13, v61  }
0xa5: {  	v13 =	vadd.f32 $9.999999740e-06, v30;
	v16 =	vsub.f32 v16, v62  }
0xa6: {  	v30 =	vshra.s32 v15, $0x1;
	v1 =	vadd.f32 $9.999999740e-06, v54;
	v52 =	vadd.f32 $9.999999740e-06, v52  }
0xa7: {  	v15 =	vmul.f32 $5.000000000e-01, v15;
	v14 =	vadd.f32 $9.999999740e-06, v14;
	v12 =	vadd.f32 $9.999999740e-06, v12  }
0xa8: {  	v54 =	vshra.s32 v13, $0x1;
	v20 =	vmul.f32 $5.000000000e-01, v13;
	v16 =	vadd.f32 $9.999999740e-06, v16  }
0xa9: {  	v30 =	vsub.s32 $0x5F3759DF, v30;
	v54 =	vsub.s32 $0x5F3759DF, v54;
	v55 =	vshra.s32 v1, $0x1  }
0xaa: {  	v53 =	vmul.f32 $5.000000000e-01, v1;
	v2 =	vshra.s32 v52, $0x1;
	v52 =	vmul.f32 $5.000000000e-01, v52  }
0xab: {  	v57 =	vshra.s32 v14, $0x1;
	v19 =	vmul.f32 $5.000000000e-01, v14;
	v58 =	vshra.s32 v12, $0x1  }
0xac: {  	v18 =	vmul.f32 $5.000000000e-01, v12;
	v59 =	vshra.s32 v16, $0x1;
	v1 =	vmul.f32 v30, v15  }
0xad: {  	v16 =	vmul.f32 $5.000000000e-01, v16;
	v55 =	vsub.s32 $0x5F3759DF, v55;
	v56 =	vsub.s32 $0x5F3759DF, v2  }
0xae: {  	v2 =	vmul.f32 v54, v20;
	v57 =	vsub.s32 $0x5F3759DF, v57;
	v60 =	vmul.f32 v30, v1  }
0xaf: {  	v58 =	vsub.s32 $0x5F3759DF, v58;
	v1 =	vmul.f32 v55, v53;
	v14 =	vmul.f32 v56, v52  }
0xb0: {  	v59 =	vsub.s32 $0x5F3759DF, v59;
	v12 =	vmul.f32 v57, v19;
	v13 =	vmul.f32 v58, v18  }
0xb1: {  	v35 =	vsub.f32 v35, v17;
	v61 =	vmul.f32 v54, v2;
	v2 =	vmul.f32 v59, v16  }
0xb2: {  	v60 =	vsub.f32 $1.500000000e+00, v60;
	v62 =	vmul.f32 v55, v1;
	v14 =	vmul.f32 v56, v14  }
0xb3: {  	v34 =	vsub.f32 v34, v17;
	v12 =	vmul.f32 v57, v12;
	v13 =	vmul.f32 v58, v13  }
0xb4: {  	v61 =	vsub.f32 $1.500000000e+00, v61;
	v30 =	vmul.f32 v30, v60;
	v1 =	vsub.f32 $1.500000000e+00, v62  }
0xb5: {  	v60 =	vmul.f32 v59, v2;
	v14 =	vsub.f32 $1.500000000e+00, v14;
	v12 =	vsub.f32 $1.500000000e+00, v12  }
0xb6: {  	v13 =	vsub.f32 $1.500000000e+00, v13;
	v54 =	vmul.f32 v54, v61;
	v55 =	vmul.f32 v55, v1  }
0xb7: {  	v6 =	vsub.f32 v6, v17;
	v2 =	vmul.f32 v30, v15;
	v14 =	vmul.f32 v56, v14  }
0xb8: {  	v60 =	vsub.f32 $1.500000000e+00, v60;
	v12 =	vmul.f32 v57, v12;
	v13 =	vmul.f32 v58, v13  }
0xb9: {  	v17 =	vsub.f32 v44, v17;
	v1 =	vmul.f32 v54, v20;
	v61 =	vmul.f32 v2, v30  }
0xba: {  	v33 =	vsub.f32 v33, v51;
	v57 =	vmul.f32 v59, v60;
	v59 =	vmul.f32 v55, v53  }
0xbb: {  	v4 =	vsub.f32 v4, v51;
	v60 =	vmul.f32 v14, v52;
	v56 =	vmul.f32 v1, v54  }
0xbc: {  	v1 =	vmul.f32 v13, v18;
	v2 =	vsub.f32 $1.500000000e+00, v61;
	v61 =	vmul.f32 v12, v19  }
0xbd: {  	v43 =	vsub.f32 v43, v51;
	v59 =	vmul.f32 v59, v55;
	v60 =	vmul.f32 v60, v14  }
0xbe: {  	v56 =	vsub.f32 $1.500000000e+00, v56;
	v58 =	vmul.f32 v1, v13;
	v30 =	vmul.f32 v2, v30  }
0xbf: {  	v22 =	vsub.f32 v22, v48;
	v2 =	vmul.f32 v57, v16;
	v61 =	vmul.f32 v61, v12  }
0xc0: {  	v59 =	vsub.f32 $1.500000000e+00, v59;
	v60 =	vsub.f32 $1.500000000e+00, v60;
	v54 =	vmul.f32 v56, v54  }
0xc1: {  	v58 =	vsub.f32 $1.500000000e+00, v58;
	v15 =	vmul.f32 v30, v15;
	v56 =	vmul.f32 v2, v57  }
0xc2: {  	v61 =	vsub.f32 $1.500000000e+00, v61;
	v55 =	vmul.f32 v59, v55;
	v14 =	vmul.f32 v60, v14  }
0xc3: {  	v29 =	vsub.f32 v29, v48;
	v13 =	vmul.f32 v58, v13;
	v20 =	vmul.f32 v54, v20  }
0xc4: {  	v15 =	vmul.f32 v15, v30;
	v12 =	vmul.f32 v61, v12;
	v56 =	vsub.f32 $1.500000000e+00, v56  }
0xc5: {  	v59 =	vsub.f32 v5, v50;
	v58 =	vmul.f32 v14, v52;
	v18 =	vmul.f32 v13, v18  }
0xc6: {  	v20 =	vmul.f32 v20, v54;
	v15 =	vsub.f32 $1.500000000e+00, v15;
	v56 =	vmul.f32 v56, v57  }
0xc7: {  	v61 =	vld [tilespmem:$0x1FF30];
	v19 =	vmul.f32 v12, v19;
	v44 =	vmul.f32 v58, v14;
	v57 =	vsub.f32 v63, v46  }
0xc8: {  	v18 =	vmul.f32 v18, v13;
	v20 =	vsub.f32 $1.500000000e+00, v20;
	v15 =	vmul.f32 v15, v30  }
0xc9: {  	v30 =	vsub.f32 v31, v51;
	v31 =	vmul.f32 v55, v53;
	v16 =	vmul.f32 v56, v16  }
0xca: {  	v19 =	vmul.f32 v19, v12;
	v44 =	vsub.f32 $1.500000000e+00, v44;
	v20 =	vmul.f32 v20, v54  }
0xcb: {  	v18 =	vsub.f32 $1.500000000e+00, v18;
	v31 =	vmul.f32 v31, v55;
	v16 =	vmul.f32 v16, v56  }
0xcc: {  	v62 =	vsub.f32 v61, v48;
	v14 =	vmul.f32 v44, v14;
	v35 =	vmul.f32 v15, v35  }
0xcd: {  	v19 =	vsub.f32 $1.500000000e+00, v19;
	v60 =	vmul.f32 v15, v34;
	v5 =	vmul.f32 v15, v6  }
0xce: {  	v15 =	vmul.f32 v15, v17;
	v17 =	vsub.f32 v24, v49;
	v24 =	vsub.f32 v25, v49  }
0xcf: {  	s2 =	simm.s32 $0xFFFFFFF8;
	v25 =	vsub.f32 v32, v49;
	v13 =	vmul.f32 v18, v13;
	v18 =	vsub.f32 v0, v50  }
0xd0: {  	s0 =	smul.u32 $0x29, s2;
	v6 =	vmul.f32 v20, v30;
	v30 =	vsub.f32 v39, v49;
	v39 =	vmul.f32 v20, v33  }
0xd1: {  	v4 =	vmul.f32 v20, v4;
	v20 =	vmul.f32 v20, v43;
	v31 =	vsub.f32 $1.500000000e+00, v31  }
0xd2: {  	s7 =	sadd.s32 $0x19A, s0;
	v16 =	vsub.f32 $1.500000000e+00, v16;
	v12 =	vmul.f32 v19, v12;
	v44 =	vmul.f32 v14, v17  }
0xd3: {  	s8 =	smov.u32 s31;
	s7 =	sshrl.u32 s7, $0xB;
	v19 =	vsub.f32 v21, v50;
	v53 =	vmul.f32 v14, v24;
	v54 =	vmul.f32 v14, v25  }
0xd4: {  	s3 =	sadd.s32 $0x171, s0;
	s17 =	sadd.s32 $0x267, s0;
	s29 =	sand.u32 $0x1F, s7;
	v17 =	vsub.f32 v28, v47;
	v31 =	vmul.f32 v31, v55;
	v16 =	vmul.f32 v16, v56  }
0xd5: {  	s17 =	sshrl.u32 s17, $0xB;
	s13 =	smul.u32 $0x32, s29;
	s18 =	sadd.s32 $0x1C3, s0;
	v28 =	vsub.f32 v36, v47;
	v55 =	vmul.f32 v14, v30;
	v56 =	vmul.f32 v12, v62  }
0xd6: {  	s19 =	sadd.s32 $0x1EC, s0;
	s17 =	sand.u32 $0x1F, s17;
	s18 =	sshrl.u32 s18, $0xB;
	v21 =	vsub.f32 v37, v50;
	v24 =	vmul.f32 v12, v22;
	v25 =	vmul.f32 v12, v29  }
0xd7: {  	s19 =	sshrl.u32 s19, $0xB;
	s20 =	sadd.s32 $0x215, s0;
	s21 =	sadd.s32 $0x23E, s0;
	v14 =	vsub.f32 v40, v46;
	v29 =	vmul.f32 v13, v17;
	v17 =	vmul.f32 v13, v28  }
0xd8: {  	s0 =	sadd.s32 $0x148, s0;
	s7 =	sand.u32 $0x1F, s19;
	s22 =	smul.u32 $0x32, s17;
	v30 =	vsub.f32 v23, v46;
	v43 =	vmul.f32 v31, v18;
	v19 =	vmul.f32 v31, v19  }
0xd9: {  	s20 =	sshrl.u32 s20, $0xB;
	s21 =	sshrl.u32 s21, $0xB;
	s12 =	sshrl.u32 s0, $0xB;
	v7 =	vld [tilespmem:$0x1FF60];
	v18 =	vsub.f32 v38, v48;
	v52 =	vmul.f32 v31, v21;
	v0 =	vmul.f32 v31, v59  }
0xda: {  	s23 =	smul.u32 $0x7000, s17;
	s17 =	sand.u32 $0x1F, s18;
	s22 =	ssub.s32 $0xFFFFFFF8, s22;
	v58 =	vld [tilespmem:$0x1FF40];
	v21 =	vsub.f32 v41, v47;
	v31 =	vsub.f32 v42, v47;
	v34 =	vmul.f32 v16, v14  }
0xdb: {  	s14 =	sand.u32 $0x1F, s12;
	s2 =	smul.u32 $0x32, s17;
	s22 =	sadd.s32 $0xF, s22;
	v14 =	vmul.f32 v16, v30;
	v22 =	vmul.f32 v12, v18;
	v12 =	vsub.f32 v27, v46  }
0xdc: {  	s12 =	smul.u32 $0x32, s14;
	s9 =	sshrl.u32 s23, $0x2;
	s4 =	sand.u32 $0xFF, s22;
	v28 =	vsub.f32 v10, v26;
	v23 =	vmul.f32 v13, v21;
	v21 =	vmul.f32 v13, v31  }
0xdd: {  	s18 =	sshll.u32 s4, $0x7;
	s1 =	sshrl.u32 s3, $0xB;
	s3 =	ssub.s32 $0xFFFFFFF8, s13;
	v59 =	vld [tilespmem:$0x1FF50];
	v13 =	vsub.f32 v11, v26;
	v31 =	vmul.f32 v16, v57;
	v18 =	vmul.f32 v16, v12  }
0xde: {  	s28 =	sadd.s32 s18, s9;
	s9 =	smul.u32 $0x7000, s29;
	s4 =	sadd.s32 $0xA, s3;
	v12 =	vsub.f32 v8, v26;
	v16 =	vsub.f32 v9, v26;
	v26 =	vmul.f32 v5, v7;
	v5 =	vld [tilespmem:$0x1FF80]  }
0xdf: {  	s0 =	sand.u32 $0x1F, s21;
	s17 =	smul.u32 $0x7000, s17;
	s19 =	sand.u32 $0xFF, s4;
	v33 =	vmul.f32 v45, v28;
	v28 =	vmul.f32 v6, v58;
	v6 =	vld [tilespmem:$0x1FF90]  }
0xe0: {  	s18 =	smul.u32 $0x7000, s14;
	s21 =	sshrl.u32 s9, $0x2;
	s19 =	sshll.u32 s19, $0x7  }
0xe1: {  	s31 =	smul.u32 $0x32, s0;
	s19 =	sadd.s32 s19, s21;
	s21 =	ssub.s32 $0x0, s12;
	v32 =	vmul.f32 v45, v12;
	v12 =	vmul.f32 v35, v58  }
0xe2: {  	s0 =	smul.u32 $0x7000, s0;
	s18 =	sshrl.u32 s18, $0x2;
	s21 =	sand.u32 $0xFF, s21;
	v30 =	vmul.f32 v45, v16;
	v16 =	vmul.f32 v60, v59  }
0xe3: {  	s18 =	sadd.s32 $0xCC00, s18;
	s1 =	sand.u32 $0x1F, s1;
	s29 =	sshll.u32 s21, $0x7;
	v12 =	vadd.f32 v12, v5  }
0xe4: {  	s10 =	smul.u32 $0x32, s1;
	s1 =	sand.u32 $0x1F, s20;
	s13 =	sadd.s32 s29, s18;
	v16 =	vadd.f32 v16, v6  }
0xe5: {  	s20 =	ssub.s32 $0xFFFFFFF8, s2;
	s30 =	smul.u32 $0x32, s1;
	v60 =	vld [tilespmem:$0x1FF70];
	[tilespmem:s13+$0x0] =	vst v12  }
0xe6: {  	s20 =	sadd.s32 $0xB, s20;
	s24 =	ssub.s32 $0xFFFFFFF8, s10;
	s10 =	smul.u32 $0x32, s7;
	v61 =	vmul.f32 v4, v7;
	v4 =	vld [tilespmem:$0x1FFA0];
	[tilespmem:s13+$0x10] =	vst v16  }
0xe7: {  	s17 =	sshrl.u32 s17, $0x2;
	s1 =	smul.u32 $0x7000, s1;
	s20 =	sand.u32 $0xFF, s20;
	v63 =	vld [tilespmem:$0x1FFB0]  }
0xe8: {  	s7 =	smul.u32 $0x7000, s7;
	s22 =	sadd.s32 $0x9, s24;
	s23 =	ssub.s32 $0xFFFFFFF8, s10  }
0xe9: {  	s20 =	sshll.u32 s20, $0x7;
	s22 =	sand.u32 $0xFF, s22;
	s23 =	sadd.s32 $0xC, s23;
	v13 =	vmul.f32 v45, v13  }
0xea: {  	s7 =	sshrl.u32 s7, $0x2;
	s22 =	sshll.u32 s22, $0x7;
	s14 =	sand.u32 $0xFF, s23;
	v15 =	vmul.f32 v15, v60  }
0xeb: {  	s21 =	sadd.s32 s22, s18;
	s18 =	sadd.s32 s20, s17;
	s23 =	sshll.u32 s14, $0x7;
	v37 =	vmul.f32 v19, v59;
	v13 =	vmul.f32 v13, v60;
	v62 =	vadd.f32 v26, v4  }
0xec: {  	s20 =	ssub.s32 $0xFFFFFFF8, s30;
	s29 =	sadd.s32 s23, s7;
	s23 =	ssub.s32 $0xFFFFFFF8, s31;
	v19 =	vmul.f32 v44, v58;
	v35 =	vmul.f32 v52, v7;
	v15 =	vadd.f32 v15, v63  }
0xed: {  	s1 =	sshrl.u32 s1, $0x2;
	s7 =	sadd.s32 $0xD, s20;
	s17 =	sadd.s32 $0xE, s23;
	v12 =	vmul.f32 v39, v59;
	v36 =	vmul.f32 v0, v60;
	v13 =	vadd.f32 v13, v63;
	[tilespmem:s13+$0x20] =	vst v62  }
0xee: {  	s24 =	sshrl.u32 s0, $0x2;
	s7 =	sand.u32 $0xFF, s7;
	s17 =	sand.u32 $0xFF, s17;
	v16 =	vmul.f32 v53, v59;
	v26 =	vmul.f32 v20, v60;
	[tilespmem:s13+$0x30] =	vst v15;
	v15 =	vadd.f32 v28, v5  }
0xef: {  	s0 =	simm.s32 $0x0;
	s7 =	sshll.u32 s7, $0x7;
	s17 =	sshll.u32 s17, $0x7;
	v20 =	vmul.f32 v43, v58;
	v38 =	vadd.f32 v61, v4;
	v4 =	vmul.f32 v56, v58;
	[tilespmem:s28+$0xCC30] =	vst v13  }
0xf0: {  	s31 =	sadd.s32 s7, s1;
	s30 =	sadd.s32 s17, s24;
	s17 =	simm.s32 $0xA00;
	v28 =	vadd.f32 v12, v6;
	v13 =	vmul.f32 v54, v7;
	v12 =	vmul.f32 v55, v60;
	[tilespmem:s21+$0x0] =	vst v15  }
.LBB2_3:
0xf1: {  	v6 =	vld [tilespmem:s17+$0x180]  }
0xf2: {  	v0 =	vld [tilespmem:$0x1FFB0]  }
0xf3: {  	v63 =	vld [tilespmem:$0x1FF50]  }
0xf4: {  	v8 =	vld [tilespmem:$0x1FF60]  }
0xf5: {  	v7 =	vld [tilespmem:$0x1FF80]  }
0xf6: {  	v55 =	vld [tilespmem:$0x1FFA0]  }
0xf7: {  	v46 =	vld [tilespmem:s17+$0xFFFFFE10]  }
0xf8: {  	v60 =	vld [tilespmem:s17+$0x1B0]  }
0xf9: {  	[tilespmem:s21+$0x10] =	vst v28;
	v28 =	vld [tilespmem:s17+$0x190]  }
0xfa: {  	v2 =	vmov v8;
	v9 =	vadd.f32 v20, v7;
	v20 =	vld [tilespmem:$0x1FF70]  }
0xfb: {  	[tilespmem:$0x1FE40] =	vst v4;
	v4 =	vmul.f32 v24, v63;
	v1 =	vmov v63;
	v11 =	vmul.f32 v29, v2;
	v29 =	vld [tilespmem:s17+$0x1A0]  }
0xfc: {  	[tilespmem:s21+$0x20] =	vst v38;
	v39 =	vadd.f32 v26, v0;
	v56 =	vmul.f32 v32, v1;
	v32 =	vld [tilespmem:s17+$0x80]  }
0xfd: {  	v35 =	vadd.f32 v35, v55;
	[tilespmem:$0x1FE50] =	vst v4;
	v4 =	vld [tilespmem:$0x1FF40]  }
0xfe: {  	v48 =	vmul.f32 v18, v1;
	v18 =	vld [tilespmem:$0x1FFE0];
	[tilespmem:s21+$0x30] =	vst v39  }
0xff: {  	v3 =	vmul.f32 v25, v8;
	[tilespmem:s19+$0xCC20] =	vst v35;
	v35 =	vld [tilespmem:s17+$0x10]  }
0x100: {  	v52 =	vmul.f32 v6, v6;
	v59 =	vmul.f32 v46, v46;
	v44 =	vld [tilespmem:s17+$0xFFFFFE80]  }
0x101: {  	v19 =	vadd.f32 v19, v7;
	v53 =	vmul.f32 v28, v28;
	[tilespmem:$0x1FE60] =	vst v3;
	v3 =	vmul.f32 v22, v20;
	v22 =	vld [tilespmem:s17+$0xFFFFFE00]  }
0x102: {  	v13 =	vadd.f32 v13, v55;
	v10 =	vmul.f32 v21, v1;
	[tilespmem:$0x1FED0] =	vst v48;
	v48 =	vld [tilespmem:s17+$0xFFFFFE90];
	v5 =	vmul.f32 v23, v4  }
0x103: {  	v26 =	vmovc v0;
	v57 =	vadd.f32 v53, v52;
	v53 =	vld [tilespmem:s17+$0xFFFFFEA0];
	v50 =	vmul.f32 v31, v20;
	v31 =	vadd.f32 v28, v6  }
0x104: {  	v41 =	vadd.f32 v36, v26;
	v61 =	vmul.f32 v30, v2;
	v39 =	vmul.f32 v17, v20;
	[tilespmem:$0x1FE80] =	vst v5;
	v5 =	vld [tilespmem:$0x1FF90]  }
0x105: {  	v17 =	vld [tilespmem:$0x1FFD0];
	v58 =	vmul.f32 v29, v29;
	v40 =	vmul.f32 v34, v4;
	v31 =	vadd.f32 v29, v31  }
0x106: {  	v12 =	vadd.f32 v12, v26;
	[tilespmem:s19+$0xCC00] =	vst v9;
	v51 =	vmul.f32 v33, v4;
	v34 =	vld [tilespmem:s17+$0x0];
	v54 =	vmul.f32 v22, v22  }
0x107: {  	[tilespmem:s18+$0xCC00] =	vst v19;
	v33 =	vld [tilespmem:s17+$0x90];
	v63 =	vmul.f32 v44, v44;
	v43 =	vmul.f32 v48, v48;
	v30 =	vadd.f32 v60, v31  }
0x108: {  	v62 =	vmul.f32 v60, v60;
	[tilespmem:$0x1FE90] =	vst v10;
	v31 =	vadd.f32 v58, v57;
	v57 =	vld [tilespmem:s17+$0xFFFFFE20];
	v45 =	vadd.f32 v59, v54  }
0x109: {  	v49 =	vmul.f32 v14, v2;
	[tilespmem:$0x1FEA0] =	vst v11;
	v54 =	vadd.f32 v43, v63;
	v43 =	vld [tilespmem:s17+$0x20];
	v19 =	vadd.f32 v16, v5  }
0x10a: {  	v10 =	vmul.f32 v32, v32;
	[tilespmem:$0x1FEB0] =	vst v39;
	v9 =	vmul.f32 v35, v35;
	v39 =	vadd.f32 v48, v44;
	v16 =	vld [tilespmem:$0x1FFC0]  }
0x10b: {  	v36 =	vadd.f32 v46, v22;
	v31 =	vadd.f32 v62, v31;
	v8 =	vmul.f32 v34, v34;
	v59 =	vld [tilespmem:s17+$0xFFFFFE30];
	[tilespmem:s18+$0xCC10] =	vst v19  }
0x10c: {  	[tilespmem:$0x1FEE0] =	vst v49;
	v52 =	vadd.f32 v35, v34;
	v11 =	vmul.f32 v33, v33;
	v37 =	vadd.f32 v37, v5;
	v38 =	vld [tilespmem:s17+$0xFFFFFF80]  }
0x10d: {  	[tilespmem:s19+$0xCC30] =	vst v41;
	v15 =	vadd.f32 v9, v8;
	v7 =	vadd.f32 v57, v36;
	v25 =	vld [tilespmem:s17+$0xFFFFFF90]  }
0x10e: {  	v8 =	vadd.f32 v11, v10;
	v36 =	vld [tilespmem:s17+$0x120];
	v10 =	vmul.f32 v57, v57;
	v11 =	vmul.f32 v53, v53;
	[tilespmem:s19+$0xCC10] =	vst v37  }
0x10f: {  	[tilespmem:$0x1FF10] =	vst v56;
	v63 =	vadd.f32 v33, v32;
	v9 =	vadd.f32 v53, v39;
	v21 =	vld [tilespmem:s17+$0xFFFFFF00];
	v0 =	vperm.xlane v30, v16  }
0x110: {  	[tilespmem:$0x1FE70] =	vst v3;
	v10 =	vadd.f32 v10, v45;
	v11 =	vadd.f32 v11, v54;
	v24 =	vld [tilespmem:s17+$0xFFFFFF10];
	v49 =	vperm.xlane v31, v16  }
0x111: {  	[tilespmem:$0x1FEC0] =	vst v40;
	v27 =	vadd.f32 v43, v52;
	v40 =	vmul.f32 v43, v43;
	v37 =	vadd.f32 v0, v30;
	v30 =	vld [tilespmem:s17+$0x100]  }
0x112: {  	[tilespmem:$0x1FEF0] =	vst v50;
	v49 =	vadd.f32 v49, v31;
	v31 =	vld [tilespmem:s17+$0x110];
	v50 =	vmul.f32 v38, v38;
	v2 =	vmul.f32 v25, v25  }
0x113: {  	[tilespmem:$0x1FF00] =	vst v51;
	v45 =	vld [tilespmem:s17+$0x130];
	v41 =	vadd.f32 v59, v7;
	v3 =	vmul.f32 v59, v59;
	v51 =	vperm.xlane v37, v17  }
0x114: {  	[tilespmem:s18+$0xCC20] =	vst v13;
	v15 =	vadd.f32 v40, v15;
	v56 =	vperm.xlane v49, v17;
	v62 =	vadd.f32 v2, v50;
	v50 =	vld [tilespmem:s17+$0x30]  }
0x115: {  	[tilespmem:s18+$0xCC30] =	vst v12;
	v3 =	vadd.f32 v3, v10;
	v47 =	vmul.f32 v21, v21;
	v37 =	vadd.f32 v51, v37;
	v51 =	vld [tilespmem:s17+$0xFFFFFF20]  }
0x116: {  	v13 =	vadd.f32 v24, v21;
	v1 =	vmul.f32 v24, v24;
	v56 =	vadd.f32 v56, v49;
	v49 =	vld [tilespmem:s17+$0xFFFFFFA0]  }
0x117: {  	v23 =	vld [tilespmem:s17+$0xB0];
	v4 =	vmul.f32 v30, v30;
	v5 =	vadd.f32 v31, v30;
	v42 =	vmul.f32 v31, v31  }
0x118: {  	[tilespmem:$0x1FF20] =	vst v61;
	v0 =	vld [tilespmem:$0x1FFF0];
	v12 =	vadd.f32 v25, v38;
	v61 =	vadd.f32 v1, v47;
	v58 =	vperm.xlane v37, v18  }
0x119: {  	v52 =	vld [tilespmem:s17+$0xFFFFFFB0];
	v14 =	vadd.f32 v42, v4;
	v5 =	vadd.f32 v36, v5  }
0x11a: {  	[tilespmem:$0x1FE30] =	vst v6;
	v6 =	vadd.f32 v58, v37;
	v58 =	vperm.xlane v56, v18;
	v27 =	vadd.f32 v50, v27  }
0x11b: {  	v10 =	vmul.f32 v45, v45;
	v37 =	vld [tilespmem:s17+$0xA0];
	v13 =	vadd.f32 v51, v13;
	v12 =	vadd.f32 v49, v12  }
0x11c: {  	v4 =	vmul.f32 v51, v51;
	v47 =	vmul.f32 v49, v49;
	v2 =	vadd.f32 v58, v56;
	v58 =	vld [tilespmem:s17+$0xFFFFFEB0]  }
0x11d: {  	v19 =	vadd.f32 v45, v5;
	v5 =	vmul.f32 v23, v23;
	v1 =	vperm.xlane v6, v0;
	v56 =	vld [tilespmem:s17+$0xFFFFFF30]  }
0x11e: {  	v4 =	vadd.f32 v4, v61;
	v47 =	vadd.f32 v47, v62;
	v61 =	vmul.f32 v52, v52  }
0x11f: {  	v12 =	vadd.f32 v52, v12;
	v6 =	vadd.f32 v1, v6;
	v42 =	vperm.xlane v2, v0  }
0x120: {  	v63 =	vadd.f32 v37, v63;
	v1 =	vmul.f32 v37, v37;
	v47 =	vadd.f32 v61, v47  }
0x121: {  	v61 =	vperm.xlane v12, v16;
	v39 =	vmul.f32 $1.562500000e-02, v6;
	v6 =	vadd.f32 v42, v2  }
0x122: {  	v2 =	vmul.f32 v36, v36;
	v9 =	vadd.f32 v58, v9;
	v13 =	vadd.f32 v56, v13  }
0x123: {  	v54 =	vmul.f32 v56, v56;
	v40 =	vadd.f32 v23, v63;
	v1 =	vadd.f32 v1, v8  }
0x124: {  	v63 =	vmul.f32 v50, v50;
	v12 =	vadd.f32 v61, v12;
	v6 =	vmul.f32 $1.562500000e-02, v6  }
0x125: {  	v42 =	vmul.f32 v39, v39;
	v2 =	vadd.f32 v2, v14;
	v14 =	vperm.xlane v41, v16  }
0x126: {  	v4 =	vadd.f32 v54, v4;
	v54 =	vperm.xlane v13, v16;
	v15 =	vadd.f32 v63, v15  }
0x127: {  	v63 =	vperm.xlane v27, v16;
	v6 =	vsub.f32 v6, v42;
	v42 =	vmul.f32 v58, v58  }
0x128: {  	v2 =	vadd.f32 v10, v2;
	v10 =	vperm.xlane v19, v16;
	v14 =	vadd.f32 v14, v41  }
0x129: {  	v41 =	vperm.xlane v3, v16;
	v13 =	vadd.f32 v54, v13;
	v54 =	vperm.xlane v4, v16  }
0x12a: {  	v27 =	vadd.f32 v63, v27;
	v63 =	vperm.xlane v15, v16;
	v6 =	vadd.f32 $9.999999740e-06, v6  }
0x12b: {  	v11 =	vadd.f32 v42, v11;
	v42 =	vperm.xlane v9, v16;
	v19 =	vadd.f32 v10, v19  }
0x12c: {  	v10 =	vperm.xlane v2, v16;
	v62 =	vshra.s32 v6, $0x1;
	v6 =	vmul.f32 $5.000000000e-01, v6  }
0x12d: {  	v9 =	vadd.f32 v42, v9;
	v42 =	vperm.xlane v11, v16;
	v62 =	vsub.s32 $0x5F3759DF, v62  }
0x12e: {  	v3 =	vadd.f32 v41, v3;
	v4 =	vadd.f32 v54, v4;
	v8 =	vmul.f32 v62, v6  }
0x12f: {  	v54 =	vperm.xlane v12, v17;
	v41 =	vperm.xlane v9, v17;
	v11 =	vadd.f32 v42, v11  }
0x130: {  	v5 =	vadd.f32 v5, v1;
	v42 =	vperm.xlane v13, v17;
	v8 =	vmul.f32 v62, v8  }
0x131: {  	v2 =	vadd.f32 v10, v2;
	v9 =	vadd.f32 v41, v9;
	v10 =	vperm.xlane v11, v17  }
0x132: {  	v13 =	vadd.f32 v42, v13;
	v41 =	vperm.xlane v4, v17;
	v8 =	vsub.f32 $1.500000000e+00, v8  }
0x133: {  	v7 =	vperm.xlane v14, v17;
	v12 =	vadd.f32 v54, v12;
	v10 =	vadd.f32 v10, v11  }
0x134: {  	v11 =	vperm.xlane v13, v18;
	v4 =	vadd.f32 v41, v4;
	v1 =	vmul.f32 v62, v8  }
0x135: {  	v41 =	vperm.xlane v12, v18;
	v8 =	vperm.xlane v40, v16  }
0x136: {  	v11 =	vadd.f32 v11, v13;
	v13 =	vperm.xlane v4, v18;
	v62 =	vmul.f32 v1, v6  }
0x137: {  	v12 =	vadd.f32 v41, v12;
	v8 =	vadd.f32 v8, v40;
	v40 =	vperm.xlane v5, v16  }
0x138: {  	v15 =	vadd.f32 v63, v15;
	v4 =	vadd.f32 v13, v4;
	v61 =	vmul.f32 v62, v1  }
0x139: {  	v13 =	vperm.xlane v12, v0;
	v62 =	vperm.xlane v47, v16;
	v16 =	vadd.f32 v40, v5  }
0x13a: {  	v5 =	vadd.f32 v7, v14;
	v14 =	vperm.xlane v3, v17;
	v61 =	vsub.f32 $1.500000000e+00, v61  }
0x13b: {  	v40 =	vperm.xlane v19, v17;
	v47 =	vadd.f32 v62, v47;
	v62 =	vperm.xlane v8, v17  }
0x13c: {  	v3 =	vadd.f32 v14, v3;
	v14 =	vperm.xlane v2, v17;
	v1 =	vmul.f32 v61, v1  }
0x13d: {  	v7 =	vadd.f32 v40, v19;
	v40 =	vperm.xlane v5, v18;
	v61 =	vperm.xlane v27, v17  }
0x13e: {  	v2 =	vadd.f32 v14, v2;
	v14 =	vperm.xlane v10, v18;
	v6 =	vmul.f32 v1, v6  }
0x13f: {  	v42 =	vperm.xlane v47, v17;
	v8 =	vadd.f32 v62, v8;
	v5 =	vadd.f32 v40, v5  }
0x140: {  	v10 =	vadd.f32 v14, v10;
	v14 =	vperm.xlane v11, v0;
	v6 =	vmul.f32 v6, v1  }
0x141: {  	v62 =	vperm.xlane v7, v18;
	v63 =	vperm.xlane v3, v18;
	v42 =	vadd.f32 v42, v47  }
0x142: {  	v11 =	vadd.f32 v14, v11;
	v14 =	vperm.xlane v4, v0;
	v6 =	vsub.f32 $1.500000000e+00, v6  }
0x143: {  	s1 =	smul.u32 $0x29, s0;
	v40 =	vperm.xlane v5, v0;
	v41 =	vperm.xlane v42, v18  }
0x144: {  	v4 =	vadd.f32 v14, v4;
	v54 =	vmul.f32 v6, v1;
	v1 =	vsub.f32 v60, v39  }
0x145: {  	s3 =	sadd.s32 $0x267, s1;
	v6 =	vadd.f32 v61, v27;
	v27 =	vperm.xlane v15, v17;
	v60 =	vperm.xlane v16, v17  }
0x146: {  	s19 =	sshrl.u32 s3, $0xB;
	v7 =	vadd.f32 v62, v7;
	v61 =	vperm.xlane v9, v18;
	v4 =	vmul.f32 $1.562500000e-02, v4  }
0x147: {  	s19 =	sand.u32 $0x1F, s19;
	v41 =	vadd.f32 v41, v42;
	v1 =	vmul.f32 v54, v1;
	v47 =	vperm.xlane v6, v18  }
0x148: {  	s7 =	sadd.s32 $0x171, s1;
	s2 =	sadd.s32 $0x19A, s1;
	s12 =	smul.u32 $0x32, s19;
	v15 =	vadd.f32 v27, v15;
	v27 =	vperm.xlane v8, v18;
	v16 =	vadd.f32 v60, v16  }
0x149: {  	s20 =	sadd.s32 $0x1C3, s1;
	s4 =	sadd.s32 $0x1EC, s1;
	s23 =	sadd.s32 $0x215, s1;
	v9 =	vadd.f32 v61, v9;
	v61 =	vperm.xlane v41, v0;
	v1 =	vmul.f32 v1, v20  }
0x14a: {  	s10 =	sadd.s32 $0x23E, s1;
	s20 =	sshrl.u32 s20, $0xB;
	s9 =	ssub.s32 s0, s12;
	v6 =	vadd.f32 v47, v6;
	v47 =	vperm.xlane v15, v18;
	v8 =	vadd.f32 v27, v8  }
0x14b: {  	s24 =	sshrl.u32 s4, $0xB;
	s14 =	smul.u32 $0x7000, s19;
	s13 =	sadd.s32 $0xF, s9;
	v27 =	vperm.xlane v16, v18;
	v60 =	vperm.xlane v9, v0;
	v41 =	vadd.f32 v61, v41  }
0x14c: {  	s18 =	sshrl.u32 s2, $0xB;
	s2 =	sadd.s32 $0x148, s1;
	s3 =	sand.u32 $0xFF, s13;
	v1 =	vadd.f32 v1, v26;
	v42 =	vperm.xlane v6, v0;
	v15 =	vadd.f32 v47, v15  }
0x14d: {  	s1 =	sshrl.u32 s10, $0xB;
	s10 =	sshrl.u32 s14, $0x2;
	s4 =	sshll.u32 s3, $0x7;
	v47 =	vperm.xlane v8, v0;
	v16 =	vadd.f32 v27, v16;
	v27 =	vperm.xlane v7, v0  }
0x14e: {  	s19 =	sand.u32 $0x1F, s20;
	s20 =	sadd.s32 s4, s10;
	v9 =	vadd.f32 v60, v9;
	v60 =	vadd.f32 v13, v12;
	v12 =	vmul.f32 $1.562500000e-02, v11  }
0x14f: {  	v41 =	vmul.f32 $1.562500000e-02, v41;
	[tilespmem:s20+$0xCC30] =	vst v1;
	v1 =	vadd.f32 v63, v3;
	v3 =	vperm.xlane v2, v18  }
0x150: {  	v6 =	vadd.f32 v42, v6;
	v42 =	vperm.xlane v15, v0;
	v8 =	vadd.f32 v47, v8  }
0x151: {  	v47 =	vperm.xlane v16, v0;
	v7 =	vadd.f32 v27, v7;
	v13 =	vmul.f32 $1.562500000e-02, v9  }
0x152: {  	v63 =	vmul.f32 $1.562500000e-02, v60;
	v20 =	vsub.f32 v24, v12;
	v2 =	vadd.f32 v3, v2  }
0x153: {  	v3 =	vadd.f32 v40, v5;
	v5 =	vperm.xlane v1, v0;
	v40 =	vperm.xlane v10, v0  }
0x154: {  	v62 =	vmul.f32 $1.562500000e-02, v6;
	v6 =	vadd.f32 v42, v15;
	v61 =	vmul.f32 $1.562500000e-02, v8  }
0x155: {  	v47 =	vadd.f32 v47, v16;
	v60 =	vmul.f32 $1.562500000e-02, v7;
	v44 =	vsub.f32 v44, v13  }
0x156: {  	v42 =	vmul.f32 v63, v63;
	v48 =	vsub.f32 v48, v13;
	v38 =	vsub.f32 v38, v63  }
0x157: {  	v19 =	vsub.f32 v25, v63;
	v3 =	vmul.f32 $1.562500000e-02, v3;
	v27 =	vperm.xlane v2, v0  }
0x158: {  	v1 =	vadd.f32 v5, v1;
	v5 =	vadd.f32 v40, v10;
	v40 =	vmul.f32 v13, v13  }
0x159: {  	v8 =	vsub.f32 v41, v42;
	v0 =	vmul.f32 $1.562500000e-02, v47;
	v47 =	vmul.f32 v61, v61  }
0x15a: {  	v1 =	vmul.f32 $1.562500000e-02, v1;
	v2 =	vadd.f32 v27, v2;
	v18 =	vsub.f32 v22, v3  }
0x15b: {  	v7 =	vmul.f32 v3, v3;
	v0 =	vsub.f32 v0, v47;
	v8 =	vadd.f32 $9.999999740e-06, v8  }
0x15c: {  	v5 =	vmul.f32 $1.562500000e-02, v5;
	v46 =	vsub.f32 v46, v3;
	v57 =	vsub.f32 v57, v3  }
0x15d: {  	v6 =	vmul.f32 $1.562500000e-02, v6;
	v59 =	vsub.f32 v59, v3;
	v1 =	vsub.f32 v1, v7  }
0x15e: {  	v7 =	vmul.f32 v12, v12;
	v5 =	vsub.f32 v5, v40;
	v2 =	vmul.f32 $1.562500000e-02, v2  }
0x15f: {  	v0 =	vadd.f32 $9.999999740e-06, v0;
	v42 =	vshra.s32 v8, $0x1;
	v8 =	vmul.f32 $5.000000000e-01, v8  }
0x160: {  	v11 =	vsub.s32 $0x5F3759DF, v42;
	v4 =	vsub.f32 v4, v7;
	v7 =	vmul.f32 v62, v62  }
0x161: {  	v1 =	vadd.f32 $9.999999740e-06, v1;
	v5 =	vadd.f32 $9.999999740e-06, v5;
	v15 =	vshra.s32 v0, $0x1  }
0x162: {  	v47 =	vmul.f32 v11, v8;
	v15 =	vsub.s32 $0x5F3759DF, v15;
	v6 =	vsub.f32 v6, v7  }
0x163: {  	v7 =	vmul.f32 v60, v60;
	v4 =	vadd.f32 $9.999999740e-06, v4;
	v17 =	vmul.f32 $5.000000000e-01, v1  }
0x164: {  	v40 =	vshra.s32 v5, $0x1;
	v16 =	vmul.f32 $5.000000000e-01, v5;
	v5 =	vmul.f32 $5.000000000e-01, v0  }
0x165: {  	v47 =	vmul.f32 v11, v47;
	v9 =	vsub.s32 $0x5F3759DF, v40;
	v2 =	vsub.f32 v2, v7  }
0x166: {  	v7 =	vshra.s32 v1, $0x1;
	v6 =	vadd.f32 $9.999999740e-06, v6;
	v41 =	vshra.s32 v4, $0x1  }
0x167: {  	v4 =	vmul.f32 $5.000000000e-01, v4;
	v3 =	vmul.f32 v15, v5;
	v47 =	vsub.f32 $1.500000000e+00, v47  }
0x168: {  	v7 =	vsub.s32 $0x5F3759DF, v7;
	v10 =	vsub.s32 $0x5F3759DF, v41;
	v41 =	vmul.f32 v9, v16  }
0x169: {  	v14 =	vshra.s32 v6, $0x1;
	v6 =	vmul.f32 $5.000000000e-01, v6;
	v40 =	vmul.f32 v7, v17  }
0x16a: {  	v2 =	vadd.f32 $9.999999740e-06, v2;
	v42 =	vmul.f32 v10, v4;
	v3 =	vmul.f32 v15, v3  }
0x16b: {  	v11 =	vmul.f32 v11, v47;
	v14 =	vsub.s32 $0x5F3759DF, v14;
	v41 =	vmul.f32 v9, v41  }
0x16c: {  	v27 =	vshra.s32 v2, $0x1;
	v2 =	vmul.f32 $5.000000000e-01, v2;
	v0 =	vmul.f32 v14, v6  }
0x16d: {  	v40 =	vmul.f32 v7, v40;
	v42 =	vmul.f32 v10, v42;
	v27 =	vsub.s32 $0x5F3759DF, v27  }
0x16e: {  	v3 =	vsub.f32 $1.500000000e+00, v3;
	v41 =	vsub.f32 $1.500000000e+00, v41;
	v1 =	vmul.f32 v27, v2  }
0x16f: {  	v40 =	vsub.f32 $1.500000000e+00, v40;
	v0 =	vmul.f32 v14, v0;
	v42 =	vsub.f32 $1.500000000e+00, v42  }
0x170: {  	v3 =	vmul.f32 v15, v3;
	v15 =	vsub.f32 v21, v12;
	v9 =	vmul.f32 v9, v41  }
0x171: {  	v1 =	vmul.f32 v27, v1;
	v7 =	vmul.f32 v7, v40;
	v0 =	vsub.f32 $1.500000000e+00, v0  }
0x172: {  	v10 =	vmul.f32 v10, v42;
	v40 =	vsub.f32 v51, v12;
	v42 =	vmul.f32 v11, v8  }
0x173: {  	v12 =	vsub.f32 v56, v12;
	v56 =	vmul.f32 v3, v5;
	v21 =	vmul.f32 v9, v16  }
0x174: {  	v1 =	vsub.f32 $1.500000000e+00, v1;
	v0 =	vmul.f32 v14, v0;
	v14 =	vmul.f32 v7, v17  }
0x175: {  	v32 =	vsub.f32 v32, v61;
	v42 =	vmul.f32 v42, v11;
	v21 =	vmul.f32 v21, v9  }
0x176: {  	v41 =	vsub.f32 v53, v13;
	v1 =	vmul.f32 v27, v1;
	v27 =	vmul.f32 v10, v4  }
0x177: {  	v13 =	vsub.f32 v58, v13;
	v47 =	vmul.f32 v0, v6;
	v14 =	vmul.f32 v14, v7  }
0x178: {  	v51 =	vmul.f32 v56, v3;
	v21 =	vsub.f32 $1.500000000e+00, v21;
	v27 =	vmul.f32 v27, v10  }
0x179: {  	v58 =	vmul.f32 v1, v2;
	v14 =	vsub.f32 $1.500000000e+00, v14;
	v47 =	vmul.f32 v47, v0  }
0x17a: {  	v9 =	vmul.f32 v21, v9;
	v21 =	vsub.f32 $1.500000000e+00, v51;
	v27 =	vsub.f32 $1.500000000e+00, v27  }
0x17b: {  	v53 =	vmul.f32 v58, v1;
	v7 =	vmul.f32 v14, v7;
	v14 =	vsub.f32 $1.500000000e+00, v42  }
0x17c: {  	v56 =	vsub.f32 $1.500000000e+00, v47;
	v3 =	vmul.f32 v21, v3;
	v16 =	vmul.f32 v9, v16  }
0x17d: {  	v33 =	vsub.f32 v33, v61;
	v10 =	vmul.f32 v27, v10;
	v11 =	vmul.f32 v14, v11  }
0x17e: {  	v21 =	vsub.f32 v34, v62;
	v0 =	vmul.f32 v56, v0;
	v17 =	vmul.f32 v7, v17  }
0x17f: {  	v34 =	vsub.f32 v35, v62;
	v5 =	vmul.f32 v3, v5;
	v4 =	vmul.f32 v10, v4  }
0x180: {  	v58 =	vsub.f32 $1.500000000e+00, v53;
	v16 =	vmul.f32 v16, v9;
	v17 =	vmul.f32 v17, v7  }
0x181: {  	v35 =	vsub.f32 v43, v62;
	v5 =	vmul.f32 v5, v3;
	v4 =	vmul.f32 v4, v10  }
0x182: {  	v1 =	vmul.f32 v58, v1;
	v16 =	vsub.f32 $1.500000000e+00, v16;
	v17 =	vsub.f32 $1.500000000e+00, v17  }
0x183: {  	v8 =	vmul.f32 v11, v8;
	v5 =	vsub.f32 $1.500000000e+00, v5;
	v4 =	vsub.f32 $1.500000000e+00, v4  }
0x184: {  	v14 =	vsub.f32 v49, v63;
	v9 =	vmul.f32 v16, v9;
	v7 =	vmul.f32 v17, v7;
	v17 =	vld [tilespmem:$0x1FE30]  }
0x185: {  	v27 =	vsub.f32 v52, v63;
	v3 =	vmul.f32 v5, v3;
	v4 =	vmul.f32 v4, v10  }
0x186: {  	v5 =	vsub.f32 v23, v61;
	v10 =	vsub.f32 v37, v61;
	v61 =	vmul.f32 v9, v48  }
0x187: {  	v63 =	vsub.f32 v50, v62;
	v48 =	vld [tilespmem:$0x1FF80];
	v15 =	vmul.f32 v4, v15;
	v62 =	vmul.f32 v4, v20  }
0x188: {  	v40 =	vmul.f32 v4, v40;
	v4 =	vmul.f32 v4, v12;
	v12 =	vld [tilespmem:$0x1FE70]  }
0x189: {  	v6 =	vmul.f32 v0, v6;
	v58 =	vsub.f32 v17, v39;
	v17 =	vld [tilespmem:$0x1FE40]  }
0x18a: {  	v2 =	vmul.f32 v1, v2;
	v8 =	vmul.f32 v8, v11  }
0x18b: {  	v28 =	vsub.f32 v28, v39;
	v51 =	vld [tilespmem:$0x1FF40];
	v6 =	vmul.f32 v6, v0  }
0x18c: {  	s7 =	sshrl.u32 s7, $0xB;
	s14 =	smul.u32 $0x32, s19;
	v42 =	vld [tilespmem:$0x1FEF0];
	v52 =	vsub.f32 v30, v60;
	v2 =	vmul.f32 v2, v1;
	v8 =	vsub.f32 $1.500000000e+00, v8  }
0x18d: {  	s12 =	sand.u32 $0x1F, s7;
	s19 =	smul.u32 $0x7000, s19;
	v49 =	vld [tilespmem:$0x1FF90];
	v6 =	vsub.f32 $1.500000000e+00, v6;
	v44 =	vmul.f32 v9, v44;
	v12 =	vadd.f32 v12, v26  }
0x18e: {  	s7 =	sand.u32 $0x1F, s24;
	s12 =	smul.u32 $0x32, s12;
	v41 =	vmul.f32 v9, v41;
	v9 =	vmul.f32 v9, v13;
	v13 =	vld [tilespmem:$0x1FE50];
	v17 =	vadd.f32 v17, v48  }
0x18f: {  	s22 =	smov.u32 s0;
	s24 =	smul.u32 $0x32, s7;
	v30 =	vsub.f32 v45, v60;
	v8 =	vmul.f32 v8, v11;
	v0 =	vmul.f32 v6, v0;
	[tilespmem:s29+$0xCC30] =	vst v12;
	v12 =	vld [tilespmem:$0x1FE90]  }
0x190: {  	s21 =	sand.u32 $0x1F, s18;
	s2 =	sshrl.u32 s2, $0xB;
	s7 =	smul.u32 $0x7000, s7;
	v16 =	vsub.f32 v36, v60;
	v53 =	vmul.f32 v7, v18;
	v56 =	vmul.f32 v7, v46;
	[tilespmem:s29+$0xCC00] =	vst v17;
	v17 =	vld [tilespmem:$0x1FE60]  }
0x191: {  	s23 =	sshrl.u32 s23, $0xB;
	s2 =	sand.u32 $0x1F, s2;
	s13 =	smul.u32 $0x32, s21;
	v2 =	vsub.f32 $1.500000000e+00, v2;
	v23 =	vmul.f32 v3, v32;
	v47 =	vmul.f32 v8, v14;
	v14 =	vld [tilespmem:$0x1FEA0]  }
0x192: {  	s9 =	sand.u32 $0x1F, s23;
	s23 =	ssub.s32 s22, s14;
	s14 =	smul.u32 $0x32, s2;
	v6 =	vsub.f32 v31, v60;
	v32 =	vmul.f32 v54, v28;
	v22 =	vmul.f32 v0, v63;
	v63 =	vld [tilespmem:$0x1FEB0]  }
0x193: {  	s2 =	smul.u32 $0x7000, s2;
	v1 =	vmul.f32 v2, v1;
	v25 =	vmul.f32 v0, v35;
	v35 =	vld [tilespmem:$0x1FEE0];
	v13 =	vadd.f32 v13, v49  }
0x194: {  	s21 =	smul.u32 $0x7000, s21;
	v24 =	vmul.f32 v0, v34;
	v34 =	vld [tilespmem:$0x1FED0];
	v39 =	vsub.f32 v29, v39;
	v12 =	vadd.f32 v12, v49  }
0x195: {  	s0 =	sadd.s32 $0x8, s0;
	s18 =	smul.u32 $0x7000, s9;
	v50 =	vld [tilespmem:$0x1FF00];
	v18 =	vmul.f32 v1, v6;
	v31 =	vmul.f32 v1, v30;
	[tilespmem:s29+$0xCC10] =	vst v13;
	v17 =	vadd.f32 v17, v55  }
0x196: {  	s1 =	sand.u32 $0x1F, s1;
	p0 =	slt.u32 s0, $0xC0;
	s3 =	smul.u32 $0x32, s9;
	v13 =	vmul.f32 v8, v38;
	v38 =	vmul.f32 v8, v19;
	v14 =	vadd.f32 v14, v55;
	[tilespmem:s31+$0xCC10] =	vst v12;
	v12 =	vld [tilespmem:$0x1FEC0]  }
0x197: {  	s23 =	sadd.s32 $0xB, s23;
	s24 =	ssub.s32 s22, s24;
	s9 =	sshrl.u32 s19, $0x2;
	v8 =	vmul.f32 v8, v27;
	v27 =	vmul.f32 v0, v21;
	v0 =	vadd.f32 v63, v26;
	[tilespmem:s29+$0xCC20] =	vst v17;
	v17 =	vld [tilespmem:$0x1FE80]  }
0x198: {  	s7 =	sshrl.u32 s7, $0x2;
	s10 =	ssub.s32 s22, s12;
	s12 =	ssub.s32 s22, s13;
	v30 =	vmul.f32 v54, v39;
	v2 =	vadd.f32 v35, v55;
	[tilespmem:s31+$0xCC20] =	vst v14;
	v14 =	vmul.f32 v1, v16;
	v16 =	vld [tilespmem:$0x1FF70]  }
0x199: {  	s13 =	smul.u32 $0x32, s1;
	s24 =	sadd.s32 $0xC, s24;
	s14 =	ssub.s32 s0, s14;
	v21 =	vmul.f32 v3, v33;
	v33 =	vmul.f32 v54, v58;
	v54 =	vld [tilespmem:$0x1FF50];
	[tilespmem:s31+$0xCC30] =	vst v0;
	v0 =	vadd.f32 v34, v49  }
0x19a: {  	s23 =	sand.u32 $0xFF, s23;
	s2 =	sshrl.u32 s2, $0x2;
	s1 =	smul.u32 $0x7000, s1;
	v34 =	vmul.f32 v1, v52;
	[tilespmem:s30+$0xCC20] =	vst v2;
	v1 =	vadd.f32 v50, v48;
	v52 =	vmul.f32 v53, v51;
	v53 =	vld [tilespmem:$0x1FF10]  }
0x19b: {  	s4 =	sshrl.u32 s18, $0x2;
	s10 =	sadd.s32 $0x9, s10;
	s12 =	sadd.s32 $0xA, s12;
	v60 =	vmul.f32 v7, v57;
	v7 =	vmul.f32 v7, v59;
	[tilespmem:s30+$0xCC10] =	vst v0;
	v12 =	vadd.f32 v12, v48  }
0x19c: {  	s3 =	ssub.s32 s22, s3;
	s24 =	sand.u32 $0xFF, s24;
	s14 =	sand.u32 $0xFF, s14;
	v57 =	vmov v51;
	v29 =	vmul.f32 v3, v10;
	[tilespmem:s28+$0xCC00] =	vst v1;
	v17 =	vadd.f32 v17, v48  }
0x19d: {  	s2 =	sadd.s32 $0xCC00, s2;
	s3 =	sadd.s32 $0xD, s3;
	s13 =	ssub.s32 s22, s13;
	v0 =	vadd.f32 v42, v26;
	v6 =	vmul.f32 v7, v16;
	v7 =	vmul.f32 v44, v51;
	[tilespmem:s30+$0xCC00] =	vst v12;
	v12 =	vld [tilespmem:$0x1FF60]  }
0x19e: {  	s10 =	sand.u32 $0xFF, s10;
	s12 =	sand.u32 $0xFF, s12;
	s14 =	sshll.u32 s14, $0x7;
	v2 =	vadd.f32 v52, v48;
	[tilespmem:s31+$0xCC00] =	vst v17;
	v17 =	vmul.f32 v3, v5;
	v3 =	vmul.f32 v56, v54;
	v56 =	vld [tilespmem:$0x1FF20]  }
0x19f: {  	s22 =	sshll.u32 s23, $0x7;
	s23 =	sshll.u32 s24, $0x7;
	s14 =	sadd.s32 s14, s2;
	v20 =	vmul.f32 v15, v57;
	[tilespmem:s30+$0xCC30] =	vst v0;
	v0 =	vadd.f32 v53, v49  }
0x1a0: {  	s24 =	sshrl.u32 s21, $0x2;
	s1 =	sshrl.u32 s1, $0x2;
	s10 =	sshll.u32 s10, $0x7;
	v19 =	vmov v26;
	v37 =	vmul.f32 v62, v54;
	[tilespmem:s14+$0x0] =	vst v2;
	v62 =	vadd.f32 v7, v48  }
0x1a1: {  	s13 =	sadd.s32 $0xE, s13;
	s3 =	sand.u32 $0xFF, s3;
	s21 =	sadd.s32 s10, s2;
	v26 =	vmul.f32 v9, v16;
	v36 =	vmul.f32 v4, v16;
	[tilespmem:s28+$0xCC10] =	vst v0;
	v58 =	vadd.f32 v3, v49  }
.Ltmp0:
0x1a2: {  	s12 =	sshll.u32 s12, $0x7;
	s18 =	sadd.s32 s22, s9;
	[tilespmem:s21+$0x0] =	vst v62;
	v3 =	vmul.f32 v61, v54;
	v61 =	vadd.f32 v6, v19;
	v5 =	vmul.f32 v60, v12;
	(pc) =	sbr.rel @p0 .LBB2_3-.Ltmp0, $4  }
0x1a3: {  	s7 =	sadd.s32 s23, s7;
	s13 =	sand.u32 $0xFF, s13;
	s3 =	sshll.u32 s3, $0x7;
	v63 =	vmov v16;
	v16 =	vmul.f32 v38, v54;
	[tilespmem:s14+$0x10] =	vst v58;
	v1 =	vadd.f32 v56, v55  }
0x1a4: {  	s19 =	sadd.s32 s12, s24;
	s13 =	sshll.u32 s13, $0x7;
	s12 =	sadd.s32 s3, s4;
	v4 =	vmul.f32 v27, v57;
	v59 =	vmul.f32 v41, v12;
	[tilespmem:s14+$0x30] =	vst v61;
	v60 =	vadd.f32 v5, v55  }
0x1a5: {  	s24 =	sadd.s32 s13, s1;
	s17 =	sadd.s32 $0x400, s17;
	s29 =	smov.u32 s7;
	v19 =	vmul.f32 v13, v57;
	v35 =	vmul.f32 v40, v12;
	v28 =	vadd.f32 v3, v49;
	[tilespmem:s28+$0xCC20] =	vst v1  }
0x1a6: {  	s30 =	smov.u32 s24;
	s31 =	smov.u32 s12;
	v13 =	vmul.f32 v47, v12;
	v12 =	vmul.f32 v8, v63;
	v38 =	vadd.f32 v59, v55;
	s28 =	smov.u32 s20;
	[tilespmem:s14+$0x20] =	vst v60  }
0x1a7: {  	[tilespmem:s21+$0x10] =	vst v28  }
0x1a8: {  	v15 =	vld [tilespmem:$0x1FFB0];
	[tilespmem:s21+$0x20] =	vst v38  }
0x1a9: {  	v7 =	vld [tilespmem:$0x1FF80];
	_ =	sdelay $0x3  }
0x1aa: {  	v0 =	vadd.f32 v26, v15  }
0x1ab: {  	v1 =	vadd.f32 v20, v7  }
0x1ac: {  	[tilespmem:s21+$0x30] =	vst v0  }
0x1ad: {  	v6 =	vld [tilespmem:$0x1FF90];
	[tilespmem:s19+$0xCC00] =	vst v1  }
0x1ae: {  	v5 =	vld [tilespmem:$0x1FFA0];
	_ =	sdelay $0x1  }
0x1af: {  	v53 =	vadd.f32 v36, v15  }
0x1b0: {  	v54 =	vadd.f32 v19, v7  }
0x1b1: {  	[tilespmem:s19+$0xCC30] =	vst v53;
	v51 =	vadd.f32 v37, v6  }
0x1b2: {  	[tilespmem:s18+$0xCC00] =	vst v54;
	v52 =	vadd.f32 v35, v5  }
0x1b3: {  	v55 =	vadd.f32 v16, v6;
	[tilespmem:s19+$0xCC10] =	vst v51  }
0x1b4: {  	[tilespmem:s19+$0xCC20] =	vst v52  }
0x1b5: {  	v56 =	vadd.f32 v13, v5;
	v62 =	vld [tilespmem:$0x1FF50];
	[tilespmem:s18+$0xCC10] =	vst v55  }
0x1b6: {  	v63 =	vld [tilespmem:$0x1FF60]  }
0x1b7: {  	v57 =	vadd.f32 v12, v15;
	[tilespmem:s18+$0xCC20] =	vst v56  }
0x1b8: {  	v12 =	vld [tilespmem:$0x1FF70]  }
0x1b9: {  	[tilespmem:s18+$0xCC30] =	vst v57  }
0x1ba: {  	v61 =	vld [tilespmem:$0x1FF40];
	v2 =	vmul.f32 v24, v62  }
0x1bb: {  	v58 =	vadd.f32 v4, v7;
	v3 =	vmul.f32 v25, v63  }
0x1bc: {  	v39 =	vmul.f32 v14, v63;
	v59 =	vadd.f32 v2, v6  }
0x1bd: {  	[tilespmem:s29+$0xCC00] =	vst v58;
	v4 =	vmul.f32 v22, v12;
	v9 =	vadd.f32 v3, v5  }
0x1be: {  	v35 =	vmul.f32 v17, v12;
	v42 =	vadd.f32 v39, v5;
	[tilespmem:s29+$0xCC10] =	vst v59  }
0x1bf: {  	v8 =	vmul.f32 v23, v61;
	v10 =	vadd.f32 v4, v15;
	[tilespmem:s29+$0xCC20] =	vst v9  }
0x1c0: {  	v3 =	vmul.f32 v21, v62;
	v38 =	vadd.f32 v35, v15;
	[tilespmem:s30+$0xCC20] =	vst v42  }
0x1c1: {  	v4 =	vmul.f32 v29, v63;
	v11 =	vadd.f32 v8, v7;
	[tilespmem:s29+$0xCC30] =	vst v10  }
0x1c2: {  	v36 =	vadd.f32 v3, v6;
	v3 =	vmul.f32 v34, v61;
	[tilespmem:s31+$0xCC30] =	vst v38  }
0x1c3: {  	v37 =	vadd.f32 v4, v5;
	v4 =	vmul.f32 v18, v62;
	[tilespmem:s31+$0xCC00] =	vst v11  }
0x1c4: {  	[tilespmem:s31+$0xCC10] =	vst v36;
	v40 =	vadd.f32 v3, v7;
	v3 =	vmul.f32 v31, v12  }
0x1c5: {  	[tilespmem:s31+$0xCC20] =	vst v37;
	v41 =	vadd.f32 v4, v6;
	v4 =	vmul.f32 v33, v61  }
0x1c6: {  	v43 =	vmul.f32 v32, v62;
	[tilespmem:s30+$0xCC00] =	vst v40;
	v44 =	vadd.f32 v3, v15  }
0x1c7: {  	v3 =	vmul.f32 v30, v63;
	[tilespmem:s30+$0xCC10] =	vst v41;
	v45 =	vadd.f32 v4, v7  }
0x1c8: {  	v46 =	vadd.f32 v43, v6;
	[tilespmem:s30+$0xCC30] =	vst v44  }
0x1c9: {  	v47 =	vadd.f32 v3, v5;
	s0 =	rddreg [dreg:$0x5];
	[tilespmem:s28+$0xCC00] =	vst v45  }
0x1ca: {  	[tilespmem:s28+$0xCC10] =	vst v46;
	s0 =	sadd.s32 s0, s26  }
0x1cb: {  	[tilespmem:s28+$0xCC20] =	vst v47;
	s0 =	smul.u32 $0x380, s0  }
0x1cc: {  	s1 =	rddreg [dreg:$0x6]  }
0x1cd: {  	s23 =	simm.s32 $0xCC00;
	s0 =	sadd.s32 s1, s0  }
0x1ce: {  	[hbm4b:s0+s5] =	stream.linear.scatter [tilespmem:s23], [sflag:$0x3], $0x1900, $0x38;
	[tilespmem:$0x13D00] =	vst v63  }
0x1cf: {  	s2 =	simm.s32 $0xE800;
	s24 =	sadd.s32 $0x380, s0  }
0x1d0: {  	[hbm4b:s24+s5] =	stream.linear.scatter [tilespmem:s2], [sflag:$0x3], $0x1900, $0x38;
	[tilespmem:$0x13D00] =	vst v63  }
0x1d1: {  	s3 =	simm.s32 $0x10400;
	s2 =	sadd.s32 $0x700, s0  }
0x1d2: {  	[hbm4b:s2+s5] =	stream.linear.scatter [tilespmem:s3], [sflag:$0x3], $0x1900, $0x38;
	[tilespmem:$0x13D00] =	vst v63  }
0x1d3: {  	s4 =	simm.s32 $0x12000;
	s7 =	rddreg [dreg:$0x8];
	s0 =	sadd.s32 $0xA80, s0  }
0x1d4: {  	[hbm4b:s0+s5] =	stream.linear.scatter [tilespmem:s4], [sflag:$0x3], $0x1900, $0x38;
	[tilespmem:$0x13D00] =	vst v63  }
0x1d5: {  	s0 =	sadd.s32 s26, s7  }
0x1d6: {  	_ =	swait.ge [sflag:s15], $0x6400;
	s0 =	smin.u32 s0, $0x3FFC  }
0x1d7: {  	[sflag:s15] =	ssyncset.done $0x0;
	s0 =	sshll.u32 s0, $0x4  }
0x1d8: {  	[sflag:s15] =	ssyncadd.s32 $0xFFFF9C00;
	s0 =	sadd.s32 s8, s0  }
0x1d9: {  	[tilespmem:s5], [sflag:$0x3] =	stream.linear.gather [hbm4b:s0+s5], $0x200, $0x38;
	[tilespmem:$0x13D00] =	vst v63  }
0x1da: {  	_ =	swait.ge [sflag:s15], $0x200  }
0x1db: {  	[sflag:s15] =	ssyncset.done $0x0  }
0x1dc: {  	s31 =	smov.u32 s8;
	s8 =	simm.s32 $0x400;
	[sflag:s15] =	ssyncadd.s32 $0xFFFFFE00  }
0x1dd: {  	[tilespmem:s8], [sflag:$0x1] =	stream.indirect.gather [hbm4b:s6+s16], $0x80, s5, s16, $0xb8;
	[tilespmem:$0x13D00] =	vst v63  }
0x1de: {  	s9 =	simm.s32 $0x80;
	s10 =	simm.s32 $0x1D00  }
0x1df: {  	[tilespmem:s10], [sflag:$0x1] =	stream.indirect.gather [hbm4b:s6+s16], $0x80, s9, s16, $0xb8;
	[tilespmem:$0x13D00] =	vst v63  }
0x1e0: {  	s12 =	simm.s32 $0x100;
	s13 =	simm.s32 $0x3600  }
0x1e1: {  	[tilespmem:s13], [sflag:$0x1] =	stream.indirect.gather [hbm4b:s6+s16], $0x80, s12, s16, $0xb8;
	[tilespmem:$0x13D00] =	vst v63  }
0x1e2: {  	s14 =	simm.s32 $0x180;
	s17 =	simm.s32 $0x4F00;
	s18 =	simm.s32 $0x2  }
0x1e3: {  	[tilespmem:s17], [sflag:$0x1] =	stream.indirect.gather [hbm4b:s6+s16], $0x80, s14, s16, $0xb8;
	[tilespmem:$0x13D00] =	vst v63  }
0x1e4: {  	_ =	swait.ge [sflag:s18], $0x6400  }
0x1e5: {  	[sflag:s18] =	ssyncset.done $0x0  }
0x1e6: {  	s19 =	simm.s32 $0x6BB0;
	[sflag:s18] =	ssyncadd.s32 $0xFFFF9C00  }
0x1e7: {  	v48 =	vld [tilespmem:s19+$0xFFFFFFD0];
	_ =	sdelay $0x4  }
0x1e8: {  	[tilespmem:$0x1FE00] =	vst v48  }
0x1e9: {  	v49 =	vld [tilespmem:s19+$0xFFFFFFE0];
	_ =	sdelay $0x3  }
0x1ea: {  	v58 =	vld [tilespmem:$0x1FFC0]  }
0x1eb: {  	v59 =	vld [tilespmem:$0x1FFD0];
	[tilespmem:$0x1FE10] =	vst v49  }
0x1ec: {  	v35 =	vld [tilespmem:s19+$0xFFFFFC50]  }
0x1ed: {  	v4 =	vld [tilespmem:s19+$0xFFFFFFF0]  }
0x1ee: {  	v34 =	vld [tilespmem:s19+$0xFFFFFC60]  }
0x1ef: {  	v14 =	vld [tilespmem:s19+$0x0]  }
0x1f0: {  	v31 =	vld [tilespmem:s19+$0xFFFFFCD0]  }
0x1f1: {  	v33 =	vld [tilespmem:s19+$0xFFFFFCE0]  }
0x1f2: {  	v13 =	vld [tilespmem:s19+$0xFFFFFD50];
	[tilespmem:$0x1FE20] =	vst v4  }
0x1f3: {  	v26 =	vld [tilespmem:s19+$0xFFFFFD60]  }
0x1f4: {  	v2 =	vmul.f32 v48, v48;
	v50 =	vadd.f32 v49, v48;
	v3 =	vmul.f32 v49, v49;
	v24 =	vld [tilespmem:s19+$0xFFFFFDD0]  }
0x1f5: {  	v25 =	vld [tilespmem:s19+$0xFFFFFDE0]  }
0x1f6: {  	v2 =	vadd.f32 v3, v2;
	v1 =	vadd.f32 v4, v50;
	v3 =	vmul.f32 v4, v4;
	v21 =	vld [tilespmem:s19+$0xFFFFFE50]  }
0x1f7: {  	v4 =	vmul.f32 v35, v35;
	v5 =	vmul.f32 v34, v34;
	v22 =	vld [tilespmem:s19+$0xFFFFFE60]  }
0x1f8: {  	v18 =	vld [tilespmem:s19+$0xFFFFFED0];
	v1 =	vadd.f32 v14, v1;
	v2 =	vadd.f32 v3, v2;
	v3 =	vmul.f32 v14, v14  }
0x1f9: {  	v6 =	vmul.f32 v33, v33;
	v19 =	vld [tilespmem:s19+$0xFFFFFEE0];
	v8 =	vadd.f32 v5, v4  }
0x1fa: {  	v17 =	vld [tilespmem:s19+$0xFFFFFF50];
	v4 =	vmul.f32 v31, v31;
	v2 =	vadd.f32 v3, v2;
	v3 =	vperm.xlane v1, v58  }
0x1fb: {  	v7 =	vadd.f32 v34, v35;
	v9 =	vmul.f32 v13, v13;
	v16 =	vld [tilespmem:s19+$0xFFFFFF60];
	v5 =	vadd.f32 v33, v31  }
0x1fc: {  	v37 =	vld [tilespmem:s19+$0xFFFFFD70];
	v27 =	vadd.f32 v6, v4;
	v1 =	vadd.f32 v3, v1;
	v3 =	vperm.xlane v2, v58  }
0x1fd: {  	v32 =	vld [tilespmem:s19+$0xFFFFFDF0];
	v10 =	vadd.f32 v26, v13;
	v11 =	vmul.f32 v26, v26;
	v20 =	vmul.f32 v24, v24  }
0x1fe: {  	v29 =	vld [tilespmem:s19+$0xFFFFFE70];
	v30 =	vadd.f32 v25, v24;
	v51 =	vmul.f32 v25, v25;
	v52 =	vmul.f32 v21, v21  }
0x1ff: {  	v6 =	vld [tilespmem:s19+$0xFFFFFC70];
	v53 =	vadd.f32 v22, v21;
	v28 =	vmul.f32 v22, v22;
	v54 =	vadd.f32 v19, v18  }
0x200: {  	v38 =	vld [tilespmem:s19+$0xFFFFFE80];
	v40 =	vmul.f32 v17, v17;
	v41 =	vadd.f32 v16, v17;
	v2 =	vadd.f32 v3, v2  }
0x201: {  	v44 =	vld [tilespmem:s19+$0xFFFFFC80];
	v49 =	vmul.f32 v37, v37;
	v3 =	vadd.f32 v11, v9;
	v9 =	vadd.f32 v51, v20  }
0x202: {  	v60 =	vld [tilespmem:$0x1FFE0];
	v4 =	vperm.xlane v1, v59;
	v11 =	vadd.f32 v28, v52;
	v10 =	vadd.f32 v37, v10  }
0x203: {  	v28 =	vld [tilespmem:s19+$0xFFFFFEF0];
	v47 =	vadd.f32 v32, v30;
	v50 =	vadd.f32 v29, v53;
	v52 =	vmul.f32 v29, v29  }
0x204: {  	v7 =	vadd.f32 v6, v7;
	v46 =	vmul.f32 v6, v6;
	v1 =	vadd.f32 v4, v1  }
0x205: {  	v23 =	vperm.xlane v2, v59;
	v4 =	vld [tilespmem:s19+$0xFFFFFCF0];
	v3 =	vadd.f32 v49, v3;
	v50 =	vadd.f32 v38, v50  }
0x206: {  	v36 =	vld [tilespmem:s19+$0xFFFFFF00];
	v20 =	vmul.f32 v18, v18;
	v11 =	vadd.f32 v52, v11;
	v7 =	vadd.f32 v44, v7  }
0x207: {  	v0 =	vld [tilespmem:$0x1FFF0];
	v8 =	vadd.f32 v46, v8;
	v39 =	vperm.xlane v1, v60;
	v2 =	vadd.f32 v23, v2  }
0x208: {  	v43 =	vld [tilespmem:s19+$0xFFFFFD00];
	v23 =	vmul.f32 v19, v19;
	v51 =	vadd.f32 v28, v54;
	v57 =	vmul.f32 v28, v28  }
0x209: {  	v54 =	vmul.f32 v44, v44;
	v1 =	vadd.f32 v39, v1;
	v55 =	vperm.xlane v2, v60  }
0x20a: {  	v42 =	vadd.f32 v23, v20;
	v20 =	vmul.f32 v16, v16;
	v23 =	vld [tilespmem:s19+$0xFFFFFF70];
	v45 =	vadd.f32 v4, v5  }
0x20b: {  	v39 =	vld [tilespmem:s19+$0xFFFFFE00];
	v48 =	vmul.f32 v4, v4;
	v51 =	vadd.f32 v36, v51;
	v8 =	vadd.f32 v54, v8  }
0x20c: {  	v5 =	vperm.xlane v1, v0;
	v2 =	vadd.f32 v55, v2;
	v40 =	vadd.f32 v20, v40  }
0x20d: {  	v42 =	vadd.f32 v57, v42;
	v57 =	vperm.xlane v7, v58;
	v45 =	vadd.f32 v43, v45  }
0x20e: {  	v27 =	vadd.f32 v48, v27;
	v48 =	vmul.f32 v43, v43;
	v54 =	vperm.xlane v8, v58  }
0x20f: {  	v1 =	vadd.f32 v5, v1;
	v30 =	vperm.xlane v2, v0;
	v7 =	vadd.f32 v57, v7  }
0x210: {  	v41 =	vadd.f32 v23, v41;
	v53 =	vmul.f32 v23, v23;
	v47 =	vadd.f32 v39, v47  }
0x211: {  	v5 =	vld [tilespmem:s19+$0xFFFFFD80];
	v27 =	vadd.f32 v48, v27;
	v48 =	vperm.xlane v45, v58;
	v8 =	vadd.f32 v54, v8  }
0x212: {  	v20 =	vmul.f32 $1.562500000e-02, v1;
	v56 =	vadd.f32 v30, v2;
	v2 =	vmul.f32 v32, v32  }
0x213: {  	v57 =	vperm.xlane v7, v59;
	v45 =	vadd.f32 v48, v45;
	v48 =	vperm.xlane v27, v58  }
0x214: {  	v40 =	vadd.f32 v53, v40;
	v1 =	vmul.f32 $1.562500000e-02, v56;
	v30 =	vmul.f32 v20, v20  }
0x215: {  	v2 =	vadd.f32 v2, v9;
	v9 =	vmul.f32 v39, v39;
	v56 =	vmul.f32 v36, v36  }
0x216: {  	v10 =	vadd.f32 v5, v10;
	v49 =	vmul.f32 v5, v5;
	v1 =	vsub.f32 v1, v30  }
0x217: {  	v7 =	vadd.f32 v57, v7;
	v54 =	vperm.xlane v45, v59;
	v27 =	vadd.f32 v48, v27;
	v30 =	vld [tilespmem:s19+$0xFFFFFF80]  }
0x218: {  	v3 =	vadd.f32 v49, v3;
	v49 =	vperm.xlane v10, v58;
	v1 =	vadd.f32 $9.999999740e-06, v1  }
0x219: {  	v2 =	vadd.f32 v9, v2;
	v9 =	vperm.xlane v47, v58;
	v42 =	vadd.f32 v56, v42  }
0x21a: {  	v10 =	vadd.f32 v49, v10;
	v49 =	vperm.xlane v3, v58;
	v55 =	vshra.s32 v1, $0x1  }
0x21b: {  	v1 =	vmul.f32 $5.000000000e-01, v1;
	v52 =	vsub.s32 $0x5F3759DF, v55;
	v55 =	vmul.f32 v38, v38  }
0x21c: {  	v45 =	vadd.f32 v54, v45;
	v41 =	vadd.f32 v30, v41;
	v53 =	vmul.f32 v30, v30  }
0x21d: {  	v3 =	vadd.f32 v49, v3;
	v46 =	vmul.f32 v52, v1;
	v11 =	vadd.f32 v55, v11  }
0x21e: {  	v55 =	vperm.xlane v50, v58;
	v40 =	vadd.f32 v53, v40;
	v53 =	vperm.xlane v41, v58  }
0x21f: {  	v9 =	vadd.f32 v9, v47;
	v57 =	vperm.xlane v3, v59;
	v46 =	vmul.f32 v52, v46  }
0x220: {  	v50 =	vadd.f32 v55, v50;
	v55 =	vperm.xlane v11, v58;
	v41 =	vadd.f32 v53, v41  }
0x221: {  	v53 =	vperm.xlane v40, v58;
	v3 =	vadd.f32 v57, v3;
	v46 =	vsub.f32 $1.500000000e+00, v46  }
0x222: {  	v48 =	vperm.xlane v50, v59;
	v11 =	vadd.f32 v55, v11;
	v55 =	vperm.xlane v8, v59  }
0x223: {  	v40 =	vadd.f32 v53, v40;
	v53 =	vperm.xlane v27, v59;
	v46 =	vmul.f32 v52, v46  }
0x224: {  	v52 =	vperm.xlane v51, v58;
	v48 =	vadd.f32 v48, v50;
	v50 =	vperm.xlane v11, v59  }
0x225: {  	v8 =	vadd.f32 v55, v8;
	v54 =	vperm.xlane v40, v59;
	v55 =	vperm.xlane v45, v60  }
0x226: {  	v27 =	vadd.f32 v53, v27;
	v56 =	vmul.f32 v46, v1;
	v51 =	vadd.f32 v52, v51  }
0x227: {  	v52 =	vperm.xlane v42, v58;
	v11 =	vadd.f32 v50, v11;
	v40 =	vadd.f32 v54, v40  }
0x228: {  	v45 =	vadd.f32 v55, v45;
	v54 =	vperm.xlane v27, v60;
	v47 =	vmul.f32 v56, v46  }
0x229: {  	v56 =	vperm.xlane v2, v58;
	v49 =	vperm.xlane v51, v59;
	v42 =	vadd.f32 v52, v42  }
0x22a: {  	v52 =	vperm.xlane v41, v59;
	v27 =	vadd.f32 v54, v27;
	v47 =	vsub.f32 $1.500000000e+00, v47  }
0x22b: {  	v55 =	vperm.xlane v45, v0;
	v2 =	vadd.f32 v56, v2;
	v49 =	vadd.f32 v49, v51  }
0x22c: {  	v51 =	vperm.xlane v42, v59;
	v41 =	vadd.f32 v52, v41;
	v52 =	vperm.xlane v7, v60  }
0x22d: {  	v45 =	vadd.f32 v55, v45;
	v58 =	vmul.f32 v47, v46;
	v46 =	vperm.xlane v10, v59  }
0x22e: {  	v47 =	vperm.xlane v9, v59;
	v50 =	vperm.xlane v49, v60;
	v42 =	vadd.f32 v51, v42  }
0x22f: {  	v7 =	vadd.f32 v52, v7;
	v51 =	vperm.xlane v41, v60;
	v52 =	vperm.xlane v8, v60  }
0x230: {  	v1 =	vmul.f32 v58, v1;
	v10 =	vadd.f32 v46, v10;
	v9 =	vadd.f32 v47, v9  }
0x231: {  	v47 =	vperm.xlane v2, v59;
	v59 =	vperm.xlane v48, v60;
	v49 =	vadd.f32 v50, v49  }
0x232: {  	v50 =	vperm.xlane v42, v60;
	v41 =	vadd.f32 v51, v41;
	v51 =	vperm.xlane v7, v0  }
0x233: {  	v8 =	vadd.f32 v52, v8;
	v52 =	vperm.xlane v40, v60;
	v1 =	vmul.f32 v1, v58  }
0x234: {  	v53 =	vperm.xlane v10, v60;
	v57 =	vperm.xlane v9, v60;
	v2 =	vadd.f32 v47, v2  }
0x235: {  	v47 =	vadd.f32 v59, v48;
	v59 =	vperm.xlane v11, v60;
	v42 =	vadd.f32 v50, v42  }
0x236: {  	v40 =	vadd.f32 v52, v40;
	v7 =	vadd.f32 v51, v7;
	v51 =	vperm.xlane v8, v0  }
0x237: {  	v52 =	vperm.xlane v27, v0;
	v1 =	vsub.f32 $1.500000000e+00, v1;
	v10 =	vadd.f32 v53, v10  }
0x238: {  	v53 =	vperm.xlane v3, v60;
	v9 =	vadd.f32 v57, v9;
	v57 =	vperm.xlane v2, v60  }
0x239: {  	v11 =	vadd.f32 v59, v11;
	v59 =	vperm.xlane v49, v0;
	v60 =	vperm.xlane v41, v0  }
0x23a: {  	v56 =	vperm.xlane v42, v0;
	v7 =	vmul.f32 $1.562500000e-02, v7;
	v8 =	vadd.f32 v51, v8  }
0x23b: {  	v51 =	vmul.f32 $1.562500000e-02, v45;
	v27 =	vadd.f32 v52, v27;
	v54 =	vperm.xlane v10, v0  }
0x23c: {  	v3 =	vadd.f32 v53, v3;
	v53 =	vperm.xlane v9, v0;
	v2 =	vadd.f32 v57, v2  }
0x23d: {  	v57 =	vperm.xlane v47, v0;
	v55 =	vperm.xlane v11, v0;
	v41 =	vadd.f32 v60, v41  }
0x23e: {  	v60 =	vperm.xlane v40, v0;
	v8 =	vmul.f32 $1.562500000e-02, v8;
	v35 =	vsub.f32 v35, v7  }
0x23f: {  	v27 =	vmul.f32 $1.562500000e-02, v27;
	v34 =	vsub.f32 v34, v7;
	v6 =	vsub.f32 v6, v7  }
0x240: {  	v10 =	vadd.f32 v54, v10;
	v54 =	vperm.xlane v3, v0;
	v9 =	vadd.f32 v53, v9  }
0x241: {  	v53 =	vperm.xlane v2, v0;
	v46 =	vadd.f32 v57, v47;
	v47 =	vadd.f32 v59, v49  }
0x242: {  	v40 =	vadd.f32 v60, v40;
	v50 =	vmul.f32 $1.562500000e-02, v10;
	v3 =	vadd.f32 v54, v3  }
0x243: {  	v49 =	vmul.f32 $1.562500000e-02, v9;
	v2 =	vadd.f32 v53, v2;
	v48 =	vmul.f32 $1.562500000e-02, v46  }
0x244: {  	v47 =	vmul.f32 $1.562500000e-02, v47;
	v53 =	vadd.f32 v55, v11;
	v54 =	vmul.f32 v7, v7  }
0x245: {  	v55 =	vadd.f32 v56, v42;
	v56 =	vmul.f32 v51, v51;
	v46 =	vmul.f32 $1.562500000e-02, v41  }
0x246: {  	v4 =	vsub.f32 v4, v51;
	v40 =	vmul.f32 $1.562500000e-02, v40;
	v3 =	vmul.f32 $1.562500000e-02, v3  }
0x247: {  	v7 =	vsub.f32 v44, v7;
	v59 =	vmul.f32 v50, v50;
	v2 =	vmul.f32 $1.562500000e-02, v2  }
0x248: {  	v8 =	vsub.f32 v8, v54;
	v60 =	vmul.f32 v49, v49;
	v9 =	vmul.f32 $1.562500000e-02, v53  }
0x249: {  	v27 =	vsub.f32 v27, v56;
	v52 =	vmul.f32 v48, v48;
	v53 =	vmul.f32 $1.562500000e-02, v55  }
0x24a: {  	v54 =	vmul.f32 v47, v47;
	v3 =	vsub.f32 v3, v59;
	v2 =	vsub.f32 v2, v60  }
0x24b: {  	v41 =	vmul.f32 v46, v46;
	v9 =	vsub.f32 v9, v52;
	v8 =	vadd.f32 $9.999999740e-06, v8  }
0x24c: {  	v45 =	vmul.f32 v1, v58;
	v55 =	vsub.f32 v53, v54;
	v56 =	vadd.f32 $9.999999740e-06, v27  }
0x24d: {  	v57 =	vsub.f32 v40, v41;
	v27 =	vshra.s32 v8, $0x1;
	v3 =	vadd.f32 $9.999999740e-06, v3  }
0x24e: {  	v2 =	vadd.f32 $9.999999740e-06, v2;
	v8 =	vmul.f32 $5.000000000e-01, v8;
	v9 =	vadd.f32 $9.999999740e-06, v9  }
0x24f: {  	v1 =	vadd.f32 $9.999999740e-06, v55;
	v58 =	vshra.s32 v56, $0x1;
	v10 =	vmul.f32 $5.000000000e-01, v56  }
0x250: {  	v11 =	vadd.f32 $9.999999740e-06, v57;
	v27 =	vsub.s32 $0x5F3759DF, v27;
	v40 =	vsub.s32 $0x5F3759DF, v58  }
0x251: {  	v59 =	vshra.s32 v3, $0x1;
	v3 =	vmul.f32 $5.000000000e-01, v3;
	v60 =	vshra.s32 v2, $0x1  }
0x252: {  	v2 =	vmul.f32 $5.000000000e-01, v2;
	v52 =	vshra.s32 v9, $0x1;
	v9 =	vmul.f32 $5.000000000e-01, v9  }
0x253: {  	v53 =	vshra.s32 v1, $0x1;
	v1 =	vmul.f32 $5.000000000e-01, v1;
	v0 =	vmul.f32 v27, v8  }
0x254: {  	v54 =	vshra.s32 v11, $0x1;
	v11 =	vmul.f32 $5.000000000e-01, v11;
	v41 =	vsub.s32 $0x5F3759DF, v59  }
0x255: {  	v42 =	vsub.s32 $0x5F3759DF, v60;
	v60 =	vmul.f32 v40, v10;
	v55 =	vmul.f32 v27, v0  }
0x256: {  	v52 =	vsub.s32 $0x5F3759DF, v52;
	v57 =	vmul.f32 v41, v3;
	v58 =	vmul.f32 v42, v2  }
0x257: {  	v53 =	vsub.s32 $0x5F3759DF, v53;
	v0 =	vmul.f32 v52, v9;
	v56 =	vmul.f32 v40, v60  }
0x258: {  	v60 =	vmul.f32 v53, v1;
	v55 =	vsub.f32 $1.500000000e+00, v55;
	v57 =	vmul.f32 v41, v57  }
0x259: {  	v54 =	vsub.s32 $0x5F3759DF, v54;
	v58 =	vmul.f32 v42, v58;
	v0 =	vmul.f32 v52, v0  }
0x25a: {  	v56 =	vsub.f32 $1.500000000e+00, v56;
	v27 =	vmul.f32 v27, v55;
	v55 =	vmul.f32 v54, v11  }
0x25b: {  	v59 =	vmul.f32 v53, v60;
	v57 =	vsub.f32 $1.500000000e+00, v57;
	v58 =	vsub.f32 $1.500000000e+00, v58  }
0x25c: {  	v40 =	vmul.f32 v40, v56;
	v56 =	vsub.f32 $1.500000000e+00, v0;
	v55 =	vmul.f32 v54, v55  }
0x25d: {  	v59 =	vsub.f32 $1.500000000e+00, v59;
	v41 =	vmul.f32 v41, v57;
	v60 =	vmul.f32 v27, v8  }
0x25e: {  	v26 =	vsub.f32 v26, v50;
	v42 =	vmul.f32 v42, v58;
	v0 =	vmul.f32 v40, v10  }
0x25f: {  	v37 =	vsub.f32 v37, v50;
	v52 =	vmul.f32 v52, v56;
	v53 =	vmul.f32 v53, v59  }
0x260: {  	v55 =	vsub.f32 $1.500000000e+00, v55;
	v57 =	vmul.f32 v60, v27;
	v58 =	vmul.f32 v42, v2  }
0x261: {  	v5 =	vsub.f32 v5, v50;
	v60 =	vmul.f32 v0, v40;
	v59 =	vmul.f32 v52, v9  }
0x262: {  	v54 =	vmul.f32 v54, v55;
	v0 =	vsub.f32 $1.500000000e+00, v57;
	v57 =	vmul.f32 v41, v3  }
0x263: {  	v58 =	vmul.f32 v58, v42;
	v56 =	vsub.f32 $1.500000000e+00, v60;
	v60 =	vmul.f32 v53, v1  }
0x264: {  	v21 =	vsub.f32 v21, v48;
	v59 =	vmul.f32 v59, v52;
	v27 =	vmul.f32 v0, v27  }
0x265: {  	v0 =	vmul.f32 v54, v11;
	v57 =	vmul.f32 v57, v41;
	v58 =	vsub.f32 $1.500000000e+00, v58  }
0x266: {  	v40 =	vmul.f32 v56, v40;
	v55 =	vmul.f32 v60, v53;
	v59 =	vsub.f32 $1.500000000e+00, v59  }
0x267: {  	v57 =	vsub.f32 $1.500000000e+00, v57;
	v8 =	vmul.f32 v27, v8;
	v56 =	vmul.f32 v0, v54  }
0x268: {  	v60 =	vsub.f32 v39, v49;
	v42 =	vmul.f32 v58, v42;
	v52 =	vmul.f32 v59, v52  }
0x269: {  	v55 =	vsub.f32 $1.500000000e+00, v55;
	v10 =	vmul.f32 v40, v10;
	v41 =	vmul.f32 v57, v41  }
0x26a: {  	v8 =	vmul.f32 v8, v27;
	v56 =	vsub.f32 $1.500000000e+00, v56;
	v2 =	vmul.f32 v42, v2  }
0x26b: {  	v59 =	vsub.f32 v24, v49;
	v53 =	vmul.f32 v55, v53;
	v9 =	vmul.f32 v52, v9  }
0x26c: {  	v24 =	vsub.f32 v25, v49;
	v10 =	vmul.f32 v10, v40;
	v54 =	vmul.f32 v56, v54  }
0x26d: {  	v8 =	vsub.f32 $1.500000000e+00, v8;
	v3 =	vmul.f32 v41, v3;
	v2 =	vmul.f32 v2, v42  }
0x26e: {  	s20 =	simm.s32 $0xFFFFFFF8;
	v1 =	vmul.f32 v53, v1;
	v9 =	vmul.f32 v9, v52;
	v10 =	vsub.f32 $1.500000000e+00, v10  }
0x26f: {  	s0 =	smul.u32 $0x29, s20;
	v8 =	vmul.f32 v8, v27;
	v27 =	vsub.f32 v31, v51;
	v11 =	vmul.f32 v54, v11  }
0x270: {  	v3 =	vmul.f32 v3, v41;
	v2 =	vsub.f32 $1.500000000e+00, v2;
	v1 =	vmul.f32 v1, v53  }
0x271: {  	s21 =	sadd.s32 $0x171, s0;
	v31 =	vsub.f32 v33, v51;
	v10 =	vmul.f32 v10, v40;
	v11 =	vmul.f32 v11, v54  }
0x272: {  	s22 =	sadd.s32 $0x19A, s0;
	s3 =	sadd.s32 $0x267, s0;
	s4 =	sadd.s32 $0x1C3, s0;
	v9 =	vsub.f32 $1.500000000e+00, v9;
	v2 =	vmul.f32 v2, v42;
	v35 =	vmul.f32 v8, v35  }
0x273: {  	s7 =	sadd.s32 $0x1EC, s0;
	s3 =	sshrl.u32 s3, $0xB;
	s1 =	sshrl.u32 s21, $0xB;
	v3 =	vsub.f32 $1.500000000e+00, v3;
	v58 =	vmul.f32 v8, v34;
	v6 =	vmul.f32 v8, v6  }
0x274: {  	s2 =	sshrl.u32 s22, $0xB;
	s7 =	sshrl.u32 s7, $0xB;
	s1 =	sand.u32 $0x1F, s1;
	v7 =	vmul.f32 v8, v7;
	v1 =	vsub.f32 $1.500000000e+00, v1;
	v9 =	vmul.f32 v9, v52  }
0x275: {  	s4 =	sshrl.u32 s4, $0xB;
	s7 =	sand.u32 $0x1F, s7;
	s24 =	smul.u32 $0x32, s1;
	v57 =	vsub.f32 v13, v50;
	v27 =	vmul.f32 v10, v27;
	v3 =	vmul.f32 v3, v41  }
0x276: {  	s3 =	sand.u32 $0x1F, s3;
	s2 =	sand.u32 $0x1F, s2;
	s21 =	smul.u32 $0x32, s7;
	v25 =	vsub.f32 v32, v49;
	v49 =	vmul.f32 v10, v31;
	v1 =	vmul.f32 v1, v53  }
0x277: {  	s7 =	smul.u32 $0x7000, s7;
	s9 =	sadd.s32 $0x215, s0;
	s10 =	sadd.s32 $0x23E, s0;
	v56 =	vsub.f32 v43, v51;
	v0 =	vmul.f32 v3, v57;
	v41 =	vmul.f32 v3, v26  }
0x278: {  	s0 =	sadd.s32 $0x148, s0;
	s9 =	sshrl.u32 s9, $0xB;
	s12 =	smul.u32 $0x32, s3;
	v50 =	vmul.f32 v3, v37;
	v3 =	vmul.f32 v3, v5;
	v5 =	vsub.f32 v18, v47  }
0x279: {  	s10 =	sshrl.u32 s10, $0xB;
	s8 =	sshrl.u32 s0, $0xB;
	s3 =	smul.u32 $0x7000, s3;
	v4 =	vmul.f32 v10, v4;
	v10 =	vmul.f32 v10, v56;
	v11 =	vsub.f32 $1.500000000e+00, v11  }
0x27a: {  	s7 =	sshrl.u32 s7, $0x2;
	s1 =	sand.u32 $0x1F, s9;
	s13 =	smul.u32 $0x32, s2;
	v53 =	vsub.f32 v16, v46;
	v16 =	vsub.f32 v23, v46;
	v23 =	vmul.f32 v1, v5;
	v5 =	vld [tilespmem:$0x1FE00]  }
0x27b: {  	s0 =	sand.u32 $0x1F, s10;
	s2 =	smul.u32 $0x7000, s2;
	s12 =	ssub.s32 $0xFFFFFFF8, s12;
	v22 =	vsub.f32 v22, v48;
	v8 =	vmul.f32 v2, v59;
	v42 =	vmul.f32 v2, v24  }
0x27c: {  	s17 =	sand.u32 $0x1F, s4;
	s3 =	sshrl.u32 s3, $0x2;
	s12 =	sadd.s32 $0xF, s12;
	v29 =	vsub.f32 v29, v48;
	v51 =	vmul.f32 v2, v25;
	v11 =	vmul.f32 v11, v54  }
0x27d: {  	s14 =	sand.u32 $0x1F, s8;
	s20 =	ssub.s32 $0xFFFFFFF8, s13;
	s23 =	sand.u32 $0xFF, s12;
	v31 =	vsub.f32 v17, v46;
	v2 =	vmul.f32 v2, v60;
	v6 =	vmul.f32 v6, v63  }
0x27e: {  	s10 =	sadd.s32 $0xA, s20;
	s4 =	sshll.u32 s23, $0x7;
	s23 =	smul.u32 $0x32, s14;
	v7 =	vmul.f32 v7, v12;
	v54 =	vsub.f32 v14, v20;
	v14 =	vmul.f32 v11, v16;
	v16 =	vld [tilespmem:$0x1FF80]  }
0x27f: {  	s2 =	sshrl.u32 s2, $0x2;
	s10 =	sand.u32 $0xFF, s10;
	s19 =	smul.u32 $0x32, s17;
	v52 =	vmul.f32 v9, v21;
	v24 =	vmul.f32 v9, v22;
	v5 =	vsub.f32 v5, v20  }
0x280: {  	s10 =	sshll.u32 s10, $0x7;
	s26 =	sadd.s32 s4, s3;
	s3 =	smul.u32 $0x7000, s14;
	v25 =	vmul.f32 v9, v29;
	v4 =	vmul.f32 v4, v63;
	v26 =	vsub.f32 v38, v48  }
0x281: {  	s9 =	ssub.s32 $0xFFFFFFF8, s19;
	s19 =	sadd.s32 s10, s2;
	s2 =	ssub.s32 $0x0, s23;
	v55 =	vld [tilespmem:$0x1FE10];
	v18 =	vsub.f32 v19, v47;
	v33 =	vmul.f32 v45, v5;
	v5 =	vmul.f32 v35, v61  }
0x282: {  	s22 =	smul.u32 $0x32, s1;
	s3 =	sshrl.u32 s3, $0x2;
	s2 =	sand.u32 $0xFF, s2;
	v19 =	vsub.f32 v28, v47;
	v28 =	vsub.f32 v36, v47;
	v57 =	vmul.f32 v58, v62  }
0x283: {  	s1 =	smul.u32 $0x7000, s1;
	s3 =	sadd.s32 $0xCC00, s3;
	s2 =	sshll.u32 s2, $0x7;
	v13 =	vld [tilespmem:$0x1FF90];
	v58 =	vmul.f32 v27, v61;
	v22 =	vmul.f32 v9, v26;
	v5 =	vadd.f32 v5, v16  }
0x284: {  	s8 =	smul.u32 $0x7000, s17;
	s18 =	ssub.s32 $0xFFFFFFF8, s24;
	s2 =	sadd.s32 s2, s3;
	v21 =	vmul.f32 v1, v18;
	v29 =	vmul.f32 v1, v19  }
0x285: {  	s20 =	ssub.s32 $0xFFFFFFF8, s22;
	s1 =	sshrl.u32 s1, $0x2;
	s4 =	sadd.s32 $0x9, s18;
	v56 =	vld [tilespmem:$0x1FE20];
	v17 =	vmul.f32 v1, v28;
	v34 =	vmul.f32 v11, v31;
	[tilespmem:s2+$0x0] =	vst v5  }
0x286: {  	s12 =	ssub.s32 $0xFFFFFFF8, s21;
	s14 =	smul.u32 $0x32, s0;
	s4 =	sand.u32 $0xFF, s4;
	v18 =	vmul.f32 v11, v53;
	v9 =	vsub.f32 v55, v20;
	v1 =	vmul.f32 v45, v54;
	v27 =	vld [tilespmem:$0x1FFA0]  }
0x287: {  	s24 =	sadd.s32 $0xC, s12;
	s0 =	smul.u32 $0x7000, s0;
	s4 =	sshll.u32 s4, $0x7;
	v26 =	vsub.f32 v30, v46;
	v37 =	vmul.f32 v41, v62;
	v36 =	vmul.f32 v3, v12  }
0x288: {  	s18 =	sshrl.u32 s8, $0x2;
	s21 =	sadd.s32 s4, s3;
	s17 =	sand.u32 $0xFF, s24;
	v32 =	vmul.f32 v45, v9;
	v1 =	vmul.f32 v1, v12;
	v9 =	vadd.f32 v57, v13  }
0x289: {  	s24 =	sshrl.u32 s0, $0x2;
	s0 =	simm.s32 $0x0;
	s4 =	sshll.u32 s17, $0x7;
	v59 =	vadd.f32 v7, v15;
	v19 =	vmul.f32 v8, v61;
	v31 =	vmul.f32 v11, v26  }
0x28a: {  	s17 =	simm.s32 $0x6FB0;
	s28 =	sadd.s32 s4, s7;
	s3 =	ssub.s32 $0xFFFFFFF8, s14;
	v11 =	vsub.f32 v56, v20;
	v26 =	vmul.f32 v10, v12;
	v1 =	vadd.f32 v1, v15;
	[tilespmem:s2+$0x10] =	vst v9  }
0x28b: {  	s4 =	sadd.s32 $0xD, s20;
	s9 =	sadd.s32 $0xB, s9;
	s3 =	sadd.s32 $0xE, s3;
	v12 =	vmul.f32 v2, v12;
	v5 =	vmul.f32 v49, v62;
	[tilespmem:s2+$0x30] =	vst v59;
	v6 =	vadd.f32 v6, v27  }
0x28c: {  	s4 =	sand.u32 $0xFF, s4;
	s9 =	sand.u32 $0xFF, s9;
	s22 =	sand.u32 $0xFF, s3;
	v30 =	vmul.f32 v45, v11;
	v20 =	vmul.f32 v0, v61;
	v60 =	vadd.f32 v58, v16;
	[tilespmem:s26+$0xCC30] =	vst v1  }
0x28d: {  	s23 =	sshll.u32 s4, $0x7;
	s9 =	sshll.u32 s9, $0x7;
	v35 =	vmul.f32 v50, v63;
	v16 =	vmul.f32 v42, v62;
	v28 =	vadd.f32 v5, v13;
	[tilespmem:s2+$0x20] =	vst v6;
	s2 =	sshll.u32 s22, $0x7  }
0x28e: {  	s30 =	sadd.s32 s23, s1;
	s18 =	sadd.s32 s9, s18;
	[tilespmem:s21+$0x0] =	vst v60;
	v13 =	vmul.f32 v51, v63;
	v38 =	vadd.f32 v4, v27;
	v4 =	vmul.f32 v52, v61;
	s29 =	sadd.s32 s2, s24  }
.LBB2_5:
0x28f: {  	v8 =	vld [tilespmem:s17+$0xFFFFFFD0]  }
0x290: {  	v58 =	vld [tilespmem:$0x1FFB0]  }
0x291: {  	v7 =	vld [tilespmem:$0x1FF50]  }
0x292: {  	v10 =	vld [tilespmem:$0x1FF60]  }
0x293: {  	v9 =	vld [tilespmem:s17+$0xFFFFFFE0]  }
0x294: {  	v56 =	vld [tilespmem:$0x1FF80]  }
0x295: {  	v0 =	vld [tilespmem:$0x1FF40]  }
0x296: {  	v55 =	vld [tilespmem:$0x1FF90]  }
0x297: {  	v11 =	vld [tilespmem:s17+$0xFFFFFFF0]  }
0x298: {  	v49 =	vld [tilespmem:$0x1FFA0]  }
0x299: {  	v46 =	vld [tilespmem:s17+$0xFFFFFC60]  }
0x29a: {  	v60 =	vld [tilespmem:s17+$0x0];
	[tilespmem:$0x1FD10] =	vst v4  }
0x29b: {  	[tilespmem:s21+$0x10] =	vst v28;
	v51 =	vadd.f32 v20, v56;
	v20 =	vld [tilespmem:$0x1FF70]  }
0x29c: {  	[tilespmem:s21+$0x20] =	vst v38;
	v6 =	vmul.f32 v23, v0;
	v23 =	vld [tilespmem:s17+$0xFFFFFC50]  }
0x29d: {  	v1 =	vadd.f32 v26, v58;
	[tilespmem:$0x1FCE0] =	vst v8;
	v38 =	vadd.f32 v16, v55;
	v16 =	vld [tilespmem:$0x1FFC0]  }
0x29e: {  	v39 =	vmul.f32 v32, v7;
	v32 =	vld [tilespmem:s17+$0xFFFFFED0];
	[tilespmem:$0x1FD50] =	vst v6  }
0x29f: {  	v57 =	vadd.f32 v35, v49;
	v41 =	vmul.f32 v30, v10;
	v30 =	vld [tilespmem:s17+$0xFFFFFF50];
	[tilespmem:s21+$0x30] =	vst v1  }
0x2a0: {  	v54 =	vadd.f32 v37, v55;
	v37 =	vld [tilespmem:s17+$0xFFFFFEF0];
	[tilespmem:s19+$0xCC00] =	vst v51  }
0x2a1: {  	v59 =	vadd.f32 v36, v58;
	[tilespmem:s19+$0xCC20] =	vst v57;
	v57 =	vld [tilespmem:s17+$0xFFFFFC70]  }
0x2a2: {  	[tilespmem:s19+$0xCC10] =	vst v54;
	v44 =	vld [tilespmem:s17+$0xFFFFFCD0]  }
0x2a3: {  	v6 =	vmul.f32 v21, v7;
	[tilespmem:s19+$0xCC30] =	vst v59;
	v48 =	vld [tilespmem:s17+$0xFFFFFCE0]  }
0x2a4: {  	v2 =	vmul.f32 v24, v7;
	v3 =	vmul.f32 v14, v10;
	[tilespmem:$0x1FD00] =	vst v11;
	v28 =	vld [tilespmem:s17+$0xFFFFFD50]  }
0x2a5: {  	v50 =	vmul.f32 v25, v10;
	v26 =	vld [tilespmem:s17+$0xFFFFFD60];
	[tilespmem:$0x1FD60] =	vst v6;
	v6 =	vmul.f32 v29, v10  }
0x2a6: {  	v4 =	vmul.f32 v8, v8;
	[tilespmem:$0x1FDB0] =	vst v3;
	v53 =	vld [tilespmem:s17+$0xFFFFFCF0];
	v3 =	vmul.f32 v31, v20  }
0x2a7: {  	v40 =	vmul.f32 v46, v46;
	v45 =	vadd.f32 v13, v49;
	v51 =	vld [tilespmem:s17+$0xFFFFFD70];
	[tilespmem:$0x1FD70] =	vst v6;
	v6 =	vmul.f32 v17, v20  }
0x2a8: {  	v47 =	vadd.f32 v12, v58;
	v5 =	vmul.f32 v22, v20;
	v35 =	vmul.f32 v23, v23;
	v31 =	vld [tilespmem:s17+$0xFFFFFF60];
	[tilespmem:$0x1FDC0] =	vst v3  }
0x2a9: {  	v22 =	vld [tilespmem:s17+$0xFFFFFD80];
	v3 =	vadd.f32 v9, v8;
	[tilespmem:$0x1FD80] =	vst v6;
	v6 =	vmul.f32 v34, v0;
	v34 =	vadd.f32 v19, v56  }
0x2aa: {  	[tilespmem:s18+$0xCC10] =	vst v38;
	v1 =	vadd.f32 v40, v35;
	v35 =	vld [tilespmem:s17+$0xFFFFFE60];
	v40 =	vmul.f32 v32, v32;
	v0 =	vmul.f32 v33, v0  }
0x2ab: {  	v8 =	vadd.f32 v46, v23;
	v43 =	vmul.f32 v44, v44;
	v13 =	vmul.f32 v48, v48;
	v33 =	vld [tilespmem:s17+$0xFFFFFEE0];
	[tilespmem:s18+$0xCC00] =	vst v34  }
0x2ac: {  	v27 =	vmul.f32 v28, v28;
	v12 =	vadd.f32 v26, v28;
	[tilespmem:$0x1FD90] =	vst v6;
	v6 =	vmul.f32 v18, v7;
	v38 =	vld [tilespmem:s17+$0xFFFFFDD0]  }
0x2ad: {  	v3 =	vadd.f32 v11, v3;
	v8 =	vadd.f32 v57, v8;
	v7 =	vmul.f32 v11, v11;
	v29 =	vld [tilespmem:s17+$0xFFFFFDE0];
	[tilespmem:s18+$0xCC20] =	vst v45  }
0x2ae: {  	v36 =	vld [tilespmem:s17+$0xFFFFFF70];
	v11 =	vadd.f32 v48, v44;
	v12 =	vadd.f32 v51, v12;
	[tilespmem:$0x1FDA0] =	vst v6;
	v6 =	vmul.f32 v9, v9  }
0x2af: {  	v21 =	vld [tilespmem:s17+$0xFFFFFD00];
	v42 =	vadd.f32 v60, v3;
	[tilespmem:s18+$0xCC30] =	vst v47;
	v45 =	vmul.f32 v30, v30;
	v47 =	vadd.f32 v31, v30  }
0x2b0: {  	[tilespmem:$0x1FCF0] =	vst v9;
	v34 =	vld [tilespmem:s17+$0xFFFFFE50];
	v9 =	vadd.f32 v13, v43;
	v13 =	vmul.f32 v26, v26;
	v4 =	vadd.f32 v6, v4  }
0x2b1: {  	v25 =	vld [tilespmem:s17+$0xFFFFFF80];
	v61 =	vmul.f32 v35, v35;
	v11 =	vadd.f32 v53, v11;
	v12 =	vadd.f32 v22, v12  }
0x2b2: {  	[tilespmem:$0x1FDF0] =	vst v41;
	v17 =	vld [tilespmem:$0x1FFD0];
	v41 =	vadd.f32 v33, v32;
	v3 =	vadd.f32 v7, v4;
	v7 =	vmul.f32 v60, v60  }
0x2b3: {  	[tilespmem:$0x1FD40] =	vst v5;
	v43 =	vld [tilespmem:s17+$0xFFFFFE70];
	v62 =	vmul.f32 v33, v33;
	v5 =	vadd.f32 v36, v47;
	v6 =	vmul.f32 v36, v36  }
0x2b4: {  	v11 =	vadd.f32 v21, v11;
	v3 =	vadd.f32 v7, v3;
	v7 =	vperm.xlane v42, v16  }
0x2b5: {  	[tilespmem:$0x1FDE0] =	vst v39;
	v24 =	vld [tilespmem:s17+$0xFFFFFDF0];
	v39 =	vadd.f32 v35, v34;
	v40 =	vadd.f32 v62, v40;
	v62 =	vmul.f32 v51, v51  }
0x2b6: {  	[tilespmem:$0x1FD20] =	vst v2;
	v41 =	vadd.f32 v37, v41;
	v2 =	vadd.f32 v7, v42;
	v7 =	vperm.xlane v3, v16  }
0x2b7: {  	[tilespmem:$0x1FD30] =	vst v50;
	v18 =	vld [tilespmem:$0x1FFE0];
	v19 =	vadd.f32 v25, v5;
	v50 =	vmul.f32 v38, v38;
	v10 =	vadd.f32 v29, v38  }
0x2b8: {  	v47 =	vld [tilespmem:s17+$0xFFFFFF00];
	v15 =	vmul.f32 v43, v43;
	v54 =	vperm.xlane v2, v17;
	v3 =	vadd.f32 v7, v3  }
0x2b9: {  	v7 =	vadd.f32 v13, v27;
	v13 =	vmul.f32 v29, v29;
	v27 =	vmul.f32 v34, v34  }
0x2ba: {  	v10 =	vadd.f32 v24, v10;
	v2 =	vadd.f32 v54, v2;
	v59 =	vperm.xlane v3, v17  }
0x2bb: {  	[tilespmem:$0x1FDD0] =	vst v0;
	v0 =	vld [tilespmem:$0x1FFF0];
	v13 =	vadd.f32 v13, v50;
	v27 =	vadd.f32 v61, v27;
	v50 =	vmul.f32 v31, v31  }
0x2bc: {  	v61 =	vmul.f32 v53, v53;
	v42 =	vperm.xlane v2, v18;
	v3 =	vadd.f32 v59, v3  }
0x2bd: {  	v5 =	vmul.f32 v47, v47;
	v7 =	vadd.f32 v62, v7;
	v54 =	vadd.f32 v50, v45  }
0x2be: {  	v9 =	vadd.f32 v61, v9;
	v2 =	vadd.f32 v42, v2;
	v63 =	vperm.xlane v3, v18  }
0x2bf: {  	v61 =	vmul.f32 v22, v22;
	v15 =	vadd.f32 v15, v27;
	v27 =	vadd.f32 v47, v41  }
0x2c0: {  	v59 =	vld [tilespmem:s17+$0xFFFFFC80];
	v42 =	vmul.f32 v57, v57;
	v52 =	vperm.xlane v2, v0;
	v3 =	vadd.f32 v63, v3  }
0x2c1: {  	v6 =	vadd.f32 v6, v54;
	v7 =	vadd.f32 v61, v7;
	v61 =	vperm.xlane v12, v16  }
0x2c2: {  	v63 =	vadd.f32 v43, v39;
	v2 =	vadd.f32 v52, v2;
	v50 =	vperm.xlane v3, v0  }
0x2c3: {  	v42 =	vadd.f32 v42, v1;
	v1 =	vmul.f32 v37, v37;
	v12 =	vadd.f32 v61, v12  }
0x2c4: {  	v61 =	vperm.xlane v7, v16;
	v39 =	vmul.f32 $1.562500000e-02, v2;
	v2 =	vadd.f32 v50, v3  }
0x2c5: {  	v8 =	vadd.f32 v59, v8;
	v4 =	vmul.f32 v59, v59;
	v52 =	vld [tilespmem:s17+$0xFFFFFE00];
	v1 =	vadd.f32 v1, v40  }
0x2c6: {  	v7 =	vadd.f32 v61, v7;
	v2 =	vmul.f32 $1.562500000e-02, v2;
	v45 =	vmul.f32 v39, v39  }
0x2c7: {  	v4 =	vadd.f32 v4, v42;
	v42 =	vmul.f32 v25, v25;
	v54 =	vperm.xlane v8, v16;
	v50 =	vld [tilespmem:s17+$0xFFFFFE80]  }
0x2c8: {  	v3 =	vmul.f32 v24, v24;
	v5 =	vadd.f32 v5, v1;
	v2 =	vsub.f32 v2, v45  }
0x2c9: {  	v6 =	vadd.f32 v42, v6;
	v8 =	vadd.f32 v54, v8;
	v42 =	vperm.xlane v4, v16  }
0x2ca: {  	v3 =	vadd.f32 v3, v13;
	v13 =	vmul.f32 v52, v52;
	v2 =	vadd.f32 $9.999999740e-06, v2  }
0x2cb: {  	v10 =	vadd.f32 v52, v10;
	v14 =	vperm.xlane v8, v17;
	v45 =	vmul.f32 v21, v21  }
0x2cc: {  	v62 =	vadd.f32 v50, v63;
	v63 =	vshra.s32 v2, $0x1;
	v2 =	vmul.f32 $5.000000000e-01, v2  }
0x2cd: {  	v9 =	vadd.f32 v45, v9;
	v45 =	vperm.xlane v11, v16;
	v41 =	vsub.s32 $0x5F3759DF, v63  }
0x2ce: {  	v4 =	vadd.f32 v42, v4;
	v63 =	vmul.f32 v50, v50;
	v40 =	vmul.f32 v41, v2  }
0x2cf: {  	v3 =	vadd.f32 v13, v3;
	v13 =	vperm.xlane v10, v16;
	v11 =	vadd.f32 v45, v11  }
0x2d0: {  	v15 =	vadd.f32 v63, v15;
	v63 =	vperm.xlane v62, v16;
	v40 =	vmul.f32 v41, v40  }
0x2d1: {  	v10 =	vadd.f32 v13, v10;
	v45 =	vperm.xlane v9, v16;
	v42 =	vperm.xlane v11, v17  }
0x2d2: {  	v62 =	vadd.f32 v63, v62;
	v63 =	vperm.xlane v15, v16;
	v40 =	vsub.f32 $1.500000000e+00, v40  }
0x2d3: {  	v9 =	vadd.f32 v45, v9;
	v45 =	vperm.xlane v10, v17;
	v11 =	vadd.f32 v42, v11  }
0x2d4: {  	v15 =	vadd.f32 v63, v15;
	v1 =	vmul.f32 v41, v40;
	v40 =	vperm.xlane v27, v16  }
0x2d5: {  	v10 =	vadd.f32 v45, v10;
	v61 =	vperm.xlane v62, v17;
	v41 =	vperm.xlane v19, v16  }
0x2d6: {  	v45 =	vperm.xlane v15, v17;
	v54 =	vmul.f32 v1, v2;
	v27 =	vadd.f32 v40, v27  }
0x2d7: {  	v40 =	vperm.xlane v5, v16;
	v19 =	vadd.f32 v41, v19;
	v41 =	vperm.xlane v6, v16  }
0x2d8: {  	v15 =	vadd.f32 v45, v15;
	v13 =	vmul.f32 v54, v1;
	v54 =	vperm.xlane v3, v16  }
0x2d9: {  	v63 =	vperm.xlane v27, v17;
	v16 =	vadd.f32 v40, v5;
	v40 =	vperm.xlane v19, v17  }
0x2da: {  	v5 =	vadd.f32 v14, v8;
	v8 =	vperm.xlane v4, v17;
	v6 =	vadd.f32 v41, v6  }
0x2db: {  	v41 =	vperm.xlane v9, v17;
	v13 =	vsub.f32 $1.500000000e+00, v13;
	v3 =	vadd.f32 v54, v3  }
0x2dc: {  	v27 =	vadd.f32 v63, v27;
	v14 =	vadd.f32 v40, v19;
	v40 =	vperm.xlane v5, v18  }
0x2dd: {  	v4 =	vadd.f32 v8, v4;
	v1 =	vmul.f32 v13, v1;
	v13 =	vperm.xlane v12, v17  }
0x2de: {  	v8 =	vperm.xlane v6, v17;
	v9 =	vadd.f32 v41, v9;
	v5 =	vadd.f32 v40, v5  }
0x2df: {  	v42 =	vperm.xlane v3, v17;
	v2 =	vmul.f32 v1, v2;
	v12 =	vadd.f32 v13, v12  }
0x2e0: {  	v6 =	vadd.f32 v8, v6;
	v13 =	vperm.xlane v7, v17;
	v40 =	vperm.xlane v5, v0  }
0x2e1: {  	v3 =	vadd.f32 v42, v3;
	v2 =	vmul.f32 v2, v1;
	v41 =	vperm.xlane v12, v18  }
0x2e2: {  	v7 =	vadd.f32 v13, v7;
	v13 =	vperm.xlane v10, v18;
	v5 =	vadd.f32 v40, v5  }
0x2e3: {  	v63 =	vperm.xlane v27, v18;
	v2 =	vsub.f32 $1.500000000e+00, v2;
	v12 =	vadd.f32 v41, v12  }
0x2e4: {  	v41 =	vperm.xlane v7, v18;
	v10 =	vadd.f32 v13, v10;
	v13 =	vperm.xlane v3, v18  }
0x2e5: {  	v5 =	vmul.f32 $1.562500000e-02, v5;
	v54 =	vmul.f32 v2, v1;
	v1 =	vsub.f32 v60, v39  }
0x2e6: {  	v2 =	vadd.f32 v61, v62;
	v60 =	vperm.xlane v16, v17;
	v61 =	vperm.xlane v11, v18  }
0x2e7: {  	s1 =	smul.u32 $0x29, s0;
	v27 =	vadd.f32 v63, v27;
	v62 =	vperm.xlane v4, v18;
	v63 =	vperm.xlane v12, v0  }
0x2e8: {  	v7 =	vadd.f32 v41, v7;
	v41 =	vperm.xlane v10, v0;
	v3 =	vadd.f32 v13, v3  }
0x2e9: {  	s4 =	sadd.s32 $0x267, s1;
	v46 =	vsub.f32 v46, v5;
	v57 =	vsub.f32 v57, v5;
	v1 =	vmul.f32 v54, v1  }
0x2ea: {  	s4 =	sshrl.u32 s4, $0xB;
	v42 =	vperm.xlane v2, v18;
	v16 =	vadd.f32 v60, v16;
	v60 =	vperm.xlane v14, v18  }
0x2eb: {  	s4 =	sand.u32 $0x1F, s4;
	v8 =	vadd.f32 v61, v11;
	v11 =	vperm.xlane v9, v18;
	v10 =	vadd.f32 v41, v10  }
0x2ec: {  	s13 =	smul.u32 $0x32, s4;
	v41 =	vperm.xlane v3, v0;
	v1 =	vmul.f32 v1, v20;
	v2 =	vadd.f32 v42, v2  }
0x2ed: {  	v42 =	vperm.xlane v15, v18;
	v45 =	vperm.xlane v16, v18;
	v14 =	vadd.f32 v60, v14  }
0x2ee: {  	s3 =	sadd.s32 $0x19A, s1;
	s12 =	sadd.s32 $0x23E, s1;
	s18 =	ssub.s32 s0, s13;
	v60 =	vperm.xlane v8, v0;
	v9 =	vadd.f32 v11, v9;
	v11 =	vadd.f32 v63, v12  }
0x2ef: {  	s24 =	sshrl.u32 s12, $0xB;
	s4 =	smul.u32 $0x7000, s4;
	s12 =	sadd.s32 $0xF, s18;
	v63 =	vmul.f32 $1.562500000e-02, v10;
	v3 =	vadd.f32 v41, v3;
	v1 =	vadd.f32 v1, v58  }
0x2f0: {  	s3 =	sshrl.u32 s3, $0xB;
	s13 =	sand.u32 $0xFF, s12;
	v13 =	vperm.xlane v2, v0;
	v15 =	vadd.f32 v42, v15;
	v42 =	vperm.xlane v27, v0  }
0x2f1: {  	s19 =	sand.u32 $0x1F, s3;
	s4 =	sshrl.u32 s4, $0x2;
	s3 =	sshll.u32 s13, $0x7;
	v16 =	vadd.f32 v45, v16;
	v45 =	vperm.xlane v14, v0;
	v40 =	vperm.xlane v9, v0  }
0x2f2: {  	s20 =	sadd.s32 s3, s4;
	v8 =	vadd.f32 v60, v8;
	v60 =	vperm.xlane v7, v0;
	v12 =	vmul.f32 $1.562500000e-02, v11  }
0x2f3: {  	v3 =	vmul.f32 $1.562500000e-02, v3;
	[tilespmem:s20+$0xCC30] =	vst v1;
	v1 =	vadd.f32 v62, v4;
	v4 =	vperm.xlane v6, v18  }
0x2f4: {  	v2 =	vadd.f32 v13, v2;
	v61 =	vperm.xlane v15, v0;
	v27 =	vadd.f32 v42, v27  }
0x2f5: {  	v42 =	vperm.xlane v16, v0;
	v14 =	vadd.f32 v45, v14;
	v13 =	vmul.f32 $1.562500000e-02, v8  }
0x2f6: {  	v7 =	vadd.f32 v60, v7;
	v4 =	vadd.f32 v4, v6;
	v6 =	vperm.xlane v1, v0  }
0x2f7: {  	v62 =	vmul.f32 $1.562500000e-02, v2;
	v2 =	vadd.f32 v61, v15;
	v61 =	vmul.f32 $1.562500000e-02, v27  }
0x2f8: {  	v59 =	vsub.f32 v59, v5;
	v60 =	vmul.f32 $1.562500000e-02, v14;
	v41 =	vmul.f32 v13, v13  }
0x2f9: {  	v18 =	vsub.f32 v23, v5;
	v7 =	vmul.f32 $1.562500000e-02, v7;
	v45 =	vperm.xlane v4, v0  }
0x2fa: {  	v1 =	vadd.f32 v6, v1;
	v6 =	vadd.f32 v40, v9;
	v40 =	vmul.f32 v5, v5  }
0x2fb: {  	v0 =	vadd.f32 v42, v16;
	v42 =	vmul.f32 v12, v12;
	v2 =	vmul.f32 $1.562500000e-02, v2  }
0x2fc: {  	v1 =	vmul.f32 $1.562500000e-02, v1;
	v4 =	vadd.f32 v45, v4;
	v6 =	vmul.f32 $1.562500000e-02, v6  }
0x2fd: {  	v45 =	vmul.f32 v63, v63;
	v7 =	vsub.f32 v7, v42;
	v0 =	vmul.f32 $1.562500000e-02, v0  }
0x2fe: {  	v42 =	vmul.f32 v60, v60;
	v1 =	vsub.f32 v1, v40;
	v40 =	vmul.f32 v62, v62  }
0x2ff: {  	v6 =	vsub.f32 v6, v41;
	v3 =	vsub.f32 v3, v45;
	v41 =	vmul.f32 v61, v61  }
0x300: {  	v4 =	vmul.f32 $1.562500000e-02, v4;
	v7 =	vadd.f32 $9.999999740e-06, v7;
	v2 =	vsub.f32 v2, v40  }
0x301: {  	v1 =	vadd.f32 $9.999999740e-06, v1;
	v0 =	vsub.f32 v0, v41  }
0x302: {  	v6 =	vadd.f32 $9.999999740e-06, v6;
	v4 =	vsub.f32 v4, v42  }
0x303: {  	v3 =	vadd.f32 $9.999999740e-06, v3;
	v41 =	vshra.s32 v7, $0x1;
	v7 =	vmul.f32 $5.000000000e-01, v7  }
0x304: {  	v10 =	vsub.s32 $0x5F3759DF, v41;
	v45 =	vshra.s32 v1, $0x1;
	v17 =	vmul.f32 $5.000000000e-01, v1  }
0x305: {  	v2 =	vadd.f32 $9.999999740e-06, v2;
	v0 =	vadd.f32 $9.999999740e-06, v0;
	v40 =	vshra.s32 v6, $0x1  }
0x306: {  	v16 =	vmul.f32 $5.000000000e-01, v6;
	v4 =	vadd.f32 $9.999999740e-06, v4;
	v42 =	vshra.s32 v3, $0x1  }
0x307: {  	v3 =	vmul.f32 $5.000000000e-01, v3;
	v8 =	vsub.s32 $0x5F3759DF, v45;
	v9 =	vsub.s32 $0x5F3759DF, v40  }
0x308: {  	v11 =	vsub.s32 $0x5F3759DF, v42;
	v42 =	vmul.f32 v10, v7;
	v14 =	vshra.s32 v2, $0x1  }
0x309: {  	v2 =	vmul.f32 $5.000000000e-01, v2;
	v15 =	vshra.s32 v0, $0x1;
	v6 =	vmul.f32 $5.000000000e-01, v0  }
0x30a: {  	v27 =	vshra.s32 v4, $0x1;
	v4 =	vmul.f32 $5.000000000e-01, v4;
	v40 =	vmul.f32 v8, v17  }
0x30b: {  	v41 =	vmul.f32 v9, v16;
	v45 =	vmul.f32 v11, v3;
	v14 =	vsub.s32 $0x5F3759DF, v14  }
0x30c: {  	v15 =	vsub.s32 $0x5F3759DF, v15;
	v0 =	vmul.f32 v14, v2;
	v40 =	vmul.f32 v8, v40  }
0x30d: {  	v27 =	vsub.s32 $0x5F3759DF, v27;
	v5 =	vmul.f32 v15, v6;
	v41 =	vmul.f32 v9, v41  }
0x30e: {  	v1 =	vmul.f32 v27, v4;
	v40 =	vsub.f32 $1.500000000e+00, v40;
	v0 =	vmul.f32 v14, v0  }
0x30f: {  	v42 =	vmul.f32 v10, v42;
	v5 =	vmul.f32 v15, v5;
	v41 =	vsub.f32 $1.500000000e+00, v41  }
0x310: {  	v1 =	vmul.f32 v27, v1;
	v8 =	vmul.f32 v8, v40;
	v0 =	vsub.f32 $1.500000000e+00, v0  }
0x311: {  	v45 =	vmul.f32 v11, v45;
	v9 =	vmul.f32 v9, v41;
	v5 =	vsub.f32 $1.500000000e+00, v5  }
0x312: {  	v1 =	vsub.f32 $1.500000000e+00, v1;
	v0 =	vmul.f32 v14, v0;
	v14 =	vmul.f32 v8, v17  }
0x313: {  	v5 =	vmul.f32 v15, v5;
	v20 =	vmul.f32 v9, v16  }
0x314: {  	v1 =	vmul.f32 v27, v1;
	v14 =	vmul.f32 v14, v8  }
0x315: {  	v40 =	vsub.f32 v51, v12;
	v51 =	vmul.f32 v5, v6;
	v20 =	vmul.f32 v20, v9  }
0x316: {  	v41 =	vsub.f32 v53, v13;
	v53 =	vmul.f32 v1, v4;
	v14 =	vsub.f32 $1.500000000e+00, v14  }
0x317: {  	v42 =	vsub.f32 $1.500000000e+00, v42;
	v51 =	vmul.f32 v51, v5;
	v20 =	vsub.f32 $1.500000000e+00, v20  }
0x318: {  	v45 =	vsub.f32 $1.500000000e+00, v45;
	v53 =	vmul.f32 v53, v1;
	v8 =	vmul.f32 v14, v8  }
0x319: {  	v10 =	vmul.f32 v10, v42;
	v9 =	vmul.f32 v20, v9;
	v20 =	vsub.f32 $1.500000000e+00, v51  }
0x31a: {  	v11 =	vmul.f32 v11, v45;
	v53 =	vsub.f32 $1.500000000e+00, v53;
	v17 =	vmul.f32 v8, v17  }
0x31b: {  	v27 =	vmul.f32 v10, v7;
	v5 =	vmul.f32 v20, v5  }
0x31c: {  	v1 =	vmul.f32 v53, v1;
	v17 =	vmul.f32 v17, v8  }
0x31d: {  	v16 =	vmul.f32 v9, v16;
	v6 =	vmul.f32 v5, v6  }
0x31e: {  	v27 =	vmul.f32 v27, v10;
	v4 =	vmul.f32 v1, v4;
	v17 =	vsub.f32 $1.500000000e+00, v17  }
0x31f: {  	v16 =	vmul.f32 v16, v9;
	v6 =	vmul.f32 v6, v5  }
0x320: {  	v27 =	vsub.f32 $1.500000000e+00, v27;
	v4 =	vmul.f32 v4, v1;
	v8 =	vmul.f32 v17, v8;
	v17 =	vld [tilespmem:$0x1FCE0]  }
0x321: {  	v16 =	vsub.f32 $1.500000000e+00, v16;
	v6 =	vsub.f32 $1.500000000e+00, v6  }
0x322: {  	v42 =	vmul.f32 v11, v3;
	v10 =	vmul.f32 v27, v10;
	v4 =	vsub.f32 $1.500000000e+00, v4  }
0x323: {  	v9 =	vmul.f32 v16, v9;
	v16 =	vsub.f32 v36, v60;
	v51 =	vmul.f32 v6, v5  }
0x324: {  	v1 =	vmul.f32 v4, v1;
	v4 =	vsub.f32 v30, v60;
	v6 =	vsub.f32 v31, v60  }
0x325: {  	v7 =	vmul.f32 v10, v7;
	v30 =	vsub.f32 v25, v60;
	v60 =	vsub.f32 v17, v39;
	v17 =	vld [tilespmem:$0x1FCF0]  }
0x326: {  	v38 =	vsub.f32 v38, v63;
	v19 =	vsub.f32 v26, v12;
	v45 =	vmul.f32 v0, v2  }
0x327: {  	v44 =	vsub.f32 v44, v13;
	v42 =	vmul.f32 v42, v11;
	v7 =	vmul.f32 v7, v10  }
0x328: {  	v48 =	vsub.f32 v48, v13;
	v15 =	vsub.f32 v28, v12;
	v45 =	vmul.f32 v45, v0  }
0x329: {  	v14 =	vsub.f32 $1.500000000e+00, v42;
	v7 =	vsub.f32 $1.500000000e+00, v7  }
0x32a: {  	v42 =	vsub.f32 $1.500000000e+00, v45;
	v28 =	vsub.f32 v17, v39;
	v17 =	vld [tilespmem:$0x1FD00]  }
0x32b: {  	v13 =	vsub.f32 v21, v13;
	v21 =	vsub.f32 v29, v63;
	v7 =	vmul.f32 v7, v10  }
0x32c: {  	v12 =	vsub.f32 v22, v12;
	v11 =	vmul.f32 v14, v11;
	v0 =	vmul.f32 v42, v0  }
0x32d: {  	v27 =	vsub.f32 v52, v63;
	v15 =	vmul.f32 v7, v15;
	v19 =	vmul.f32 v7, v19  }
0x32e: {  	v14 =	vsub.f32 v24, v63;
	v40 =	vmul.f32 v7, v40;
	v7 =	vmul.f32 v7, v12;
	v12 =	vld [tilespmem:$0x1FD40]  }
0x32f: {  	v3 =	vmul.f32 v11, v3;
	v2 =	vmul.f32 v0, v2;
	v39 =	vsub.f32 v17, v39;
	v17 =	vld [tilespmem:$0x1FD10]  }
0x330: {  	v20 =	vsub.f32 v34, v62;
	v34 =	vsub.f32 v35, v62  }
0x331: {  	v35 =	vsub.f32 v43, v62;
	v3 =	vmul.f32 v3, v11;
	v2 =	vmul.f32 v2, v0  }
0x332: {  	s2 =	sadd.s32 $0x171, s1;
	v63 =	vsub.f32 v50, v62;
	v44 =	vmul.f32 v9, v44;
	v62 =	vmul.f32 v9, v48  }
0x333: {  	s7 =	sadd.s32 $0x1C3, s1;
	s2 =	sshrl.u32 s2, $0xB;
	v41 =	vmul.f32 v9, v41;
	v9 =	vmul.f32 v9, v13;
	v13 =	vld [tilespmem:$0x1FD20];
	v12 =	vadd.f32 v12, v58  }
0x334: {  	s9 =	sadd.s32 $0x1EC, s1;
	s10 =	sadd.s32 $0x215, s1;
	s2 =	sand.u32 $0x1F, s2;
	v3 =	vsub.f32 $1.500000000e+00, v3;
	v17 =	vadd.f32 v17, v56  }
0x335: {  	s14 =	sadd.s32 $0x148, s1;
	s1 =	sand.u32 $0x1F, s24;
	s2 =	smul.u32 $0x32, s2;
	v2 =	vsub.f32 $1.500000000e+00, v2;
	[tilespmem:s28+$0xCC30] =	vst v12;
	v12 =	vld [tilespmem:$0x1FD60]  }
0x336: {  	s23 =	smul.u32 $0x32, s1;
	v3 =	vmul.f32 v3, v11;
	[tilespmem:s28+$0xCC00] =	vst v17;
	v17 =	vld [tilespmem:$0x1FD30]  }
0x337: {  	s10 =	sshrl.u32 s10, $0xB;
	s1 =	smul.u32 $0x7000, s1;
	v42 =	vld [tilespmem:$0x1FDC0];
	v0 =	vmul.f32 v2, v0  }
0x338: {  	s7 =	sshrl.u32 s7, $0xB;
	s8 =	sand.u32 $0x1F, s10;
	s10 =	smul.u32 $0x32, s19;
	v53 =	vmul.f32 v8, v46;
	v46 =	vmul.f32 v3, v14;
	v14 =	vld [tilespmem:$0x1FD70];
	v13 =	vadd.f32 v13, v55  }
0x339: {  	s22 =	smov.u32 s0;
	s7 =	sand.u32 $0x1F, s7;
	s21 =	smul.u32 $0x7000, s19;
	v24 =	vmul.f32 v0, v34;
	v22 =	vmul.f32 v0, v63;
	v63 =	vld [tilespmem:$0x1FD80]  }
0x33a: {  	s9 =	sshrl.u32 s9, $0xB;
	s2 =	ssub.s32 s22, s2;
	s19 =	smul.u32 $0x7000, s7;
	v34 =	vld [tilespmem:$0x1FDA0];
	[tilespmem:s28+$0xCC10] =	vst v13;
	v13 =	vmul.f32 v3, v38;
	v38 =	vmul.f32 v3, v21;
	v12 =	vadd.f32 v12, v55  }
0x33b: {  	s18 =	sand.u32 $0x1F, s9;
	s9 =	sshrl.u32 s14, $0xB;
	s14 =	smul.u32 $0x32, s8;
	v3 =	vmul.f32 v3, v27;
	v27 =	vmul.f32 v0, v20;
	v20 =	vld [tilespmem:$0x1FF40];
	v17 =	vadd.f32 v17, v49  }
0x33c: {  	s2 =	sadd.s32 $0x9, s2;
	s12 =	smul.u32 $0x32, s7;
	v32 =	vsub.f32 v32, v61;
	[tilespmem:s30+$0xCC10] =	vst v12;
	v12 =	vld [tilespmem:$0x1FD90]  }
0x33d: {  	s2 =	sand.u32 $0xFF, s2;
	s7 =	smul.u32 $0x7000, s18;
	v33 =	vsub.f32 v33, v61;
	v50 =	vsub.f32 v37, v61;
	[tilespmem:s28+$0xCC20] =	vst v17;
	v17 =	vld [tilespmem:$0x1FD50]  }
0x33e: {  	s2 =	sshll.u32 s2, $0x7;
	s0 =	sadd.s32 $0x8, s0;
	s13 =	smul.u32 $0x32, s18;
	v5 =	vsub.f32 v47, v61;
	v25 =	vmul.f32 v0, v35;
	v35 =	vld [tilespmem:$0x1FDB0];
	v0 =	vadd.f32 v63, v58  }
0x33f: {  	p0 =	slt.u32 s0, $0xC0;
	s18 =	smul.u32 $0x7000, s8;
	s8 =	sshrl.u32 s21, $0x2;
	v52 =	vmul.f32 v8, v18;
	v61 =	vmul.f32 v8, v57;
	v47 =	vld [tilespmem:$0x1FDD0];
	v14 =	vadd.f32 v14, v49  }
0x340: {  	s3 =	sand.u32 $0x1F, s9;
	s4 =	ssub.s32 s22, s10;
	s9 =	ssub.s32 s22, s12;
	v8 =	vmul.f32 v8, v59;
	v29 =	vmul.f32 v51, v50;
	v50 =	vld [tilespmem:$0x1FDE0];
	[tilespmem:s30+$0xCC30] =	vst v0;
	v0 =	vadd.f32 v34, v55  }
0x341: {  	s12 =	ssub.s32 s22, s14;
	s7 =	sshrl.u32 s7, $0x2;
	s4 =	sadd.s32 $0xA, s4;
	v23 =	vmul.f32 v51, v32;
	[tilespmem:s30+$0xCC20] =	vst v14;
	v14 =	vmul.f32 v1, v16;
	v16 =	vld [tilespmem:$0x1FF70];
	v12 =	vadd.f32 v12, v56  }
0x342: {  	s9 =	sadd.s32 $0xB, s9;
	s10 =	ssub.s32 s22, s13;
	s24 =	smul.u32 $0x32, s3;
	v18 =	vmul.f32 v1, v6;
	[tilespmem:s29+$0xCC10] =	vst v0;
	v48 =	vmul.f32 v52, v20;
	v52 =	vld [tilespmem:$0x1FDF0];
	v17 =	vadd.f32 v17, v56  }
0x343: {  	s3 =	smul.u32 $0x7000, s3;
	s12 =	sadd.s32 $0xD, s12;
	s13 =	ssub.s32 s22, s23;
	v31 =	vmul.f32 v1, v30;
	v21 =	vmul.f32 v51, v33;
	v2 =	vadd.f32 v35, v49;
	[tilespmem:s29+$0xCC00] =	vst v12;
	v12 =	vld [tilespmem:$0x1FF60]  }
0x344: {  	s23 =	sshrl.u32 s19, $0x2;
	s10 =	sadd.s32 $0xC, s10;
	s13 =	sadd.s32 $0xE, s13;
	v33 =	vmul.f32 v54, v60;
	v0 =	vadd.f32 v42, v58;
	[tilespmem:s30+$0xCC00] =	vst v17;
	v17 =	vmul.f32 v51, v5;
	v51 =	vld [tilespmem:$0x1FF50]  }
0x345: {  	s4 =	sand.u32 $0xFF, s4;
	s9 =	sand.u32 $0xFF, s9;
	s14 =	ssub.s32 s0, s24;
	v34 =	vmul.f32 v1, v4;
	[tilespmem:s29+$0xCC20] =	vst v2;
	v1 =	vadd.f32 v47, v56;
	v32 =	vmul.f32 v54, v28  }
0x346: {  	s12 =	sand.u32 $0xFF, s12;
	s3 =	sshrl.u32 s3, $0x2;
	s14 =	sand.u32 $0xFF, s14;
	[tilespmem:s29+$0xCC30] =	vst v0;
	v0 =	vadd.f32 v50, v55;
	v6 =	vmul.f32 v8, v16;
	v26 =	vmul.f32 v9, v16  }
0x347: {  	s10 =	sand.u32 $0xFF, s10;
	s3 =	sadd.s32 $0xCC00, s3;
	s14 =	sshll.u32 s14, $0x7;
	[tilespmem:s26+$0xCC00] =	vst v1;
	v2 =	vadd.f32 v48, v56;
	v36 =	vmul.f32 v7, v16;
	v30 =	vmul.f32 v54, v39  }
0x348: {  	s13 =	sand.u32 $0xFF, s13;
	s4 =	sshll.u32 s4, $0x7;
	s14 =	sadd.s32 s14, s3;
	v63 =	vmovc v16;
	v54 =	vmov v20;
	[tilespmem:s26+$0xCC10] =	vst v0;
	v1 =	vadd.f32 v52, v49;
	v5 =	vmul.f32 v61, v12  }
0x349: {  	s9 =	sshll.u32 s9, $0x7;
	s12 =	sshll.u32 s12, $0x7;
	s24 =	sshrl.u32 s18, $0x2;
	[tilespmem:s14+$0x0] =	vst v2;
	v59 =	vmul.f32 v41, v12;
	v61 =	vadd.f32 v6, v58;
	v4 =	vmul.f32 v53, v51  }
.Ltmp1:
0x34a: {  	s10 =	sshll.u32 s10, $0x7;
	s13 =	sshll.u32 s13, $0x7;
	[tilespmem:s26+$0xCC20] =	vst v1;
	v35 =	vmul.f32 v40, v12;
	v60 =	vadd.f32 v5, v49;
	v53 =	vmul.f32 v44, v20;
	(pc) =	sbr.rel @p0 .LBB2_5-.Ltmp1, $4  }
0x34b: {  	s19 =	sadd.s32 s4, s8;
	s8 =	sshrl.u32 s1, $0x2;
	s18 =	sadd.s32 s9, s23;
	[tilespmem:s14+$0x30] =	vst v61;
	v20 =	vmul.f32 v15, v20;
	v37 =	vmul.f32 v19, v51;
	v57 =	vadd.f32 v4, v55  }
0x34c: {  	s12 =	sadd.s32 s12, s24;
	s21 =	sadd.s32 s2, s3;
	s7 =	sadd.s32 s10, s7;
	[tilespmem:s14+$0x20] =	vst v60;
	v19 =	vmul.f32 v13, v54;
	v4 =	vmul.f32 v62, v51;
	v62 =	vadd.f32 v53, v56  }
0x34d: {  	s24 =	sadd.s32 s13, s8;
	s17 =	sadd.s32 $0x400, s17;
	s26 =	smov.u32 s20;
	v16 =	vmul.f32 v38, v51;
	v13 =	vmul.f32 v46, v12;
	v38 =	vadd.f32 v59, v49;
	[tilespmem:s14+$0x10] =	vst v57  }
0x34e: {  	s29 =	smov.u32 s24;
	s28 =	smov.u32 s7;
	s30 =	smov.u32 s12;
	v12 =	vmul.f32 v3, v63;
	v28 =	vadd.f32 v4, v55;
	[tilespmem:s21+$0x0] =	vst v62;
	v4 =	vmul.f32 v27, v54  }
0x34f: {  	_ = 	snop  }
0x350: {  	[tilespmem:s21+$0x10] =	vst v28  }
0x351: {  	v15 =	vld [tilespmem:$0x1FFB0];
	[tilespmem:s21+$0x20] =	vst v38  }
0x352: {  	v9 =	vld [tilespmem:$0x1FF80];
	_ =	sdelay $0x3  }
0x353: {  	v0 =	vadd.f32 v26, v15  }
0x354: {  	v1 =	vadd.f32 v20, v9  }
0x355: {  	[tilespmem:s21+$0x30] =	vst v0  }
0x356: {  	v10 =	vld [tilespmem:$0x1FF90];
	[tilespmem:s19+$0xCC00] =	vst v1  }
0x357: {  	v11 =	vld [tilespmem:$0x1FFA0];
	_ =	sdelay $0x3  }
0x358: {  	v0 =	vadd.f32 v37, v10  }
0x359: {  	v1 =	vadd.f32 v35, v11  }
0x35a: {  	[tilespmem:s19+$0xCC10] =	vst v0;
	v0 =	vadd.f32 v36, v15  }
0x35b: {  	[tilespmem:s19+$0xCC20] =	vst v1;
	v1 =	vadd.f32 v19, v9  }
0x35c: {  	[tilespmem:s19+$0xCC30] =	vst v0;
	v0 =	vadd.f32 v16, v10  }
0x35d: {  	[tilespmem:s18+$0xCC00] =	vst v1;
	v1 =	vadd.f32 v13, v11  }
0x35e: {  	v6 =	vld [tilespmem:$0x1FF50];
	[tilespmem:s18+$0xCC10] =	vst v0;
	v0 =	vadd.f32 v12, v15  }
0x35f: {  	v7 =	vld [tilespmem:$0x1FF60];
	[tilespmem:s18+$0xCC20] =	vst v1  }
0x360: {  	v8 =	vld [tilespmem:$0x1FF70];
	[tilespmem:s18+$0xCC30] =	vst v0  }
0x361: {  	v5 =	vld [tilespmem:$0x1FF40];
	_ =	sdelay $0x1  }
0x362: {  	v2 =	vmul.f32 v24, v6  }
0x363: {  	v1 =	vadd.f32 v4, v9;
	v3 =	vmul.f32 v25, v7  }
0x364: {  	v4 =	vmul.f32 v22, v8;
	v0 =	vadd.f32 v2, v10  }
0x365: {  	[tilespmem:s28+$0xCC00] =	vst v1;
	v2 =	vmul.f32 v23, v5;
	v1 =	vadd.f32 v3, v11  }
0x366: {  	v3 =	vmul.f32 v21, v6;
	[tilespmem:s28+$0xCC10] =	vst v0;
	v0 =	vadd.f32 v4, v15  }
0x367: {  	v4 =	vmul.f32 v29, v7;
	[tilespmem:s28+$0xCC20] =	vst v1;
	v1 =	vadd.f32 v2, v9  }
0x368: {  	v2 =	vmul.f32 v17, v8;
	[tilespmem:s28+$0xCC30] =	vst v0;
	v0 =	vadd.f32 v3, v10  }
0x369: {  	v3 =	vmul.f32 v34, v5;
	[tilespmem:s30+$0xCC00] =	vst v1;
	v1 =	vadd.f32 v4, v11  }
0x36a: {  	v4 =	vmul.f32 v18, v6;
	[tilespmem:s30+$0xCC10] =	vst v0;
	v0 =	vadd.f32 v2, v15  }
0x36b: {  	v2 =	vmul.f32 v14, v7;
	[tilespmem:s30+$0xCC20] =	vst v1;
	v1 =	vadd.f32 v3, v9  }
0x36c: {  	v3 =	vmul.f32 v31, v8;
	[tilespmem:s30+$0xCC30] =	vst v0;
	v0 =	vadd.f32 v4, v10  }
0x36d: {  	v4 =	vmul.f32 v33, v5;
	[tilespmem:s29+$0xCC00] =	vst v1;
	v1 =	vadd.f32 v2, v11  }
0x36e: {  	v2 =	vmul.f32 v32, v6;
	[tilespmem:s29+$0xCC10] =	vst v0;
	v0 =	vadd.f32 v3, v15  }
0x36f: {  	v3 =	vmul.f32 v30, v7;
	[tilespmem:s29+$0xCC20] =	vst v1;
	v1 =	vadd.f32 v4, v9  }
0x370: {  	[tilespmem:s29+$0xCC30] =	vst v0;
	v0 =	vadd.f32 v2, v10  }
0x371: {  	[tilespmem:s26+$0xCC00] =	vst v1;
	v1 =	vadd.f32 v3, v11  }
0x372: {  	[tilespmem:s26+$0xCC10] =	vst v0  }
0x373: {  	s0 =	smul.u32 $0x380, s25;
	[tilespmem:s26+$0xCC20] =	vst v1  }
0x374: {  	s1 =	rddreg [dreg:$0x6]  }
0x375: {  	s25 =	simm.s32 $0xCC00;
	s0 =	sadd.s32 s1, s0  }
0x376: {  	[hbm4b:s0+s5] =	stream.linear.scatter [tilespmem:s25], [sflag:$0x3], $0x1900, $0x38;
	[tilespmem:$0x13D00] =	vst v63  }
0x377: {  	s2 =	simm.s32 $0xE800;
	s26 =	sadd.s32 $0x380, s0  }
0x378: {  	[hbm4b:s26+s5] =	stream.linear.scatter [tilespmem:s2], [sflag:$0x3], $0x1900, $0x38;
	[tilespmem:$0x13D00] =	vst v63  }
0x379: {  	s11 =	sadd.s32 $0x1, s11;
	s29 =	simm.s32 $0x10400;
	s28 =	sadd.s32 $0x700, s0  }
0x37a: {  	[hbm4b:s28+s5] =	stream.linear.scatter [tilespmem:s29], [sflag:$0x3], $0x1900, $0x38;
	[tilespmem:$0x13D00] =	vst v63  }
0x37b: {  	p0 =	sne.s32 s11, $0x40;
	s30 =	simm.s32 $0x12000;
	s0 =	sadd.s32 $0xA80, s0  }
0x37c: {  	[hbm4b:s0+s5] =	stream.linear.scatter [tilespmem:s30], [sflag:$0x3], $0x1900, $0x38;
	[tilespmem:$0x13D00] =	vst v63  }
.Ltmp2:
0x37d: {  	_ =	swait.ge [sflag:s15], $0x6400;
	(pc) =	sbr.rel @p0 .LBB2_2-.Ltmp2, $4  }
0x37e: {  	v7 =	vld [tilespmem:$0x1FFC0]  }
0x37f: {  	v1 =	vld [tilespmem:$0x1FFD0]  }
0x380: {  	[sflag:s15] =	ssyncset.done $0x0;
	v2 =	vld [tilespmem:$0x1FFE0]  }
0x381: {  	v3 =	vld [tilespmem:$0x1FFF0];
	[sflag:s15] =	ssyncadd.s32 $0xFFFF9C00  }
0x382: {  	s1 =	simm.s32 $0x1  }
0x383: {  	_ =	swait.ge [sflag:s1], $0x6400  }
0x384: {  	s2 =	rddreg [dreg:$0xb]  }
0x385: {  	s0 =	rddreg [dreg:$0x9];
	s2 =	sadd.s32 $0x1, s2  }
0x386: {  	p0 =	sne.s32 s2, s0  }
.Ltmp3:
0x387: {  	_ = 	snop;
	(pc) =	sbr.rel @p0 .LBB2_1-.Ltmp3, $3  }
0x388: {  	_ =	sdelay $0x1  }
0x389: {  	[sflag:s1] =	ssyncset.done $0x0  }
0x38a: {  	[sflag:s1] =	ssyncadd.s32 $0xFFFF9C00  }
0x38b: {  	_ =	sfence.sel $0x180000  }
0x38c: {  	[bflag:$0x0] =	sbarrier.arrive $0xFFFF  }
0x38d: {  	_ =	strace $0x90000047  }
0x38e: {  	s0 =	stileid.u32;
	[bflag:$0x2] =	sbarrier.arrive $0xFFFF  }
0x38f: {  	p0 =	sne.s32 s0, $0x0;
	s0 =	rddreg [dreg:$0x4]  }
0x390: {  	s0 =	sadd.s32 @!p0 $0x100000, s0  }
0x391: {  	[sflag:s0] =	ssyncadd.tile.s32 @!p0 $0x1;
	_ =	shalt  }
.Lfunc_end2:
_tile_overlayer_lowered:
.L_overlay_start_2:
0x392: {  	(tag) =	ssettag $0x2  }
0x393: {  	s0 =	rddreg [dreg:$0x0];
	s2 =	stileid.u32  }
0x394: {  	s1 =	rddreg [dreg:$0x1];
	p0 =	sne.s32 s2, $0x0  }
0x395: {  	s3 =	rddreg [dreg:$0x2];
	[bflag:$0x3] =	sbarrier.arrive $0xFFFF;
	s2 =	simm.s32 @!p0 $0x1C03  }
0x396: {  	[timem:s3], [sflag:s2] =	dma.local @!p0 [hbm:s0], s1  }
0x397: {  	s0 =	simm.s32 @!p0 $0x3  }
0x398: {  	_ =	swait.ge @!p0 [sflag:s0], s1  }
0x399: {  	s1 =	ssub.s32 @!p0 $0x0, s1;
	[sflag:s0] =	ssyncset.done @!p0 $0x0  }
0x39a: {  	[sflag:s0] =	ssyncadd.s32 @!p0 s1  }
0x39b: {  	[bflag:$0x3] =	sbarrier.arrive $0xFFFF  }
0x39c: {  	_ =	shalt  }

</sc_bundles>
